<compile_context>
chip_gen: v7x
topology: tpu7x:2x2x1
jax: 0.10.2.dev20260603
libtpu: 0.0.44.dev20260713+nightly
codegen_flags: <defaults>
</compile_context>

<pallas_src>
import functools

import jax
import jax.numpy as jnp
from jax import lax
from jax.experimental import pallas as pl
from jax.experimental.pallas import tpu as pltpu
from jax.experimental.pallas import tpu_sc as plsc

NN = 10000
EE = 320000
RR = 4
DH = 128
NP = 10240
NC, NS = 2, 16
NW = NC * NS
EW = 10240
EP = NW * EW
KC = 128
NCH = EW // KC
BN_ = 256
MSK = (1 << 14) - 1

_mesh = plsc.VectorSubcoreMesh(
    core_axis_name="c", subcore_axis_name="s", num_cores=NC, num_subcores=NS)


NH = NP // NC
ACR = NH + KC
ECS = EP // KC // NS


@functools.partial(
    pl.kernel,
    out_type=jax.ShapeDtypeStruct((NC, NH, DH), jnp.float32),
    mesh=_mesh,
    scratch_types=[
        pltpu.VMEM((KC,), jnp.int32),
        pltpu.VMEM((KC,), jnp.int32),
        pltpu.VMEM((KC,), jnp.int32),
        pltpu.VMEM((KC,), jnp.int32),
        pltpu.VMEM((KC, DH), jnp.float32),
        pltpu.VMEM((KC, 2 * DH), jnp.float32),
        pltpu.VMEM((KC, DH), jnp.float32),
        pltpu.VMEM_SHARED((ACR, DH), jnp.float32),
        pltpu.SemaphoreType.DMA,
        pltpu.SemaphoreType.DMA,
    ],
)
def _edge_kernel(xr_hbm, gb_hbm, code_hbm, out_hbm,
                 code_v, sidx, gidx, didx, xr_v, gb_v, msg_v, acc_s,
                 sem1, sem2):
    c = lax.axis_index("c")
    s = lax.axis_index("s")
    vzero = jnp.zeros((16,), jnp.float32)

    def zfill(i, _):
        for g in range(DH // 16):
            msg_v[i, pl.ds(g * 16, 16)] = vzero
        return ()
    lax.fori_loop(0, KC, zfill, ())

    def zero(k, _):
        i = s + k * NS

        @pl.when(i < ACR // KC)
        def _():
            pltpu.sync_copy(msg_v, acc_s.at[pl.ds(i * KC, KC)])
        return ()
    lax.fori_loop(0, (ACR // KC + NS - 1) // NS, zero, ())
    plsc.subcore_barrier()

    def body(i, _):
        pltpu.sync_copy(code_hbm.at[pl.ds((s * ECS + i) * KC, KC)], code_v)

        def unpack(j, _):
            c16 = code_v[pl.ds(j * 16, 16)]
            t16 = lax.shift_right_logical(c16, 28)
            s16 = lax.shift_right_logical(c16, 14) & MSK
            d16 = c16 & MSK
            sidx[pl.ds(j * 16, 16)] = t16 * NP + s16
            gidx[pl.ds(j * 16, 16)] = t16 * NP + d16
            loc = d16 - c * NH
            didx[pl.ds(j * 16, 16)] = jnp.where(
                (loc >= 0) & (loc < NH), loc, NH)
            return ()
        lax.fori_loop(0, KC // 16, unpack, ())

        cp1 = pltpu.async_copy(xr_hbm.at[sidx], xr_v, sem1)
        cp2 = pltpu.async_copy(gb_hbm.at[gidx], gb_v, sem2)
        cp1.wait()
        cp2.wait()

        def edge(e, _):
            for g in range(DH // 16):
                xr = xr_v[e, pl.ds(g * 16, 16)]
                beta = gb_v[e, pl.ds(g * 16, 16)]
                gamma = gb_v[e, pl.ds(DH + g * 16, 16)]
                msg_v[e, pl.ds(g * 16, 16)] = jnp.maximum(
                    gamma * xr + beta, 0.0)
            return ()
        lax.fori_loop(0, KC, edge, ())
        pltpu.sync_copy(msg_v, acc_s.at[didx], add=True)
        return ()
    lax.fori_loop(0, ECS, body, ())
    plsc.subcore_barrier()

    def out(k, _):
        i = s + k * NS

        @pl.when(i < NH // KC)
        def _():
            pltpu.sync_copy(acc_s.at[pl.ds(i * KC, KC)], msg_v)
            pltpu.sync_copy(msg_v, out_hbm.at[c, pl.ds(i * KC, KC)])
        return ()
    lax.fori_loop(0, (NH // KC + NS - 1) // NS, out, ())


@functools.partial(
    pl.kernel,
    out_type=jax.ShapeDtypeStruct((NC, NH, DH), jnp.float32),
    mesh=_mesh,
    scratch_types=[
        pltpu.VMEM((KC,), jnp.int32),
        pltpu.VMEM((KC,), jnp.int32),
        pltpu.VMEM((KC, DH), jnp.float32),
        pltpu.VMEM_SHARED((ACR, DH), jnp.float32),
        pltpu.SemaphoreType.DMA,
    ],
)
def _count_kernel(code_hbm, out_hbm, code_v, didx, msg_v, acc_s, sem):
    c = lax.axis_index("c")
    s = lax.axis_index("s")
    vzero = jnp.zeros((16,), jnp.float32)
    lanes = lax.broadcasted_iota(jnp.int32, (16,), 0)

    def zfill(i, _):
        for g in range(DH // 16):
            msg_v[i, pl.ds(g * 16, 16)] = vzero
        return ()
    lax.fori_loop(0, KC, zfill, ())

    def zero(k, _):
        i = s + k * NS

        @pl.when(i < ACR // KC)
        def _():
            pltpu.sync_copy(msg_v, acc_s.at[pl.ds(i * KC, KC)])
        return ()
    lax.fori_loop(0, (ACR // KC + NS - 1) // NS, zero, ())
    plsc.subcore_barrier()

    def body(i, _):
        pltpu.sync_copy(code_hbm.at[pl.ds((s * ECS + i) * KC, KC)], code_v)

        def setrows(j, _):
            c16 = code_v[pl.ds(j * 16, 16)]
            t16 = lax.shift_right_logical(c16, 28)
            d16 = c16 & MSK
            loc = d16 - c * NH
            didx[pl.ds(j * 16, 16)] = jnp.where(
                (loc >= 0) & (loc < NH), loc, NH)
            for k in range(16):
                msg_v[j * 16 + k, pl.ds(0, 16)] = jnp.where(
                    lanes == t16[k], 1.0, 0.0).astype(jnp.float32)
            return ()
        lax.fori_loop(0, KC // 16, setrows, ())
        pltpu.sync_copy(msg_v, acc_s.at[didx], add=True)
        return ()
    lax.fori_loop(0, ECS, body, ())
    plsc.subcore_barrier()

    def out(k, _):
        i = s + k * NS

        @pl.when(i < NH // KC)
        def _():
            pltpu.sync_copy(acc_s.at[pl.ds(i * KC, KC)], msg_v)
            pltpu.sync_copy(msg_v, out_hbm.at[c, pl.ds(i * KC, KC)])
        return ()
    lax.fori_loop(0, (NH // KC + NS - 1) // NS, out, ())


def _dense_body(x_ref, w_ref, cnt_ref, xr_ref, gb_ref, skip_ref):
    y = jnp.dot(x_ref[...], w_ref[...], preferred_element_type=jnp.float32)
    cnt = cnt_ref[...]
    inv = 1.0 / jnp.maximum(cnt, 1.0)
    for r in range(RR):
        xr_ref[r] = y[:, r * DH:(r + 1) * DH]
        gb_ref[r] = (y[:, RR * DH + r * 2 * DH: RR * DH + (r + 1) * 2 * DH]
                     * inv[:, r][:, None])
    base = 3 * RR * DH
    s_lin = y[:, base:base + DH]
    bs = y[:, base + DH:base + 2 * DH]
    gs = y[:, base + 2 * DH:base + 3 * DH]
    skip_ref[...] = jnp.maximum(gs * s_lin + bs, 0.0)


_dense = pl.pallas_call(
    _dense_body,
    grid=(NP // BN_,),
    in_specs=[
        pl.BlockSpec((BN_, DH), lambda i: (i, 0)),
        pl.BlockSpec((DH, 3 * RR * DH + 3 * DH), lambda i: (0, 0)),
        pl.BlockSpec((BN_, 16), lambda i: (i, 0)),
    ],
    out_specs=[
        pl.BlockSpec((RR, BN_, DH), lambda i: (0, i, 0)),
        pl.BlockSpec((RR, BN_, 2 * DH), lambda i: (0, i, 0)),
        pl.BlockSpec((BN_, DH), lambda i: (i, 0)),
    ],
    out_shape=[
        jax.ShapeDtypeStruct((RR, NP, DH), jnp.float32),
        jax.ShapeDtypeStruct((RR, NP, 2 * DH), jnp.float32),
        jax.ShapeDtypeStruct((NP, DH), jnp.float32),
    ],
)


def _bn_body(skip_ref, p_ref, g_ref, b_ref, o_ref):
    h = skip_ref[...] + p_ref[...]
    mu = jnp.mean(h, axis=0, keepdims=True)
    var = jnp.mean(h * h, axis=0, keepdims=True) - mu * mu
    hn = g_ref[...] * (h - mu) * lax.rsqrt(var + 1e-5) + b_ref[...]
    o_ref[...] = jnp.maximum(hn, 0.0)


_bn = pl.pallas_call(
    _bn_body,
    out_shape=jax.ShapeDtypeStruct((NN, DH), jnp.float32),
)


def _add_body(skip_ref, p_ref, o_ref):
    o_ref[...] = skip_ref[...] + p_ref[...]


_add = pl.pallas_call(
    _add_body,
    out_shape=jax.ShapeDtypeStruct((NN, DH), jnp.float32),
)


def _wcat(W, F, Ws, Fs):
    return jnp.concatenate(
        [W[r] for r in range(RR)] + [F[r] for r in range(RR)] + [Ws, Fs],
        axis=1)


def kernel(x, edge_index, edge_type, W0, F0, Ws0, Fs0, bn_g, bn_b,
           W1, F1, Ws1, Fs1):
    src = edge_index[0].astype(jnp.int32)
    dst = edge_index[1].astype(jnp.int32)
    et = edge_type.astype(jnp.int32)
    code = (et << 28) | (src << 14) | dst
    code = jnp.concatenate(
        [code, jnp.full((EP - EE,), ((NP - 1) << 14) | (NP - 1), jnp.int32)])

    cnt = _count_kernel(code).reshape(NP, DH)[:, :16]

    def edge_phase(xr, gb):
        return _edge_kernel(xr.reshape(RR * NP, DH),
                            gb.reshape(RR * NP, 2 * DH), code).reshape(NP, DH)

    xpad = jnp.pad(x, ((0, NP - NN), (0, 0)))
    xr0, gb0, skip0 = _dense(xpad, _wcat(W0, F0, Ws0, Fs0), cnt)
    part0 = edge_phase(xr0, gb0)
    h = _bn(skip0[:NN], part0[:NN],
            bn_g.reshape(1, DH), bn_b.reshape(1, DH))

    hpad = jnp.pad(h, ((0, NP - NN), (0, 0)))
    xr1, gb1, skip1 = _dense(hpad, _wcat(W1, F1, Ws1, Fs1), cnt)
    part1 = edge_phase(xr1, gb1)
    return _add(skip1[:NN], part1[:NN])

# --- scband reference (transcript-rebuilt; emitter-appended) ---
"""Pipeline reference for scband-fi-lm-net-71975061946539 (READ-ONLY COPY).

The authoritative reference and input builder live on the scoring server;
editing this copy changes nothing except your own understanding.
"""

import jax, jax.numpy as jnp
import numpy as np

N = 10000
E = 320000
R = 4
DIN = 128
HID = 128
DOUT = 128


def setup_inputs(seed: int = 0) -> dict:
    key = jax.random.key(seed)
    ks = jax.random.split(key, 14)
    s_in = 1.0 / np.sqrt(DIN)
    s_hid = 1.0 / np.sqrt(HID)
    x = jax.random.normal(ks[0], (N, DIN), dtype=jnp.float32)
    edge_index = jax.random.randint(ks[1], (2, E), 0, N, dtype=jnp.int64)
    edge_type = jax.random.randint(ks[2], (E,), 0, R, dtype=jnp.int64)
    # layer 0 (in=DIN, out=HID): per-relation lin + film, plus skip lin + film
    W0 = jax.random.normal(ks[3], (R, DIN, HID), dtype=jnp.float32) * s_in
    F0 = jax.random.normal(ks[4], (R, DIN, 2 * HID), dtype=jnp.float32) * s_in
    Ws0 = jax.random.normal(ks[5], (DIN, HID), dtype=jnp.float32) * s_in
    Fs0 = jax.random.normal(ks[6], (DIN, 2 * HID), dtype=jnp.float32) * s_in
    # batchnorm after layer 0
    bn_g = jnp.ones((HID,), dtype=jnp.float32)
    bn_b = jnp.zeros((HID,), dtype=jnp.float32)
    # layer 1 (in=HID, out=DOUT)
    W1 = jax.random.normal(ks[7], (R, HID, DOUT), dtype=jnp.float32) * s_hid
    F1 = jax.random.normal(ks[8], (R, HID, 2 * DOUT), dtype=jnp.float32) * s_hid
    Ws1 = jax.random.normal(ks[9], (HID, DOUT), dtype=jnp.float32) * s_hid
    Fs1 = jax.random.normal(ks[10], (HID, 2 * DOUT), dtype=jnp.float32) * s_hid
    return {"x": x, "edge_index": edge_index, "edge_type": edge_type,
            "W0": W0, "F0": F0, "Ws0": Ws0, "Fs0": Fs0,
            "bn_g": bn_g, "bn_b": bn_b,
            "W1": W1, "F1": F1, "Ws1": Ws1, "Fs1": Fs1}


def film_conv(x, edge_index, edge_type, lin_w, film_w, skip_w, skip_f, num_rel):
    # skip connection: beta, gamma = split(film_skip(x)); out = relu(gamma * lin_skip(x) + beta)
    bs, gs = jnp.split(x @ skip_f, 2, axis=-1)
    out = jax.nn.relu(gs * (x @ skip_w) + bs)
    src = edge_index[0]
    dst = edge_index[1]
    n = x.shape[0]
    for r in range(num_rel):
        xr = x @ lin_w[r]
        beta, gamma = jnp.split(x @ film_w[r], 2, axis=-1)
        mask = (edge_type == r).astype(x.dtype)
        # message: relu(gamma_i * W_r x_j + beta_i), mean-aggregated per relation
        m = jax.nn.relu(gamma[dst] * xr[src] + beta[dst]) * mask[:, None]
        s = jax.ops.segment_sum(m, dst, num_segments=n)
        c = jax.ops.segment_sum(mask, dst, num_segments=n)
        out = out + s / jnp.maximum(c, 1.0)[:, None]
    return out


def batchnorm(x, g, b, eps=1e-5):
    mu = jnp.mean(x, axis=0)
    var = jnp.var(x, axis=0)
    return g * (x - mu) / jnp.sqrt(var + eps) + b


def reference(x, edge_index, edge_type, W0, F0, Ws0, Fs0, bn_g, bn_b, W1, F1, Ws1, Fs1):
    h = film_conv(x, edge_index, edge_type, W0, F0, Ws0, Fs0, R)
    h = jax.nn.relu(batchnorm(h, bn_g, bn_b))  # dropout p=0.0 is identity
    out = film_conv(h, edge_index, edge_type, W1, F1, Ws1, Fs1, R)
    return out

if __name__ == "__main__":
    import jax
    _d = setup_inputs()
    print(jax.jit(kernel)(*tuple(_d.values())))

</pallas_src>

<mosaic_0001>
#map = affine_map<(d0, d1) -> (0, 0)>
#map1 = affine_map<(d0, d1) -> (0)>
#map2 = affine_map<(d0, d1) -> (0, 0, 0)>
module attributes {stable_mosaic.version = 14 : i64} {
  func.func @_edge_kernel(%arg0: i32, %arg1: i32, %arg2: memref<40960x128xf32, #tpu.memory_space<hbm>>, %arg3: memref<40960x256xf32, #tpu.memory_space<hbm>>, %arg4: memref<327680xi32, #tpu.memory_space<hbm>>, %arg5: memref<2x5120x128xf32, #tpu.memory_space<hbm>>, %arg6: memref<128xi32, #tpu.memory_space<vmem>>, %arg7: memref<128xi32, #tpu.memory_space<vmem>>, %arg8: memref<128xi32, #tpu.memory_space<vmem>>, %arg9: memref<128xi32, #tpu.memory_space<vmem>>, %arg10: memref<128x128xf32, #tpu.memory_space<vmem>>, %arg11: memref<128x256xf32, #tpu.memory_space<vmem>>, %arg12: memref<128x128xf32, #tpu.memory_space<vmem>>, %arg13: memref<5248x128xf32, #tpu.memory_space<vmem_shared>>, %arg14: memref<!tpu.dma_semaphore, #tpu.memory_space<semaphore_mem>>, %arg15: memref<!tpu.dma_semaphore, #tpu.memory_space<semaphore_mem>>) attributes {dimension_semantics = [#tpu.dimension_semantics<core_parallel>, #tpu.dimension_semantics<subcore_parallel>], iteration_bounds = array<i64: 2, 16>, scalar_prefetch = 0 : i64, scratch_operands = 10 : i64, tpu.core_type = #tpu.core_type<sc_vector_subcore>, window_params = [{transform_indices = #map}, {transform_indices = #map}, {transform_indices = #map1}, {transform_indices = #map2}]} {
    %broadcast_in_dim3A = arith.constant 0.000000e+00 : f32
    %broadcast_in_dim3A_0 = vector.broadcast %broadcast_in_dim3A : f32 to vector<16xf32>
    %scan3A = arith.constant 0 : i32
    %scan3A_1 = arith.constant 128 : i32
    %scan3A_2 = arith.addi %scan3A, %scan3A_1 : i32
    %scan3A_3 = arith.constant 1 : i32
    scf.for %scan3A_21 = %scan3A to %scan3A_2 step %scan3A_3  : i32 {
      %swap3A = arith.index_cast %scan3A_21 : i32 to index
      %swap3A_22 = arith.constant 0 : index
      %swap3A_23 = tpu.vector_load %arg12[%swap3A, %swap3A_22] {strides = array<i32>} : memref<128x128xf32, #tpu.memory_space<vmem>>, vector<1x16xf32>,
      %swap3A_24 = vector.shape_cast %swap3A_23 : vector<1x16xf32> to vector<16xf32>
      %swap3A_25 = vector.shape_cast %broadcast_in_dim3A_0 : vector<16xf32> to vector<1x16xf32>
      tpu.vector_store %arg12[%swap3A, %swap3A_22], %swap3A_25 {strides = array<i32>} : memref<128x128xf32, #tpu.memory_space<vmem>>, vector<1x16xf32>,
      %swap3A_26 = arith.index_cast %scan3A_21 : i32 to index
      %swap3A_27 = arith.constant 16 : index
      %swap3A_28 = tpu.vector_load %arg12[%swap3A_26, %swap3A_27] {strides = array<i32>} : memref<128x128xf32, #tpu.memory_space<vmem>>, vector<1x16xf32>,
      %swap3A_29 = vector.shape_cast %swap3A_28 : vector<1x16xf32> to vector<16xf32>
      %swap3A_30 = vector.shape_cast %broadcast_in_dim3A_0 : vector<16xf32> to vector<1x16xf32>
      tpu.vector_store %arg12[%swap3A_26, %swap3A_27], %swap3A_30 {strides = array<i32>} : memref<128x128xf32, #tpu.memory_space<vmem>>, vector<1x16xf32>,
      %swap3A_31 = arith.index_cast %scan3A_21 : i32 to index
      %swap3A_32 = arith.constant 32 : index
      %swap3A_33 = tpu.vector_load %arg12[%swap3A_31, %swap3A_32] {strides = array<i32>} : memref<128x128xf32, #tpu.memory_space<vmem>>, vector<1x16xf32>,
      %swap3A_34 = vector.shape_cast %swap3A_33 : vector<1x16xf32> to vector<16xf32>
      %swap3A_35 = vector.shape_cast %broadcast_in_dim3A_0 : vector<16xf32> to vector<1x16xf32>
      tpu.vector_store %arg12[%swap3A_31, %swap3A_32], %swap3A_35 {strides = array<i32>} : memref<128x128xf32, #tpu.memory_space<vmem>>, vector<1x16xf32>,
      %swap3A_36 = arith.index_cast %scan3A_21 : i32 to index
      %swap3A_37 = arith.constant 48 : index
      %swap3A_38 = tpu.vector_load %arg12[%swap3A_36, %swap3A_37] {strides = array<i32>} : memref<128x128xf32, #tpu.memory_space<vmem>>, vector<1x16xf32>,
      %swap3A_39 = vector.shape_cast %swap3A_38 : vector<1x16xf32> to vector<16xf32>
      %swap3A_40 = vector.shape_cast %broadcast_in_dim3A_0 : vector<16xf32> to vector<1x16xf32>
      tpu.vector_store %arg12[%swap3A_36, %swap3A_37], %swap3A_40 {strides = array<i32>} : memref<128x128xf32, #tpu.memory_space<vmem>>, vector<1x16xf32>,
      %swap3A_41 = arith.index_cast %scan3A_21 : i32 to index
      %swap3A_42 = arith.constant 64 : index
      %swap3A_43 = tpu.vector_load %arg12[%swap3A_41, %swap3A_42] {strides = array<i32>} : memref<128x128xf32, #tpu.memory_space<vmem>>, vector<1x16xf32>,
      %swap3A_44 = vector.shape_cast %swap3A_43 : vector<1x16xf32> to vector<16xf32>
      %swap3A_45 = vector.shape_cast %broadcast_in_dim3A_0 : vector<16xf32> to vector<1x16xf32>
      tpu.vector_store %arg12[%swap3A_41, %swap3A_42], %swap3A_45 {strides = array<i32>} : memref<128x128xf32, #tpu.memory_space<vmem>>, vector<1x16xf32>,
      %swap3A_46 = arith.index_cast %scan3A_21 : i32 to index
      %swap3A_47 = arith.constant 80 : index
      %swap3A_48 = tpu.vector_load %arg12[%swap3A_46, %swap3A_47] {strides = array<i32>} : memref<128x128xf32, #tpu.memory_space<vmem>>, vector<1x16xf32>,
      %swap3A_49 = vector.shape_cast %swap3A_48 : vector<1x16xf32> to vector<16xf32>
      %swap3A_50 = vector.shape_cast %broadcast_in_dim3A_0 : vector<16xf32> to vector<1x16xf32>
      tpu.vector_store %arg12[%swap3A_46, %swap3A_47], %swap3A_50 {strides = array<i32>} : memref<128x128xf32, #tpu.memory_space<vmem>>, vector<1x16xf32>,
      %swap3A_51 = arith.index_cast %scan3A_21 : i32 to index
      %swap3A_52 = arith.constant 96 : index
      %swap3A_53 = tpu.vector_load %arg12[%swap3A_51, %swap3A_52] {strides = array<i32>} : memref<128x128xf32, #tpu.memory_space<vmem>>, vector<1x16xf32>,
      %swap3A_54 = vector.shape_cast %swap3A_53 : vector<1x16xf32> to vector<16xf32>
      %swap3A_55 = vector.shape_cast %broadcast_in_dim3A_0 : vector<16xf32> to vector<1x16xf32>
      tpu.vector_store %arg12[%swap3A_51, %swap3A_52], %swap3A_55 {strides = array<i32>} : memref<128x128xf32, #tpu.memory_space<vmem>>, vector<1x16xf32>,
      %swap3A_56 = arith.index_cast %scan3A_21 : i32 to index
      %swap3A_57 = arith.constant 112 : index
      %swap3A_58 = tpu.vector_load %arg12[%swap3A_56, %swap3A_57] {strides = array<i32>} : memref<128x128xf32, #tpu.memory_space<vmem>>, vector<1x16xf32>,
      %swap3A_59 = vector.shape_cast %swap3A_58 : vector<1x16xf32> to vector<16xf32>
      %swap3A_60 = vector.shape_cast %broadcast_in_dim3A_0 : vector<16xf32> to vector<1x16xf32>
      tpu.vector_store %arg12[%swap3A_56, %swap3A_57], %swap3A_60 {strides = array<i32>} : memref<128x128xf32, #tpu.memory_space<vmem>>, vector<1x16xf32>,
    }
    %scan3A_4 = arith.constant 128 : i32
    %scan3A_5 = arith.constant 0 : i32
    %scan3A_6 = arith.constant 3 : i32
    %scan3A_7 = arith.addi %scan3A_5, %scan3A_6 : i32
    %scan3A_8 = arith.constant 1 : i32
    scf.for %scan3A_21 = %scan3A_5 to %scan3A_7 step %scan3A_8  : i32 {
      %mul3A = arith.constant 16 : i32
      %mul3A_22 = arith.muli %scan3A_21, %mul3A : i32
      %add3A = arith.addi %arg1, %mul3A_22 : i32
      %lt3A = arith.constant 41 : i32
      %lt3A_23 = arith.cmpi slt, %add3A, %lt3A : i32
      %convert_element_type3A = arith.extui %lt3A_23 : i1 to i32
      %cond3A = arith.constant 0 : i32
      %cond3A_24 = arith.cmpi ne, %convert_element_type3A, %cond3A : i32
      scf.if %cond3A_24 {
        %mul3A_25 = arith.constant 128 : i32
        %mul3A_26 = arith.muli %add3A, %mul3A_25 : i32
        "tpu.region"() ({
          %run_scoped3A = tpu.sem_alloc : memref<!tpu.dma_semaphore, #tpu.memory_space<semaphore_mem>>
          %dma_start3A = arith.constant 0 : i32
          %dma_start3A_27 = tpu.memref_slice %arg13[%mul3A_26, %dma_start3A] : memref<5248x128xf32, #tpu.memory_space<vmem_shared>> -> memref<128x128xf32, #tpu.memory_space<vmem_shared>>
          %dma_start3A_28 = arith.constant 0 : i32
          %dma_start3A_29 = tpu.memref_slice %arg13[%mul3A_26, %dma_start3A_28] : memref<5248x128xf32, #tpu.memory_space<vmem_shared>> -> memref<128x128xf32, #tpu.memory_space<vmem_shared>>
          tpu.enqueue_dma source(%arg12 : memref<128x128xf32, #tpu.memory_space<vmem>>) target(%dma_start3A_29 : memref<128x128xf32, #tpu.memory_space<vmem_shared>>) target_semaphore(%run_scoped3A : memref<!tpu.dma_semaphore, #tpu.memory_space<semaphore_mem>>)
          %dma_wait3A = arith.constant 0 : i32
          %dma_wait3A_30 = tpu.memref_slice %arg13[%mul3A_26, %dma_wait3A] : memref<5248x128xf32, #tpu.memory_space<vmem_shared>> -> memref<128x128xf32, #tpu.memory_space<vmem_shared>>
          %dma_wait3A_31 = arith.constant 0 : i32
          %dma_wait3A_32 = tpu.memref_slice %arg13[%mul3A_26, %dma_wait3A_31] : memref<5248x128xf32, #tpu.memory_space<vmem_shared>> -> memref<128x128xf32, #tpu.memory_space<vmem_shared>>
          tpu.wait_dma2 semaphore(%run_scoped3A : memref<!tpu.dma_semaphore, #tpu.memory_space<semaphore_mem>>) src(%arg12 : memref<128x128xf32, #tpu.memory_space<vmem>>) dst(%dma_wait3A_32 : memref<128x128xf32, #tpu.memory_space<vmem_shared>>)
          tpu.yield
        }) : () -> ()
      } else {
      }
    }
    %scan3A_9 = arith.constant 3 : i32
    %barrier3A = arith.constant 0 : index
    tpu.barrier barrier_id(%barrier3A)
    %scan3A_10 = arith.constant 0 : i32
    %scan3A_11 = arith.constant 160 : i32
    %scan3A_12 = arith.addi %scan3A_10, %scan3A_11 : i32
    %scan3A_13 = arith.constant 1 : i32
    scf.for %scan3A_21 = %scan3A_10 to %scan3A_12 step %scan3A_13  : i32 {
      %mul3A = arith.constant 160 : i32
      %mul3A_22 = arith.muli %arg1, %mul3A : i32
      %add3A = arith.addi %mul3A_22, %scan3A_21 : i32
      %mul3A_23 = arith.constant 128 : i32
      %mul3A_24 = arith.muli %add3A, %mul3A_23 : i32
      "tpu.region"() ({
        %run_scoped3A = tpu.sem_alloc : memref<!tpu.dma_semaphore, #tpu.memory_space<semaphore_mem>>
        %dma_start3A_45 = tpu.memref_slice %arg4[%mul3A_24] : memref<327680xi32, #tpu.memory_space<hbm>> -> memref<128xi32, #tpu.memory_space<hbm>>
        %dma_start3A_46 = tpu.memref_slice %arg4[%mul3A_24] : memref<327680xi32, #tpu.memory_space<hbm>> -> memref<128xi32, #tpu.memory_space<hbm>>
        tpu.enqueue_dma source(%dma_start3A_46 : memref<128xi32, #tpu.memory_space<hbm>>) target(%arg6 : memref<128xi32, #tpu.memory_space<vmem>>) target_semaphore(%run_scoped3A : memref<!tpu.dma_semaphore, #tpu.memory_space<semaphore_mem>>)
        %dma_wait3A_47 = tpu.memref_slice %arg4[%mul3A_24] : memref<327680xi32, #tpu.memory_space<hbm>> -> memref<128xi32, #tpu.memory_space<hbm>>
        %dma_wait3A_48 = tpu.memref_slice %arg4[%mul3A_24] : memref<327680xi32, #tpu.memory_space<hbm>> -> memref<128xi32, #tpu.memory_space<hbm>>
        tpu.wait_dma2 semaphore(%run_scoped3A : memref<!tpu.dma_semaphore, #tpu.memory_space<semaphore_mem>>) src(%dma_wait3A_48 : memref<128xi32, #tpu.memory_space<hbm>>) dst(%arg6 : memref<128xi32, #tpu.memory_space<vmem>>)
        tpu.yield
      }) : () -> ()
      %scan3A_25 = arith.constant 0 : i32
      %scan3A_26 = arith.constant 8 : i32
      %scan3A_27 = arith.addi %scan3A_25, %scan3A_26 : i32
      %scan3A_28 = arith.constant 1 : i32
      scf.for %scan3A_45 = %scan3A_25 to %scan3A_27 step %scan3A_28  : i32 {
        %mul3A_46 = arith.constant 16 : i32
        %mul3A_47 = arith.muli %scan3A_45, %mul3A_46 : i32
        %get3A = arith.index_cast %mul3A_47 : i32 to index
        %get3A_48 = tpu.vector_load %arg6[%get3A] {strides = array<i32>} : memref<128xi32, #tpu.memory_space<vmem>>, vector<16xi32>,
        %get3A_49 = vector.shape_cast %get3A_48 : vector<16xi32> to vector<16xi32>
        %shift_right_logical3A = arith.constant 28 : i32
        %shift_right_logical3A_50 = vector.broadcast %shift_right_logical3A : i32 to vector<16xi32>
        %shift_right_logical3A_51 = arith.shrui %get3A_49, %shift_right_logical3A_50 : vector<16xi32>
        %shift_right_logical3A_52 = arith.constant 14 : i32
        %shift_right_logical3A_53 = vector.broadcast %shift_right_logical3A_52 : i32 to vector<16xi32>
        %shift_right_logical3A_54 = arith.shrui %get3A_49, %shift_right_logical3A_53 : vector<16xi32>
        %and3A = arith.constant 16383 : i32
        %and3A_55 = vector.broadcast %and3A : i32 to vector<16xi32>
        %and3A_56 = arith.andi %shift_right_logical3A_54, %and3A_55 : vector<16xi32>
        %and3A_57 = arith.constant 16383 : i32
        %and3A_58 = vector.broadcast %and3A_57 : i32 to vector<16xi32>
        %and3A_59 = arith.andi %get3A_49, %and3A_58 : vector<16xi32>
        %mul3A_60 = arith.constant 10240 : i32
        %mul3A_61 = vector.broadcast %mul3A_60 : i32 to vector<16xi32>
        %mul3A_62 = arith.muli %shift_right_logical3A_51, %mul3A_61 : vector<16xi32>
        %add3A_63 = arith.addi %mul3A_62, %and3A_56 : vector<16xi32>
        %mul3A_64 = arith.constant 16 : i32
        %mul3A_65 = arith.muli %scan3A_45, %mul3A_64 : i32
        %swap3A = arith.index_cast %mul3A_65 : i32 to index
        %swap3A_66 = tpu.vector_load %arg7[%swap3A] {strides = array<i32>} : memref<128xi32, #tpu.memory_space<vmem>>, vector<16xi32>,
        %swap3A_67 = vector.shape_cast %swap3A_66 : vector<16xi32> to vector<16xi32>
        %swap3A_68 = vector.shape_cast %add3A_63 : vector<16xi32> to vector<16xi32>
        tpu.vector_store %arg7[%swap3A], %swap3A_68 {strides = array<i32>} : memref<128xi32, #tpu.memory_space<vmem>>, vector<16xi32>,
        %mul3A_69 = arith.constant 10240 : i32
        %mul3A_70 = vector.broadcast %mul3A_69 : i32 to vector<16xi32>
        %mul3A_71 = arith.muli %shift_right_logical3A_51, %mul3A_70 : vector<16xi32>
        %add3A_72 = arith.addi %mul3A_71, %and3A_59 : vector<16xi32>
        %mul3A_73 = arith.constant 16 : i32
        %mul3A_74 = arith.muli %scan3A_45, %mul3A_73 : i32
        %swap3A_75 = arith.index_cast %mul3A_74 : i32 to index
        %swap3A_76 = tpu.vector_load %arg8[%swap3A_75] {strides = array<i32>} : memref<128xi32, #tpu.memory_space<vmem>>, vector<16xi32>,
        %swap3A_77 = vector.shape_cast %swap3A_76 : vector<16xi32> to vector<16xi32>
        %swap3A_78 = vector.shape_cast %add3A_72 : vector<16xi32> to vector<16xi32>
        tpu.vector_store %arg8[%swap3A_75], %swap3A_78 {strides = array<i32>} : memref<128xi32, #tpu.memory_space<vmem>>, vector<16xi32>,
        %mul3A_79 = arith.constant 5120 : i32
        %mul3A_80 = arith.muli %arg0, %mul3A_79 : i32
        %sub3A = vector.broadcast %mul3A_80 : i32 to vector<16xi32>
        %sub3A_81 = arith.subi %and3A_59, %sub3A : vector<16xi32>
        %ge3A = arith.constant 0 : i32
        %ge3A_82 = vector.broadcast %ge3A : i32 to vector<16xi32>
        %ge3A_83 = arith.cmpi sge, %sub3A_81, %ge3A_82 : vector<16xi32>
        %lt3A = arith.constant 5120 : i32
        %lt3A_84 = vector.broadcast %lt3A : i32 to vector<16xi32>
        %lt3A_85 = arith.cmpi slt, %sub3A_81, %lt3A_84 : vector<16xi32>
        %and3A_86 = arith.andi %ge3A_83, %lt3A_85 : vector<16xi1>
        %jit3A = arith.constant 5120 : i32
        %broadcast_in_dim3A_87 = vector.broadcast %jit3A : i32 to vector<16xi32>
        %select_n3A = arith.select %and3A_86, %sub3A_81, %broadcast_in_dim3A_87 : vector<16xi1>, vector<16xi32>
        %mul3A_88 = arith.constant 16 : i32
        %mul3A_89 = arith.muli %scan3A_45, %mul3A_88 : i32
        %swap3A_90 = arith.index_cast %mul3A_89 : i32 to index
        %swap3A_91 = tpu.vector_load %arg9[%swap3A_90] {strides = array<i32>} : memref<128xi32, #tpu.memory_space<vmem>>, vector<16xi32>,
        %swap3A_92 = vector.shape_cast %swap3A_91 : vector<16xi32> to vector<16xi32>
        %swap3A_93 = vector.shape_cast %select_n3A : vector<16xi32> to vector<16xi32>
        tpu.vector_store %arg9[%swap3A_90], %swap3A_93 {strides = array<i32>} : memref<128xi32, #tpu.memory_space<vmem>>, vector<16xi32>,
      }
      %scan3A_29 = arith.constant 8 : i32
      %dma_start3A = arith.constant 0 : i32
      %dma_start3A_30 = arith.constant 0 : i32
      %dma_start3A_31 = tpu.memref_slice %arg2[%dma_start3A, %dma_start3A_30] : memref<40960x128xf32, #tpu.memory_space<hbm>> -> memref<40960x128xf32, #tpu.memory_space<hbm>>
      tpu.enqueue_indirect_dma source(%dma_start3A_31 : memref<40960x128xf32, #tpu.memory_space<hbm>>) target(%arg10 : memref<128x128xf32, #tpu.memory_space<vmem>>) offsets(%arg7 : memref<128xi32, #tpu.memory_space<vmem>>) semaphore(%arg14 : memref<!tpu.dma_semaphore, #tpu.memory_space<semaphore_mem>>)
      %dma_start3A_32 = arith.constant 0 : i32
      %dma_start3A_33 = arith.constant 0 : i32
      %dma_start3A_34 = tpu.memref_slice %arg3[%dma_start3A_32, %dma_start3A_33] : memref<40960x256xf32, #tpu.memory_space<hbm>> -> memref<40960x256xf32, #tpu.memory_space<hbm>>
      tpu.enqueue_indirect_dma source(%dma_start3A_34 : memref<40960x256xf32, #tpu.memory_space<hbm>>) target(%arg11 : memref<128x256xf32, #tpu.memory_space<vmem>>) offsets(%arg8 : memref<128xi32, #tpu.memory_space<vmem>>) semaphore(%arg15 : memref<!tpu.dma_semaphore, #tpu.memory_space<semaphore_mem>>)
      %dma_wait3A = arith.constant 0 : i32
      %dma_wait3A_35 = arith.constant 0 : i32
      %dma_wait3A_36 = tpu.memref_slice %arg2[%dma_wait3A, %dma_wait3A_35] : memref<40960x128xf32, #tpu.memory_space<hbm>> -> memref<40960x128xf32, #tpu.memory_space<hbm>>
      tpu.wait_indirect_dma semaphore(%arg14 : memref<!tpu.dma_semaphore, #tpu.memory_space<semaphore_mem>>) src(%dma_wait3A_36 : memref<40960x128xf32, #tpu.memory_space<hbm>>) dst(%arg10 : memref<128x128xf32, #tpu.memory_space<vmem>>)
      %dma_wait3A_37 = arith.constant 0 : i32
      %dma_wait3A_38 = arith.constant 0 : i32
      %dma_wait3A_39 = tpu.memref_slice %arg3[%dma_wait3A_37, %dma_wait3A_38] : memref<40960x256xf32, #tpu.memory_space<hbm>> -> memref<40960x256xf32, #tpu.memory_space<hbm>>
      tpu.wait_indirect_dma semaphore(%arg15 : memref<!tpu.dma_semaphore, #tpu.memory_space<semaphore_mem>>) src(%dma_wait3A_39 : memref<40960x256xf32, #tpu.memory_space<hbm>>) dst(%arg11 : memref<128x256xf32, #tpu.memory_space<vmem>>)
      %scan3A_40 = arith.constant 0 : i32
      %scan3A_41 = arith.constant 128 : i32
      %scan3A_42 = arith.addi %scan3A_40, %scan3A_41 : i32
      %scan3A_43 = arith.constant 1 : i32
      scf.for %scan3A_45 = %scan3A_40 to %scan3A_42 step %scan3A_43  : i32 {
        %get3A = arith.index_cast %scan3A_45 : i32 to index
        %get3A_46 = arith.constant 0 : index
        %get3A_47 = tpu.vector_load %arg10[%get3A, %get3A_46] {strides = array<i32>} : memref<128x128xf32, #tpu.memory_space<vmem>>, vector<1x16xf32>,
        %get3A_48 = vector.shape_cast %get3A_47 : vector<1x16xf32> to vector<16xf32>
        %get3A_49 = arith.index_cast %scan3A_45 : i32 to index
        %get3A_50 = arith.constant 0 : index
        %get3A_51 = tpu.vector_load %arg11[%get3A_49, %get3A_50] {strides = array<i32>} : memref<128x256xf32, #tpu.memory_space<vmem>>, vector<1x16xf32>,
        %get3A_52 = vector.shape_cast %get3A_51 : vector<1x16xf32> to vector<16xf32>
        %get3A_53 = arith.index_cast %scan3A_45 : i32 to index
        %get3A_54 = arith.constant 128 : index
        %get3A_55 = tpu.vector_load %arg11[%get3A_53, %get3A_54] {strides = array<i32>} : memref<128x256xf32, #tpu.memory_space<vmem>>, vector<1x16xf32>,
        %get3A_56 = vector.shape_cast %get3A_55 : vector<1x16xf32> to vector<16xf32>
        %mul3A_57 = arith.mulf %get3A_56, %get3A_48 : vector<16xf32>
        %add3A_58 = arith.addf %mul3A_57, %get3A_52 : vector<16xf32>
        %max3A = arith.constant 0.000000e+00 : f32
        %max3A_59 = vector.broadcast %max3A : f32 to vector<16xf32>
        %max3A_60 = arith.maximumf %add3A_58, %max3A_59 : vector<16xf32>
        %swap3A = arith.index_cast %scan3A_45 : i32 to index
        %swap3A_61 = arith.constant 0 : index
        %swap3A_62 = tpu.vector_load %arg12[%swap3A, %swap3A_61] {strides = array<i32>} : memref<128x128xf32, #tpu.memory_space<vmem>>, vector<1x16xf32>,
        %swap3A_63 = vector.shape_cast %swap3A_62 : vector<1x16xf32> to vector<16xf32>
        %swap3A_64 = vector.shape_cast %max3A_60 : vector<16xf32> to vector<1x16xf32>
        tpu.vector_store %arg12[%swap3A, %swap3A_61], %swap3A_64 {strides = array<i32>} : memref<128x128xf32, #tpu.memory_space<vmem>>, vector<1x16xf32>,
        %get3A_65 = arith.index_cast %scan3A_45 : i32 to index
        %get3A_66 = arith.constant 16 : index
        %get3A_67 = tpu.vector_load %arg10[%get3A_65, %get3A_66] {strides = array<i32>} : memref<128x128xf32, #tpu.memory_space<vmem>>, vector<1x16xf32>,
        %get3A_68 = vector.shape_cast %get3A_67 : vector<1x16xf32> to vector<16xf32>
        %get3A_69 = arith.index_cast %scan3A_45 : i32 to index
        %get3A_70 = arith.constant 16 : index
        %get3A_71 = tpu.vector_load %arg11[%get3A_69, %get3A_70] {strides = array<i32>} : memref<128x256xf32, #tpu.memory_space<vmem>>, vector<1x16xf32>,
        %get3A_72 = vector.shape_cast %get3A_71 : vector<1x16xf32> to vector<16xf32>
        %get3A_73 = arith.index_cast %scan3A_45 : i32 to index
        %get3A_74 = arith.constant 144 : index
        %get3A_75 = tpu.vector_load %arg11[%get3A_73, %get3A_74] {strides = array<i32>} : memref<128x256xf32, #tpu.memory_space<vmem>>, vector<1x16xf32>,
        %get3A_76 = vector.shape_cast %get3A_75 : vector<1x16xf32> to vector<16xf32>
        %mul3A_77 = arith.mulf %get3A_76, %get3A_68 : vector<16xf32>
        %add3A_78 = arith.addf %mul3A_77, %get3A_72 : vector<16xf32>
        %max3A_79 = arith.constant 0.000000e+00 : f32
        %max3A_80 = vector.broadcast %max3A_79 : f32 to vector<16xf32>
        %max3A_81 = arith.maximumf %add3A_78, %max3A_80 : vector<16xf32>
        %swap3A_82 = arith.index_cast %scan3A_45 : i32 to index
        %swap3A_83 = arith.constant 16 : index
        %swap3A_84 = tpu.vector_load %arg12[%swap3A_82, %swap3A_83] {strides = array<i32>} : memref<128x128xf32, #tpu.memory_space<vmem>>, vector<1x16xf32>,
        %swap3A_85 = vector.shape_cast %swap3A_84 : vector<1x16xf32> to vector<16xf32>
        %swap3A_86 = vector.shape_cast %max3A_81 : vector<16xf32> to vector<1x16xf32>
        tpu.vector_store %arg12[%swap3A_82, %swap3A_83], %swap3A_86 {strides = array<i32>} : memref<128x128xf32, #tpu.memory_space<vmem>>, vector<1x16xf32>,
        %get3A_87 = arith.index_cast %scan3A_45 : i32 to index
        %get3A_88 = arith.constant 32 : index
        %get3A_89 = tpu.vector_load %arg10[%get3A_87, %get3A_88] {strides = array<i32>} : memref<128x128xf32, #tpu.memory_space<vmem>>, vector<1x16xf32>,
        %get3A_90 = vector.shape_cast %get3A_89 : vector<1x16xf32> to vector<16xf32>
        %get3A_91 = arith.index_cast %scan3A_45 : i32 to index
        %get3A_92 = arith.constant 32 : index
        %get3A_93 = tpu.vector_load %arg11[%get3A_91, %get3A_92] {strides = array<i32>} : memref<128x256xf32, #tpu.memory_space<vmem>>, vector<1x16xf32>,
        %get3A_94 = vector.shape_cast %get3A_93 : vector<1x16xf32> to vector<16xf32>
        %get3A_95 = arith.index_cast %scan3A_45 : i32 to index
        %get3A_96 = arith.constant 160 : index
        %get3A_97 = tpu.vector_load %arg11[%get3A_95, %get3A_96] {strides = array<i32>} : memref<128x256xf32, #tpu.memory_space<vmem>>, vector<1x16xf32>,
        %get3A_98 = vector.shape_cast %get3A_97 : vector<1x16xf32> to vector<16xf32>
        %mul3A_99 = arith.mulf %get3A_98, %get3A_90 : vector<16xf32>
        %add3A_100 = arith.addf %mul3A_99, %get3A_94 : vector<16xf32>
        %max3A_101 = arith.constant 0.000000e+00 : f32
        %max3A_102 = vector.broadcast %max3A_101 : f32 to vector<16xf32>
        %max3A_103 = arith.maximumf %add3A_100, %max3A_102 : vector<16xf32>
        %swap3A_104 = arith.index_cast %scan3A_45 : i32 to index
        %swap3A_105 = arith.constant 32 : index
        %swap3A_106 = tpu.vector_load %arg12[%swap3A_104, %swap3A_105] {strides = array<i32>} : memref<128x128xf32, #tpu.memory_space<vmem>>, vector<1x16xf32>,
        %swap3A_107 = vector.shape_cast %swap3A_106 : vector<1x16xf32> to vector<16xf32>
        %swap3A_108 = vector.shape_cast %max3A_103 : vector<16xf32> to vector<1x16xf32>
        tpu.vector_store %arg12[%swap3A_104, %swap3A_105], %swap3A_108 {strides = array<i32>} : memref<128x128xf32, #tpu.memory_space<vmem>>, vector<1x16xf32>,
        %get3A_109 = arith.index_cast %scan3A_45 : i32 to index
        %get3A_110 = arith.constant 48 : index
        %get3A_111 = tpu.vector_load %arg10[%get3A_109, %get3A_110] {strides = array<i32>} : memref<128x128xf32, #tpu.memory_space<vmem>>, vector<1x16xf32>,
        %get3A_112 = vector.shape_cast %get3A_111 : vector<1x16xf32> to vector<16xf32>
        %get3A_113 = arith.index_cast %scan3A_45 : i32 to index
        %get3A_114 = arith.constant 48 : index
        %get3A_115 = tpu.vector_load %arg11[%get3A_113, %get3A_114] {strides = array<i32>} : memref<128x256xf32, #tpu.memory_space<vmem>>, vector<1x16xf32>,
        %get3A_116 = vector.shape_cast %get3A_115 : vector<1x16xf32> to vector<16xf32>
        %get3A_117 = arith.index_cast %scan3A_45 : i32 to index
        %get3A_118 = arith.constant 176 : index
        %get3A_119 = tpu.vector_load %arg11[%get3A_117, %get3A_118] {strides = array<i32>} : memref<128x256xf32, #tpu.memory_space<vmem>>, vector<1x16xf32>,
        %get3A_120 = vector.shape_cast %get3A_119 : vector<1x16xf32> to vector<16xf32>
        %mul3A_121 = arith.mulf %get3A_120, %get3A_112 : vector<16xf32>
        %add3A_122 = arith.addf %mul3A_121, %get3A_116 : vector<16xf32>
        %max3A_123 = arith.constant 0.000000e+00 : f32
        %max3A_124 = vector.broadcast %max3A_123 : f32 to vector<16xf32>
        %max3A_125 = arith.maximumf %add3A_122, %max3A_124 : vector<16xf32>
        %swap3A_126 = arith.index_cast %scan3A_45 : i32 to index
        %swap3A_127 = arith.constant 48 : index
        %swap3A_128 = tpu.vector_load %arg12[%swap3A_126, %swap3A_127] {strides = array<i32>} : memref<128x128xf32, #tpu.memory_space<vmem>>, vector<1x16xf32>,
        %swap3A_129 = vector.shape_cast %swap3A_128 : vector<1x16xf32> to vector<16xf32>
        %swap3A_130 = vector.shape_cast %max3A_125 : vector<16xf32> to vector<1x16xf32>
        tpu.vector_store %arg12[%swap3A_126, %swap3A_127], %swap3A_130 {strides = array<i32>} : memref<128x128xf32, #tpu.memory_space<vmem>>, vector<1x16xf32>,
        %get3A_131 = arith.index_cast %scan3A_45 : i32 to index
        %get3A_132 = arith.constant 64 : index
        %get3A_133 = tpu.vector_load %arg10[%get3A_131, %get3A_132] {strides = array<i32>} : memref<128x128xf32, #tpu.memory_space<vmem>>, vector<1x16xf32>,
        %get3A_134 = vector.shape_cast %get3A_133 : vector<1x16xf32> to vector<16xf32>
        %get3A_135 = arith.index_cast %scan3A_45 : i32 to index
        %get3A_136 = arith.constant 64 : index
        %get3A_137 = tpu.vector_load %arg11[%get3A_135, %get3A_136] {strides = array<i32>} : memref<128x256xf32, #tpu.memory_space<vmem>>, vector<1x16xf32>,
        %get3A_138 = vector.shape_cast %get3A_137 : vector<1x16xf32> to vector<16xf32>
        %get3A_139 = arith.index_cast %scan3A_45 : i32 to index
        %get3A_140 = arith.constant 192 : index
        %get3A_141 = tpu.vector_load %arg11[%get3A_139, %get3A_140] {strides = array<i32>} : memref<128x256xf32, #tpu.memory_space<vmem>>, vector<1x16xf32>,
        %get3A_142 = vector.shape_cast %get3A_141 : vector<1x16xf32> to vector<16xf32>
        %mul3A_143 = arith.mulf %get3A_142, %get3A_134 : vector<16xf32>
        %add3A_144 = arith.addf %mul3A_143, %get3A_138 : vector<16xf32>
        %max3A_145 = arith.constant 0.000000e+00 : f32
        %max3A_146 = vector.broadcast %max3A_145 : f32 to vector<16xf32>
        %max3A_147 = arith.maximumf %add3A_144, %max3A_146 : vector<16xf32>
        %swap3A_148 = arith.index_cast %scan3A_45 : i32 to index
        %swap3A_149 = arith.constant 64 : index
        %swap3A_150 = tpu.vector_load %arg12[%swap3A_148, %swap3A_149] {strides = array<i32>} : memref<128x128xf32, #tpu.memory_space<vmem>>, vector<1x16xf32>,
        %swap3A_151 = vector.shape_cast %swap3A_150 : vector<1x16xf32> to vector<16xf32>
        %swap3A_152 = vector.shape_cast %max3A_147 : vector<16xf32> to vector<1x16xf32>
        tpu.vector_store %arg12[%swap3A_148, %swap3A_149], %swap3A_152 {strides = array<i32>} : memref<128x128xf32, #tpu.memory_space<vmem>>, vector<1x16xf32>,
        %get3A_153 = arith.index_cast %scan3A_45 : i32 to index
        %get3A_154 = arith.constant 80 : index
        %get3A_155 = tpu.vector_load %arg10[%get3A_153, %get3A_154] {strides = array<i32>} : memref<128x128xf32, #tpu.memory_space<vmem>>, vector<1x16xf32>,
        %get3A_156 = vector.shape_cast %get3A_155 : vector<1x16xf32> to vector<16xf32>
        %get3A_157 = arith.index_cast %scan3A_45 : i32 to index
        %get3A_158 = arith.constant 80 : index
        %get3A_159 = tpu.vector_load %arg11[%get3A_157, %get3A_158] {strides = array<i32>} : memref<128x256xf32, #tpu.memory_space<vmem>>, vector<1x16xf32>,
        %get3A_160 = vector.shape_cast %get3A_159 : vector<1x16xf32> to vector<16xf32>
        %get3A_161 = arith.index_cast %scan3A_45 : i32 to index
        %get3A_162 = arith.constant 208 : index
        %get3A_163 = tpu.vector_load %arg11[%get3A_161, %get3A_162] {strides = array<i32>} : memref<128x256xf32, #tpu.memory_space<vmem>>, vector<1x16xf32>,
        %get3A_164 = vector.shape_cast %get3A_163 : vector<1x16xf32> to vector<16xf32>
        %mul3A_165 = arith.mulf %get3A_164, %get3A_156 : vector<16xf32>
        %add3A_166 = arith.addf %mul3A_165, %get3A_160 : vector<16xf32>
        %max3A_167 = arith.constant 0.000000e+00 : f32
        %max3A_168 = vector.broadcast %max3A_167 : f32 to vector<16xf32>
        %max3A_169 = arith.maximumf %add3A_166, %max3A_168 : vector<16xf32>
        %swap3A_170 = arith.index_cast %scan3A_45 : i32 to index
        %swap3A_171 = arith.constant 80 : index
        %swap3A_172 = tpu.vector_load %arg12[%swap3A_170, %swap3A_171] {strides = array<i32>} : memref<128x128xf32, #tpu.memory_space<vmem>>, vector<1x16xf32>,
        %swap3A_173 = vector.shape_cast %swap3A_172 : vector<1x16xf32> to vector<16xf32>
        %swap3A_174 = vector.shape_cast %max3A_169 : vector<16xf32> to vector<1x16xf32>
        tpu.vector_store %arg12[%swap3A_170, %swap3A_171], %swap3A_174 {strides = array<i32>} : memref<128x128xf32, #tpu.memory_space<vmem>>, vector<1x16xf32>,
        %get3A_175 = arith.index_cast %scan3A_45 : i32 to index
        %get3A_176 = arith.constant 96 : index
        %get3A_177 = tpu.vector_load %arg10[%get3A_175, %get3A_176] {strides = array<i32>} : memref<128x128xf32, #tpu.memory_space<vmem>>, vector<1x16xf32>,
        %get3A_178 = vector.shape_cast %get3A_177 : vector<1x16xf32> to vector<16xf32>
        %get3A_179 = arith.index_cast %scan3A_45 : i32 to index
        %get3A_180 = arith.constant 96 : index
        %get3A_181 = tpu.vector_load %arg11[%get3A_179, %get3A_180] {strides = array<i32>} : memref<128x256xf32, #tpu.memory_space<vmem>>, vector<1x16xf32>,
        %get3A_182 = vector.shape_cast %get3A_181 : vector<1x16xf32> to vector<16xf32>
        %get3A_183 = arith.index_cast %scan3A_45 : i32 to index
        %get3A_184 = arith.constant 224 : index
        %get3A_185 = tpu.vector_load %arg11[%get3A_183, %get3A_184] {strides = array<i32>} : memref<128x256xf32, #tpu.memory_space<vmem>>, vector<1x16xf32>,
        %get3A_186 = vector.shape_cast %get3A_185 : vector<1x16xf32> to vector<16xf32>
        %mul3A_187 = arith.mulf %get3A_186, %get3A_178 : vector<16xf32>
        %add3A_188 = arith.addf %mul3A_187, %get3A_182 : vector<16xf32>
        %max3A_189 = arith.constant 0.000000e+00 : f32
        %max3A_190 = vector.broadcast %max3A_189 : f32 to vector<16xf32>
        %max3A_191 = arith.maximumf %add3A_188, %max3A_190 : vector<16xf32>
        %swap3A_192 = arith.index_cast %scan3A_45 : i32 to index
        %swap3A_193 = arith.constant 96 : index
        %swap3A_194 = tpu.vector_load %arg12[%swap3A_192, %swap3A_193] {strides = array<i32>} : memref<128x128xf32, #tpu.memory_space<vmem>>, vector<1x16xf32>,
        %swap3A_195 = vector.shape_cast %swap3A_194 : vector<1x16xf32> to vector<16xf32>
        %swap3A_196 = vector.shape_cast %max3A_191 : vector<16xf32> to vector<1x16xf32>
        tpu.vector_store %arg12[%swap3A_192, %swap3A_193], %swap3A_196 {strides = array<i32>} : memref<128x128xf32, #tpu.memory_space<vmem>>, vector<1x16xf32>,
        %get3A_197 = arith.index_cast %scan3A_45 : i32 to index
        %get3A_198 = arith.constant 112 : index
        %get3A_199 = tpu.vector_load %arg10[%get3A_197, %get3A_198] {strides = array<i32>} : memref<128x128xf32, #tpu.memory_space<vmem>>, vector<1x16xf32>,
        %get3A_200 = vector.shape_cast %get3A_199 : vector<1x16xf32> to vector<16xf32>
        %get3A_201 = arith.index_cast %scan3A_45 : i32 to index
        %get3A_202 = arith.constant 112 : index
        %get3A_203 = tpu.vector_load %arg11[%get3A_201, %get3A_202] {strides = array<i32>} : memref<128x256xf32, #tpu.memory_space<vmem>>, vector<1x16xf32>,
        %get3A_204 = vector.shape_cast %get3A_203 : vector<1x16xf32> to vector<16xf32>
        %get3A_205 = arith.index_cast %scan3A_45 : i32 to index
        %get3A_206 = arith.constant 240 : index
        %get3A_207 = tpu.vector_load %arg11[%get3A_205, %get3A_206] {strides = array<i32>} : memref<128x256xf32, #tpu.memory_space<vmem>>, vector<1x16xf32>,
        %get3A_208 = vector.shape_cast %get3A_207 : vector<1x16xf32> to vector<16xf32>
        %mul3A_209 = arith.mulf %get3A_208, %get3A_200 : vector<16xf32>
        %add3A_210 = arith.addf %mul3A_209, %get3A_204 : vector<16xf32>
        %max3A_211 = arith.constant 0.000000e+00 : f32
        %max3A_212 = vector.broadcast %max3A_211 : f32 to vector<16xf32>
        %max3A_213 = arith.maximumf %add3A_210, %max3A_212 : vector<16xf32>
        %swap3A_214 = arith.index_cast %scan3A_45 : i32 to index
        %swap3A_215 = arith.constant 112 : index
        %swap3A_216 = tpu.vector_load %arg12[%swap3A_214, %swap3A_215] {strides = array<i32>} : memref<128x128xf32, #tpu.memory_space<vmem>>, vector<1x16xf32>,
        %swap3A_217 = vector.shape_cast %swap3A_216 : vector<1x16xf32> to vector<16xf32>
        %swap3A_218 = vector.shape_cast %max3A_213 : vector<16xf32> to vector<1x16xf32>
        tpu.vector_store %arg12[%swap3A_214, %swap3A_215], %swap3A_218 {strides = array<i32>} : memref<128x128xf32, #tpu.memory_space<vmem>>, vector<1x16xf32>,
      }
      %scan3A_44 = arith.constant 128 : i32
      "tpu.region"() ({
        %run_scoped3A = tpu.sem_alloc : memref<!tpu.dma_semaphore, #tpu.memory_space<semaphore_mem>>
        %dma_start3A_45 = arith.constant 0 : i32
        %dma_start3A_46 = arith.constant 0 : i32
        %dma_start3A_47 = tpu.memref_slice %arg13[%dma_start3A_45, %dma_start3A_46] : memref<5248x128xf32, #tpu.memory_space<vmem_shared>> -> memref<5248x128xf32, #tpu.memory_space<vmem_shared>>
        tpu.enqueue_indirect_dma source(%arg12 : memref<128x128xf32, #tpu.memory_space<vmem>>) target(%dma_start3A_47 : memref<5248x128xf32, #tpu.memory_space<vmem_shared>>) offsets(%arg9 : memref<128xi32, #tpu.memory_space<vmem>>) semaphore(%run_scoped3A : memref<!tpu.dma_semaphore, #tpu.memory_space<semaphore_mem>>) {add = true}
        %dma_wait3A_48 = arith.constant 0 : i32
        %dma_wait3A_49 = arith.constant 0 : i32
        %dma_wait3A_50 = tpu.memref_slice %arg13[%dma_wait3A_48, %dma_wait3A_49] : memref<5248x128xf32, #tpu.memory_space<vmem_shared>> -> memref<5248x128xf32, #tpu.memory_space<vmem_shared>>
        tpu.wait_indirect_dma semaphore(%run_scoped3A : memref<!tpu.dma_semaphore, #tpu.memory_space<semaphore_mem>>) src(%arg12 : memref<128x128xf32, #tpu.memory_space<vmem>>) dst(%dma_wait3A_50 : memref<5248x128xf32, #tpu.memory_space<vmem_shared>>)
        tpu.yield
      }) : () -> ()
    }
    %scan3A_14 = arith.constant 160 : i32
    %barrier3A_15 = arith.constant 0 : index
    tpu.barrier barrier_id(%barrier3A_15)
    %scan3A_16 = arith.constant 0 : i32
    %scan3A_17 = arith.constant 3 : i32
    %scan3A_18 = arith.addi %scan3A_16, %scan3A_17 : i32
    %scan3A_19 = arith.constant 1 : i32
    scf.for %scan3A_21 = %scan3A_16 to %scan3A_18 step %scan3A_19  : i32 {
      %mul3A = arith.constant 16 : i32
      %mul3A_22 = arith.muli %scan3A_21, %mul3A : i32
      %add3A = arith.addi %arg1, %mul3A_22 : i32
      %lt3A = arith.constant 40 : i32
      %lt3A_23 = arith.cmpi slt, %add3A, %lt3A : i32
      %convert_element_type3A = arith.extui %lt3A_23 : i1 to i32
      %cond3A = arith.constant 0 : i32
      %cond3A_24 = arith.cmpi ne, %convert_element_type3A, %cond3A : i32
      scf.if %cond3A_24 {
        %mul3A_25 = arith.constant 128 : i32
        %mul3A_26 = arith.muli %add3A, %mul3A_25 : i32
        "tpu.region"() ({
          %run_scoped3A = tpu.sem_alloc : memref<!tpu.dma_semaphore, #tpu.memory_space<semaphore_mem>>
          %dma_start3A = arith.constant 0 : i32
          %dma_start3A_29 = tpu.memref_slice %arg13[%mul3A_26, %dma_start3A] : memref<5248x128xf32, #tpu.memory_space<vmem_shared>> -> memref<128x128xf32, #tpu.memory_space<vmem_shared>>
          %dma_start3A_30 = arith.constant 0 : i32
          %dma_start3A_31 = tpu.memref_slice %arg13[%mul3A_26, %dma_start3A_30] : memref<5248x128xf32, #tpu.memory_space<vmem_shared>> -> memref<128x128xf32, #tpu.memory_space<vmem_shared>>
          tpu.enqueue_dma source(%dma_start3A_31 : memref<128x128xf32, #tpu.memory_space<vmem_shared>>) target(%arg12 : memref<128x128xf32, #tpu.memory_space<vmem>>) target_semaphore(%run_scoped3A : memref<!tpu.dma_semaphore, #tpu.memory_space<semaphore_mem>>)
          %dma_wait3A = arith.constant 0 : i32
          %dma_wait3A_32 = tpu.memref_slice %arg13[%mul3A_26, %dma_wait3A] : memref<5248x128xf32, #tpu.memory_space<vmem_shared>> -> memref<128x128xf32, #tpu.memory_space<vmem_shared>>
          %dma_wait3A_33 = arith.constant 0 : i32
          %dma_wait3A_34 = tpu.memref_slice %arg13[%mul3A_26, %dma_wait3A_33] : memref<5248x128xf32, #tpu.memory_space<vmem_shared>> -> memref<128x128xf32, #tpu.memory_space<vmem_shared>>
          tpu.wait_dma2 semaphore(%run_scoped3A : memref<!tpu.dma_semaphore, #tpu.memory_space<semaphore_mem>>) src(%dma_wait3A_34 : memref<128x128xf32, #tpu.memory_space<vmem_shared>>) dst(%arg12 : memref<128x128xf32, #tpu.memory_space<vmem>>)
          tpu.yield
        }) : () -> ()
        %mul3A_27 = arith.constant 128 : i32
        %mul3A_28 = arith.muli %add3A, %mul3A_27 : i32
        "tpu.region"() ({
          %run_scoped3A = tpu.sem_alloc : memref<!tpu.dma_semaphore, #tpu.memory_space<semaphore_mem>>
          %dma_start3A = arith.constant 0 : i32
          %dma_start3A_29 = tpu.memref_slice %arg5[%arg0, %mul3A_28, %dma_start3A] : memref<2x5120x128xf32, #tpu.memory_space<hbm>> -> memref<1x128x128xf32, #tpu.memory_space<hbm>>
          %dma_start3A_30 = tpu.memref_squeeze %dma_start3A_29 : memref<1x128x128xf32, #tpu.memory_space<hbm>> -> memref<128x128xf32, #tpu.memory_space<hbm>>
          %dma_start3A_31 = arith.constant 0 : i32
          %dma_start3A_32 = tpu.memref_slice %arg5[%arg0, %mul3A_28, %dma_start3A_31] : memref<2x5120x128xf32, #tpu.memory_space<hbm>> -> memref<1x128x128xf32, #tpu.memory_space<hbm>>
          %dma_start3A_33 = tpu.memref_squeeze %dma_start3A_32 : memref<1x128x128xf32, #tpu.memory_space<hbm>> -> memref<128x128xf32, #tpu.memory_space<hbm>>
          tpu.enqueue_dma source(%arg12 : memref<128x128xf32, #tpu.memory_space<vmem>>) target(%dma_start3A_33 : memref<128x128xf32, #tpu.memory_space<hbm>>) target_semaphore(%run_scoped3A : memref<!tpu.dma_semaphore, #tpu.memory_space<semaphore_mem>>)
          %dma_wait3A = arith.constant 0 : i32
          %dma_wait3A_34 = tpu.memref_slice %arg5[%arg0, %mul3A_28, %dma_wait3A] : memref<2x5120x128xf32, #tpu.memory_space<hbm>> -> memref<1x128x128xf32, #tpu.memory_space<hbm>>
          %dma_wait3A_35 = tpu.memref_squeeze %dma_wait3A_34 : memref<1x128x128xf32, #tpu.memory_space<hbm>> -> memref<128x128xf32, #tpu.memory_space<hbm>>
          %dma_wait3A_36 = arith.constant 0 : i32
          %dma_wait3A_37 = tpu.memref_slice %arg5[%arg0, %mul3A_28, %dma_wait3A_36] : memref<2x5120x128xf32, #tpu.memory_space<hbm>> -> memref<1x128x128xf32, #tpu.memory_space<hbm>>
          %dma_wait3A_38 = tpu.memref_squeeze %dma_wait3A_37 : memref<1x128x128xf32, #tpu.memory_space<hbm>> -> memref<128x128xf32, #tpu.memory_space<hbm>>
          tpu.wait_dma2 semaphore(%run_scoped3A : memref<!tpu.dma_semaphore, #tpu.memory_space<semaphore_mem>>) src(%arg12 : memref<128x128xf32, #tpu.memory_space<vmem>>) dst(%dma_wait3A_38 : memref<128x128xf32, #tpu.memory_space<hbm>>)
          tpu.yield
        }) : () -> ()
      } else {
      }
    }
    %scan3A_20 = arith.constant 3 : i32
    return
  }
}

#map = affine_map<(d0, d1) -> (0, 0)>
#map1 = affine_map<(d0, d1) -> (0)>
#map2 = affine_map<(d0, d1) -> (0, 0, 0)>
module attributes {stable_mosaic.version = 14 : i64} {
  func.func @_edge_kernel(%arg0: i32, %arg1: i32, %arg2: memref<40960x128xf32, #tpu.memory_space<hbm>>, %arg3: memref<40960x256xf32, #tpu.memory_space<hbm>>, %arg4: memref<327680xi32, #tpu.memory_space<hbm>>, %arg5: memref<2x5120x128xf32, #tpu.memory_space<hbm>>, %arg6: memref<128xi32, #tpu.memory_space<vmem>>, %arg7: memref<128xi32, #tpu.memory_space<vmem>>, %arg8: memref<128xi32, #tpu.memory_space<vmem>>, %arg9: memref<128xi32, #tpu.memory_space<vmem>>, %arg10: memref<128x128xf32, #tpu.memory_space<vmem>>, %arg11: memref<128x256xf32, #tpu.memory_space<vmem>>, %arg12: memref<128x128xf32, #tpu.memory_space<vmem>>, %arg13: memref<5248x128xf32, #tpu.memory_space<vmem_shared>>, %arg14: memref<!tpu.dma_semaphore, #tpu.memory_space<semaphore_mem>>, %arg15: memref<!tpu.dma_semaphore, #tpu.memory_space<semaphore_mem>>) attributes {dimension_semantics = [#tpu.dimension_semantics<core_parallel>, #tpu.dimension_semantics<subcore_parallel>], iteration_bounds = array<i64: 2, 16>, scalar_prefetch = 0 : i64, scratch_operands = 10 : i64, tpu.core_type = #tpu.core_type<sc_vector_subcore>, window_params = [{transform_indices = #map}, {transform_indices = #map}, {transform_indices = #map1}, {transform_indices = #map2}]} {
    %broadcast_in_dim3A = arith.constant 0.000000e+00 : f32
    %broadcast_in_dim3A_0 = vector.broadcast %broadcast_in_dim3A : f32 to vector<16xf32>
    %scan3A = arith.constant 0 : i32
    %scan3A_1 = arith.constant 128 : i32
    %scan3A_2 = arith.addi %scan3A, %scan3A_1 : i32
    %scan3A_3 = arith.constant 1 : i32
    scf.for %scan3A_21 = %scan3A to %scan3A_2 step %scan3A_3  : i32 {
      %swap3A = arith.index_cast %scan3A_21 : i32 to index
      %swap3A_22 = arith.constant 0 : index
      %swap3A_23 = tpu.vector_load %arg12[%swap3A, %swap3A_22] {strides = array<i32>} : memref<128x128xf32, #tpu.memory_space<vmem>>, vector<1x16xf32>,
      %swap3A_24 = vector.shape_cast %swap3A_23 : vector<1x16xf32> to vector<16xf32>
      %swap3A_25 = vector.shape_cast %broadcast_in_dim3A_0 : vector<16xf32> to vector<1x16xf32>
      tpu.vector_store %arg12[%swap3A, %swap3A_22], %swap3A_25 {strides = array<i32>} : memref<128x128xf32, #tpu.memory_space<vmem>>, vector<1x16xf32>,
      %swap3A_26 = arith.index_cast %scan3A_21 : i32 to index
      %swap3A_27 = arith.constant 16 : index
      %swap3A_28 = tpu.vector_load %arg12[%swap3A_26, %swap3A_27] {strides = array<i32>} : memref<128x128xf32, #tpu.memory_space<vmem>>, vector<1x16xf32>,
      %swap3A_29 = vector.shape_cast %swap3A_28 : vector<1x16xf32> to vector<16xf32>
      %swap3A_30 = vector.shape_cast %broadcast_in_dim3A_0 : vector<16xf32> to vector<1x16xf32>
      tpu.vector_store %arg12[%swap3A_26, %swap3A_27], %swap3A_30 {strides = array<i32>} : memref<128x128xf32, #tpu.memory_space<vmem>>, vector<1x16xf32>,
      %swap3A_31 = arith.index_cast %scan3A_21 : i32 to index
      %swap3A_32 = arith.constant 32 : index
      %swap3A_33 = tpu.vector_load %arg12[%swap3A_31, %swap3A_32] {strides = array<i32>} : memref<128x128xf32, #tpu.memory_space<vmem>>, vector<1x16xf32>,
      %swap3A_34 = vector.shape_cast %swap3A_33 : vector<1x16xf32> to vector<16xf32>
      %swap3A_35 = vector.shape_cast %broadcast_in_dim3A_0 : vector<16xf32> to vector<1x16xf32>
      tpu.vector_store %arg12[%swap3A_31, %swap3A_32], %swap3A_35 {strides = array<i32>} : memref<128x128xf32, #tpu.memory_space<vmem>>, vector<1x16xf32>,
      %swap3A_36 = arith.index_cast %scan3A_21 : i32 to index
      %swap3A_37 = arith.constant 48 : index
      %swap3A_38 = tpu.vector_load %arg12[%swap3A_36, %swap3A_37] {strides = array<i32>} : memref<128x128xf32, #tpu.memory_space<vmem>>, vector<1x16xf32>,
      %swap3A_39 = vector.shape_cast %swap3A_38 : vector<1x16xf32> to vector<16xf32>
      %swap3A_40 = vector.shape_cast %broadcast_in_dim3A_0 : vector<16xf32> to vector<1x16xf32>
      tpu.vector_store %arg12[%swap3A_36, %swap3A_37], %swap3A_40 {strides = array<i32>} : memref<128x128xf32, #tpu.memory_space<vmem>>, vector<1x16xf32>,
      %swap3A_41 = arith.index_cast %scan3A_21 : i32 to index
      %swap3A_42 = arith.constant 64 : index
      %swap3A_43 = tpu.vector_load %arg12[%swap3A_41, %swap3A_42] {strides = array<i32>} : memref<128x128xf32, #tpu.memory_space<vmem>>, vector<1x16xf32>,
      %swap3A_44 = vector.shape_cast %swap3A_43 : vector<1x16xf32> to vector<16xf32>
      %swap3A_45 = vector.shape_cast %broadcast_in_dim3A_0 : vector<16xf32> to vector<1x16xf32>
      tpu.vector_store %arg12[%swap3A_41, %swap3A_42], %swap3A_45 {strides = array<i32>} : memref<128x128xf32, #tpu.memory_space<vmem>>, vector<1x16xf32>,
      %swap3A_46 = arith.index_cast %scan3A_21 : i32 to index
      %swap3A_47 = arith.constant 80 : index
      %swap3A_48 = tpu.vector_load %arg12[%swap3A_46, %swap3A_47] {strides = array<i32>} : memref<128x128xf32, #tpu.memory_space<vmem>>, vector<1x16xf32>,
      %swap3A_49 = vector.shape_cast %swap3A_48 : vector<1x16xf32> to vector<16xf32>
      %swap3A_50 = vector.shape_cast %broadcast_in_dim3A_0 : vector<16xf32> to vector<1x16xf32>
      tpu.vector_store %arg12[%swap3A_46, %swap3A_47], %swap3A_50 {strides = array<i32>} : memref<128x128xf32, #tpu.memory_space<vmem>>, vector<1x16xf32>,
      %swap3A_51 = arith.index_cast %scan3A_21 : i32 to index
      %swap3A_52 = arith.constant 96 : index
      %swap3A_53 = tpu.vector_load %arg12[%swap3A_51, %swap3A_52] {strides = array<i32>} : memref<128x128xf32, #tpu.memory_space<vmem>>, vector<1x16xf32>,
      %swap3A_54 = vector.shape_cast %swap3A_53 : vector<1x16xf32> to vector<16xf32>
      %swap3A_55 = vector.shape_cast %broadcast_in_dim3A_0 : vector<16xf32> to vector<1x16xf32>
      tpu.vector_store %arg12[%swap3A_51, %swap3A_52], %swap3A_55 {strides = array<i32>} : memref<128x128xf32, #tpu.memory_space<vmem>>, vector<1x16xf32>,
      %swap3A_56 = arith.index_cast %scan3A_21 : i32 to index
      %swap3A_57 = arith.constant 112 : index
      %swap3A_58 = tpu.vector_load %arg12[%swap3A_56, %swap3A_57] {strides = array<i32>} : memref<128x128xf32, #tpu.memory_space<vmem>>, vector<1x16xf32>,
      %swap3A_59 = vector.shape_cast %swap3A_58 : vector<1x16xf32> to vector<16xf32>
      %swap3A_60 = vector.shape_cast %broadcast_in_dim3A_0 : vector<16xf32> to vector<1x16xf32>
      tpu.vector_store %arg12[%swap3A_56, %swap3A_57], %swap3A_60 {strides = array<i32>} : memref<128x128xf32, #tpu.memory_space<vmem>>, vector<1x16xf32>,
    }
    %scan3A_4 = arith.constant 128 : i32
    %scan3A_5 = arith.constant 0 : i32
    %scan3A_6 = arith.constant 3 : i32
    %scan3A_7 = arith.addi %scan3A_5, %scan3A_6 : i32
    %scan3A_8 = arith.constant 1 : i32
    scf.for %scan3A_21 = %scan3A_5 to %scan3A_7 step %scan3A_8  : i32 {
      %mul3A = arith.constant 16 : i32
      %mul3A_22 = arith.muli %scan3A_21, %mul3A : i32
      %add3A = arith.addi %arg1, %mul3A_22 : i32
      %lt3A = arith.constant 41 : i32
      %lt3A_23 = arith.cmpi slt, %add3A, %lt3A : i32
      %convert_element_type3A = arith.extui %lt3A_23 : i1 to i32
      %cond3A = arith.constant 0 : i32
      %cond3A_24 = arith.cmpi ne, %convert_element_type3A, %cond3A : i32
      scf.if %cond3A_24 {
        %mul3A_25 = arith.constant 128 : i32
        %mul3A_26 = arith.muli %add3A, %mul3A_25 : i32
        "tpu.region"() ({
          %run_scoped3A = tpu.sem_alloc : memref<!tpu.dma_semaphore, #tpu.memory_space<semaphore_mem>>
          %dma_start3A = arith.constant 0 : i32
          %dma_start3A_27 = tpu.memref_slice %arg13[%mul3A_26, %dma_start3A] : memref<5248x128xf32, #tpu.memory_space<vmem_shared>> -> memref<128x128xf32, #tpu.memory_space<vmem_shared>>
          %dma_start3A_28 = arith.constant 0 : i32
          %dma_start3A_29 = tpu.memref_slice %arg13[%mul3A_26, %dma_start3A_28] : memref<5248x128xf32, #tpu.memory_space<vmem_shared>> -> memref<128x128xf32, #tpu.memory_space<vmem_shared>>
          tpu.enqueue_dma source(%arg12 : memref<128x128xf32, #tpu.memory_space<vmem>>) target(%dma_start3A_29 : memref<128x128xf32, #tpu.memory_space<vmem_shared>>) target_semaphore(%run_scoped3A : memref<!tpu.dma_semaphore, #tpu.memory_space<semaphore_mem>>)
          %dma_wait3A = arith.constant 0 : i32
          %dma_wait3A_30 = tpu.memref_slice %arg13[%mul3A_26, %dma_wait3A] : memref<5248x128xf32, #tpu.memory_space<vmem_shared>> -> memref<128x128xf32, #tpu.memory_space<vmem_shared>>
          %dma_wait3A_31 = arith.constant 0 : i32
          %dma_wait3A_32 = tpu.memref_slice %arg13[%mul3A_26, %dma_wait3A_31] : memref<5248x128xf32, #tpu.memory_space<vmem_shared>> -> memref<128x128xf32, #tpu.memory_space<vmem_shared>>
          tpu.wait_dma2 semaphore(%run_scoped3A : memref<!tpu.dma_semaphore, #tpu.memory_space<semaphore_mem>>) src(%arg12 : memref<128x128xf32, #tpu.memory_space<vmem>>) dst(%dma_wait3A_32 : memref<128x128xf32, #tpu.memory_space<vmem_shared>>)
          tpu.yield
        }) : () -> ()
      } else {
      }
    }
    %scan3A_9 = arith.constant 3 : i32
    %barrier3A = arith.constant 0 : index
    tpu.barrier barrier_id(%barrier3A)
    %scan3A_10 = arith.constant 0 : i32
    %scan3A_11 = arith.constant 160 : i32
    %scan3A_12 = arith.addi %scan3A_10, %scan3A_11 : i32
    %scan3A_13 = arith.constant 1 : i32
    scf.for %scan3A_21 = %scan3A_10 to %scan3A_12 step %scan3A_13  : i32 {
      %mul3A = arith.constant 160 : i32
      %mul3A_22 = arith.muli %arg1, %mul3A : i32
      %add3A = arith.addi %mul3A_22, %scan3A_21 : i32
      %mul3A_23 = arith.constant 128 : i32
      %mul3A_24 = arith.muli %add3A, %mul3A_23 : i32
      "tpu.region"() ({
        %run_scoped3A = tpu.sem_alloc : memref<!tpu.dma_semaphore, #tpu.memory_space<semaphore_mem>>
        %dma_start3A_45 = tpu.memref_slice %arg4[%mul3A_24] : memref<327680xi32, #tpu.memory_space<hbm>> -> memref<128xi32, #tpu.memory_space<hbm>>
        %dma_start3A_46 = tpu.memref_slice %arg4[%mul3A_24] : memref<327680xi32, #tpu.memory_space<hbm>> -> memref<128xi32, #tpu.memory_space<hbm>>
        tpu.enqueue_dma source(%dma_start3A_46 : memref<128xi32, #tpu.memory_space<hbm>>) target(%arg6 : memref<128xi32, #tpu.memory_space<vmem>>) target_semaphore(%run_scoped3A : memref<!tpu.dma_semaphore, #tpu.memory_space<semaphore_mem>>)
        %dma_wait3A_47 = tpu.memref_slice %arg4[%mul3A_24] : memref<327680xi32, #tpu.memory_space<hbm>> -> memref<128xi32, #tpu.memory_space<hbm>>
        %dma_wait3A_48 = tpu.memref_slice %arg4[%mul3A_24] : memref<327680xi32, #tpu.memory_space<hbm>> -> memref<128xi32, #tpu.memory_space<hbm>>
        tpu.wait_dma2 semaphore(%run_scoped3A : memref<!tpu.dma_semaphore, #tpu.memory_space<semaphore_mem>>) src(%dma_wait3A_48 : memref<128xi32, #tpu.memory_space<hbm>>) dst(%arg6 : memref<128xi32, #tpu.memory_space<vmem>>)
        tpu.yield
      }) : () -> ()
      %scan3A_25 = arith.constant 0 : i32
      %scan3A_26 = arith.constant 8 : i32
      %scan3A_27 = arith.addi %scan3A_25, %scan3A_26 : i32
      %scan3A_28 = arith.constant 1 : i32
      scf.for %scan3A_45 = %scan3A_25 to %scan3A_27 step %scan3A_28  : i32 {
        %mul3A_46 = arith.constant 16 : i32
        %mul3A_47 = arith.muli %scan3A_45, %mul3A_46 : i32
        %get3A = arith.index_cast %mul3A_47 : i32 to index
        %get3A_48 = tpu.vector_load %arg6[%get3A] {strides = array<i32>} : memref<128xi32, #tpu.memory_space<vmem>>, vector<16xi32>,
        %get3A_49 = vector.shape_cast %get3A_48 : vector<16xi32> to vector<16xi32>
        %shift_right_logical3A = arith.constant 28 : i32
        %shift_right_logical3A_50 = vector.broadcast %shift_right_logical3A : i32 to vector<16xi32>
        %shift_right_logical3A_51 = arith.shrui %get3A_49, %shift_right_logical3A_50 : vector<16xi32>
        %shift_right_logical3A_52 = arith.constant 14 : i32
        %shift_right_logical3A_53 = vector.broadcast %shift_right_logical3A_52 : i32 to vector<16xi32>
        %shift_right_logical3A_54 = arith.shrui %get3A_49, %shift_right_logical3A_53 : vector<16xi32>
        %and3A = arith.constant 16383 : i32
        %and3A_55 = vector.broadcast %and3A : i32 to vector<16xi32>
        %and3A_56 = arith.andi %shift_right_logical3A_54, %and3A_55 : vector<16xi32>
        %and3A_57 = arith.constant 16383 : i32
        %and3A_58 = vector.broadcast %and3A_57 : i32 to vector<16xi32>
        %and3A_59 = arith.andi %get3A_49, %and3A_58 : vector<16xi32>
        %mul3A_60 = arith.constant 10240 : i32
        %mul3A_61 = vector.broadcast %mul3A_60 : i32 to vector<16xi32>
        %mul3A_62 = arith.muli %shift_right_logical3A_51, %mul3A_61 : vector<16xi32>
        %add3A_63 = arith.addi %mul3A_62, %and3A_56 : vector<16xi32>
        %mul3A_64 = arith.constant 16 : i32
        %mul3A_65 = arith.muli %scan3A_45, %mul3A_64 : i32
        %swap3A = arith.index_cast %mul3A_65 : i32 to index
        %swap3A_66 = tpu.vector_load %arg7[%swap3A] {strides = array<i32>} : memref<128xi32, #tpu.memory_space<vmem>>, vector<16xi32>,
        %swap3A_67 = vector.shape_cast %swap3A_66 : vector<16xi32> to vector<16xi32>
        %swap3A_68 = vector.shape_cast %add3A_63 : vector<16xi32> to vector<16xi32>
        tpu.vector_store %arg7[%swap3A], %swap3A_68 {strides = array<i32>} : memref<128xi32, #tpu.memory_space<vmem>>, vector<16xi32>,
        %mul3A_69 = arith.constant 10240 : i32
        %mul3A_70 = vector.broadcast %mul3A_69 : i32 to vector<16xi32>
        %mul3A_71 = arith.muli %shift_right_logical3A_51, %mul3A_70 : vector<16xi32>
        %add3A_72 = arith.addi %mul3A_71, %and3A_59 : vector<16xi32>
        %mul3A_73 = arith.constant 16 : i32
        %mul3A_74 = arith.muli %scan3A_45, %mul3A_73 : i32
        %swap3A_75 = arith.index_cast %mul3A_74 : i32 to index
        %swap3A_76 = tpu.vector_load %arg8[%swap3A_75] {strides = array<i32>} : memref<128xi32, #tpu.memory_space<vmem>>, vector<16xi32>,
        %swap3A_77 = vector.shape_cast %swap3A_76 : vector<16xi32> to vector<16xi32>
        %swap3A_78 = vector.shape_cast %add3A_72 : vector<16xi32> to vector<16xi32>
        tpu.vector_store %arg8[%swap3A_75], %swap3A_78 {strides = array<i32>} : memref<128xi32, #tpu.memory_space<vmem>>, vector<16xi32>,
        %mul3A_79 = arith.constant 5120 : i32
        %mul3A_80 = arith.muli %arg0, %mul3A_79 : i32
        %sub3A = vector.broadcast %mul3A_80 : i32 to vector<16xi32>
        %sub3A_81 = arith.subi %and3A_59, %sub3A : vector<16xi32>
        %ge3A = arith.constant 0 : i32
        %ge3A_82 = vector.broadcast %ge3A : i32 to vector<16xi32>
        %ge3A_83 = arith.cmpi sge, %sub3A_81, %ge3A_82 : vector<16xi32>
        %lt3A = arith.constant 5120 : i32
        %lt3A_84 = vector.broadcast %lt3A : i32 to vector<16xi32>
        %lt3A_85 = arith.cmpi slt, %sub3A_81, %lt3A_84 : vector<16xi32>
        %and3A_86 = arith.andi %ge3A_83, %lt3A_85 : vector<16xi1>
        %jit3A = arith.constant 5120 : i32
        %broadcast_in_dim3A_87 = vector.broadcast %jit3A : i32 to vector<16xi32>
        %select_n3A = arith.select %and3A_86, %sub3A_81, %broadcast_in_dim3A_87 : vector<16xi1>, vector<16xi32>
        %mul3A_88 = arith.constant 16 : i32
        %mul3A_89 = arith.muli %scan3A_45, %mul3A_88 : i32
        %swap3A_90 = arith.index_cast %mul3A_89 : i32 to index
        %swap3A_91 = tpu.vector_load %arg9[%swap3A_90] {strides = array<i32>} : memref<128xi32, #tpu.memory_space<vmem>>, vector<16xi32>,
        %swap3A_92 = vector.shape_cast %swap3A_91 : vector<16xi32> to vector<16xi32>
        %swap3A_93 = vector.shape_cast %select_n3A : vector<16xi32> to vector<16xi32>
        tpu.vector_store %arg9[%swap3A_90], %swap3A_93 {strides = array<i32>} : memref<128xi32, #tpu.memory_space<vmem>>, vector<16xi32>,
      }
      %scan3A_29 = arith.constant 8 : i32
      %dma_start3A = arith.constant 0 : i32
      %dma_start3A_30 = arith.constant 0 : i32
      %dma_start3A_31 = tpu.memref_slice %arg2[%dma_start3A, %dma_start3A_30] : memref<40960x128xf32, #tpu.memory_space<hbm>> -> memref<40960x128xf32, #tpu.memory_space<hbm>>
      tpu.enqueue_indirect_dma source(%dma_start3A_31 : memref<40960x128xf32, #tpu.memory_space<hbm>>) target(%arg10 : memref<128x128xf32, #tpu.memory_space<vmem>>) offsets(%arg7 : memref<128xi32, #tpu.memory_space<vmem>>) semaphore(%arg14 : memref<!tpu.dma_semaphore, #tpu.memory_space<semaphore_mem>>)
      %dma_start3A_32 = arith.constant 0 : i32
      %dma_start3A_33 = arith.constant 0 : i32
      %dma_start3A_34 = tpu.memref_slice %arg3[%dma_start3A_32, %dma_start3A_33] : memref<40960x256xf32, #tpu.memory_space<hbm>> -> memref<40960x256xf32, #tpu.memory_space<hbm>>
      tpu.enqueue_indirect_dma source(%dma_start3A_34 : memref<40960x256xf32, #tpu.memory_space<hbm>>) target(%arg11 : memref<128x256xf32, #tpu.memory_space<vmem>>) offsets(%arg8 : memref<128xi32, #tpu.memory_space<vmem>>) semaphore(%arg15 : memref<!tpu.dma_semaphore, #tpu.memory_space<semaphore_mem>>)
      %dma_wait3A = arith.constant 0 : i32
      %dma_wait3A_35 = arith.constant 0 : i32
      %dma_wait3A_36 = tpu.memref_slice %arg2[%dma_wait3A, %dma_wait3A_35] : memref<40960x128xf32, #tpu.memory_space<hbm>> -> memref<40960x128xf32, #tpu.memory_space<hbm>>
      tpu.wait_indirect_dma semaphore(%arg14 : memref<!tpu.dma_semaphore, #tpu.memory_space<semaphore_mem>>) src(%dma_wait3A_36 : memref<40960x128xf32, #tpu.memory_space<hbm>>) dst(%arg10 : memref<128x128xf32, #tpu.memory_space<vmem>>)
      %dma_wait3A_37 = arith.constant 0 : i32
      %dma_wait3A_38 = arith.constant 0 : i32
      %dma_wait3A_39 = tpu.memref_slice %arg3[%dma_wait3A_37, %dma_wait3A_38] : memref<40960x256xf32, #tpu.memory_space<hbm>> -> memref<40960x256xf32, #tpu.memory_space<hbm>>
      tpu.wait_indirect_dma semaphore(%arg15 : memref<!tpu.dma_semaphore, #tpu.memory_space<semaphore_mem>>) src(%dma_wait3A_39 : memref<40960x256xf32, #tpu.memory_space<hbm>>) dst(%arg11 : memref<128x256xf32, #tpu.memory_space<vmem>>)
      %scan3A_40 = arith.constant 0 : i32
      %scan3A_41 = arith.constant 128 : i32
      %scan3A_42 = arith.addi %scan3A_40, %scan3A_41 : i32
      %scan3A_43 = arith.constant 1 : i32
      scf.for %scan3A_45 = %scan3A_40 to %scan3A_42 step %scan3A_43  : i32 {
        %get3A = arith.index_cast %scan3A_45 : i32 to index
        %get3A_46 = arith.constant 0 : index
        %get3A_47 = tpu.vector_load %arg10[%get3A, %get3A_46] {strides = array<i32>} : memref<128x128xf32, #tpu.memory_space<vmem>>, vector<1x16xf32>,
        %get3A_48 = vector.shape_cast %get3A_47 : vector<1x16xf32> to vector<16xf32>
        %get3A_49 = arith.index_cast %scan3A_45 : i32 to index
        %get3A_50 = arith.constant 0 : index
        %get3A_51 = tpu.vector_load %arg11[%get3A_49, %get3A_50] {strides = array<i32>} : memref<128x256xf32, #tpu.memory_space<vmem>>, vector<1x16xf32>,
        %get3A_52 = vector.shape_cast %get3A_51 : vector<1x16xf32> to vector<16xf32>
        %get3A_53 = arith.index_cast %scan3A_45 : i32 to index
        %get3A_54 = arith.constant 128 : index
        %get3A_55 = tpu.vector_load %arg11[%get3A_53, %get3A_54] {strides = array<i32>} : memref<128x256xf32, #tpu.memory_space<vmem>>, vector<1x16xf32>,
        %get3A_56 = vector.shape_cast %get3A_55 : vector<1x16xf32> to vector<16xf32>
        %mul3A_57 = arith.mulf %get3A_56, %get3A_48 : vector<16xf32>
        %add3A_58 = arith.addf %mul3A_57, %get3A_52 : vector<16xf32>
        %max3A = arith.constant 0.000000e+00 : f32
        %max3A_59 = vector.broadcast %max3A : f32 to vector<16xf32>
        %max3A_60 = arith.maximumf %add3A_58, %max3A_59 : vector<16xf32>
        %swap3A = arith.index_cast %scan3A_45 : i32 to index
        %swap3A_61 = arith.constant 0 : index
        %swap3A_62 = tpu.vector_load %arg12[%swap3A, %swap3A_61] {strides = array<i32>} : memref<128x128xf32, #tpu.memory_space<vmem>>, vector<1x16xf32>,
        %swap3A_63 = vector.shape_cast %swap3A_62 : vector<1x16xf32> to vector<16xf32>
        %swap3A_64 = vector.shape_cast %max3A_60 : vector<16xf32> to vector<1x16xf32>
        tpu.vector_store %arg12[%swap3A, %swap3A_61], %swap3A_64 {strides = array<i32>} : memref<128x128xf32, #tpu.memory_space<vmem>>, vector<1x16xf32>,
        %get3A_65 = arith.index_cast %scan3A_45 : i32 to index
        %get3A_66 = arith.constant 16 : index
        %get3A_67 = tpu.vector_load %arg10[%get3A_65, %get3A_66] {strides = array<i32>} : memref<128x128xf32, #tpu.memory_space<vmem>>, vector<1x16xf32>,
        %get3A_68 = vector.shape_cast %get3A_67 : vector<1x16xf32> to vector<16xf32>
        %get3A_69 = arith.index_cast %scan3A_45 : i32 to index
        %get3A_70 = arith.constant 16 : index
        %get3A_71 = tpu.vector_load %arg11[%get3A_69, %get3A_70] {strides = array<i32>} : memref<128x256xf32, #tpu.memory_space<vmem>>, vector<1x16xf32>,
        %get3A_72 = vector.shape_cast %get3A_71 : vector<1x16xf32> to vector<16xf32>
        %get3A_73 = arith.index_cast %scan3A_45 : i32 to index
        %get3A_74 = arith.constant 144 : index
        %get3A_75 = tpu.vector_load %arg11[%get3A_73, %get3A_74] {strides = array<i32>} : memref<128x256xf32, #tpu.memory_space<vmem>>, vector<1x16xf32>,
        %get3A_76 = vector.shape_cast %get3A_75 : vector<1x16xf32> to vector<16xf32>
        %mul3A_77 = arith.mulf %get3A_76, %get3A_68 : vector<16xf32>
        %add3A_78 = arith.addf %mul3A_77, %get3A_72 : vector<16xf32>
        %max3A_79 = arith.constant 0.000000e+00 : f32
        %max3A_80 = vector.broadcast %max3A_79 : f32 to vector<16xf32>
        %max3A_81 = arith.maximumf %add3A_78, %max3A_80 : vector<16xf32>
        %swap3A_82 = arith.index_cast %scan3A_45 : i32 to index
        %swap3A_83 = arith.constant 16 : index
        %swap3A_84 = tpu.vector_load %arg12[%swap3A_82, %swap3A_83] {strides = array<i32>} : memref<128x128xf32, #tpu.memory_space<vmem>>, vector<1x16xf32>,
        %swap3A_85 = vector.shape_cast %swap3A_84 : vector<1x16xf32> to vector<16xf32>
        %swap3A_86 = vector.shape_cast %max3A_81 : vector<16xf32> to vector<1x16xf32>
        tpu.vector_store %arg12[%swap3A_82, %swap3A_83], %swap3A_86 {strides = array<i32>} : memref<128x128xf32, #tpu.memory_space<vmem>>, vector<1x16xf32>,
        %get3A_87 = arith.index_cast %scan3A_45 : i32 to index
        %get3A_88 = arith.constant 32 : index
        %get3A_89 = tpu.vector_load %arg10[%get3A_87, %get3A_88] {strides = array<i32>} : memref<128x128xf32, #tpu.memory_space<vmem>>, vector<1x16xf32>,
        %get3A_90 = vector.shape_cast %get3A_89 : vector<1x16xf32> to vector<16xf32>
        %get3A_91 = arith.index_cast %scan3A_45 : i32 to index
        %get3A_92 = arith.constant 32 : index
        %get3A_93 = tpu.vector_load %arg11[%get3A_91, %get3A_92] {strides = array<i32>} : memref<128x256xf32, #tpu.memory_space<vmem>>, vector<1x16xf32>,
        %get3A_94 = vector.shape_cast %get3A_93 : vector<1x16xf32> to vector<16xf32>
        %get3A_95 = arith.index_cast %scan3A_45 : i32 to index
        %get3A_96 = arith.constant 160 : index
        %get3A_97 = tpu.vector_load %arg11[%get3A_95, %get3A_96] {strides = array<i32>} : memref<128x256xf32, #tpu.memory_space<vmem>>, vector<1x16xf32>,
        %get3A_98 = vector.shape_cast %get3A_97 : vector<1x16xf32> to vector<16xf32>
        %mul3A_99 = arith.mulf %get3A_98, %get3A_90 : vector<16xf32>
        %add3A_100 = arith.addf %mul3A_99, %get3A_94 : vector<16xf32>
        %max3A_101 = arith.constant 0.000000e+00 : f32
        %max3A_102 = vector.broadcast %max3A_101 : f32 to vector<16xf32>
        %max3A_103 = arith.maximumf %add3A_100, %max3A_102 : vector<16xf32>
        %swap3A_104 = arith.index_cast %scan3A_45 : i32 to index
        %swap3A_105 = arith.constant 32 : index
        %swap3A_106 = tpu.vector_load %arg12[%swap3A_104, %swap3A_105] {strides = array<i32>} : memref<128x128xf32, #tpu.memory_space<vmem>>, vector<1x16xf32>,
        %swap3A_107 = vector.shape_cast %swap3A_106 : vector<1x16xf32> to vector<16xf32>
        %swap3A_108 = vector.shape_cast %max3A_103 : vector<16xf32> to vector<1x16xf32>
        tpu.vector_store %arg12[%swap3A_104, %swap3A_105], %swap3A_108 {strides = array<i32>} : memref<128x128xf32, #tpu.memory_space<vmem>>, vector<1x16xf32>,
        %get3A_109 = arith.index_cast %scan3A_45 : i32 to index
        %get3A_110 = arith.constant 48 : index
        %get3A_111 = tpu.vector_load %arg10[%get3A_109, %get3A_110] {strides = array<i32>} : memref<128x128xf32, #tpu.memory_space<vmem>>, vector<1x16xf32>,
        %get3A_112 = vector.shape_cast %get3A_111 : vector<1x16xf32> to vector<16xf32>
        %get3A_113 = arith.index_cast %scan3A_45 : i32 to index
        %get3A_114 = arith.constant 48 : index
        %get3A_115 = tpu.vector_load %arg11[%get3A_113, %get3A_114] {strides = array<i32>} : memref<128x256xf32, #tpu.memory_space<vmem>>, vector<1x16xf32>,
        %get3A_116 = vector.shape_cast %get3A_115 : vector<1x16xf32> to vector<16xf32>
        %get3A_117 = arith.index_cast %scan3A_45 : i32 to index
        %get3A_118 = arith.constant 176 : index
        %get3A_119 = tpu.vector_load %arg11[%get3A_117, %get3A_118] {strides = array<i32>} : memref<128x256xf32, #tpu.memory_space<vmem>>, vector<1x16xf32>,
        %get3A_120 = vector.shape_cast %get3A_119 : vector<1x16xf32> to vector<16xf32>
        %mul3A_121 = arith.mulf %get3A_120, %get3A_112 : vector<16xf32>
        %add3A_122 = arith.addf %mul3A_121, %get3A_116 : vector<16xf32>
        %max3A_123 = arith.constant 0.000000e+00 : f32
        %max3A_124 = vector.broadcast %max3A_123 : f32 to vector<16xf32>
        %max3A_125 = arith.maximumf %add3A_122, %max3A_124 : vector<16xf32>
        %swap3A_126 = arith.index_cast %scan3A_45 : i32 to index
        %swap3A_127 = arith.constant 48 : index
        %swap3A_128 = tpu.vector_load %arg12[%swap3A_126, %swap3A_127] {strides = array<i32>} : memref<128x128xf32, #tpu.memory_space<vmem>>, vector<1x16xf32>,
        %swap3A_129 = vector.shape_cast %swap3A_128 : vector<1x16xf32> to vector<16xf32>
        %swap3A_130 = vector.shape_cast %max3A_125 : vector<16xf32> to vector<1x16xf32>
        tpu.vector_store %arg12[%swap3A_126, %swap3A_127], %swap3A_130 {strides = array<i32>} : memref<128x128xf32, #tpu.memory_space<vmem>>, vector<1x16xf32>,
        %get3A_131 = arith.index_cast %scan3A_45 : i32 to index
        %get3A_132 = arith.constant 64 : index
        %get3A_133 = tpu.vector_load %arg10[%get3A_131, %get3A_132] {strides = array<i32>} : memref<128x128xf32, #tpu.memory_space<vmem>>, vector<1x16xf32>,
        %get3A_134 = vector.shape_cast %get3A_133 : vector<1x16xf32> to vector<16xf32>
        %get3A_135 = arith.index_cast %scan3A_45 : i32 to index
        %get3A_136 = arith.constant 64 : index
        %get3A_137 = tpu.vector_load %arg11[%get3A_135, %get3A_136] {strides = array<i32>} : memref<128x256xf32, #tpu.memory_space<vmem>>, vector<1x16xf32>,
        %get3A_138 = vector.shape_cast %get3A_137 : vector<1x16xf32> to vector<16xf32>
        %get3A_139 = arith.index_cast %scan3A_45 : i32 to index
        %get3A_140 = arith.constant 192 : index
        %get3A_141 = tpu.vector_load %arg11[%get3A_139, %get3A_140] {strides = array<i32>} : memref<128x256xf32, #tpu.memory_space<vmem>>, vector<1x16xf32>,
        %get3A_142 = vector.shape_cast %get3A_141 : vector<1x16xf32> to vector<16xf32>
        %mul3A_143 = arith.mulf %get3A_142, %get3A_134 : vector<16xf32>
        %add3A_144 = arith.addf %mul3A_143, %get3A_138 : vector<16xf32>
        %max3A_145 = arith.constant 0.000000e+00 : f32
        %max3A_146 = vector.broadcast %max3A_145 : f32 to vector<16xf32>
        %max3A_147 = arith.maximumf %add3A_144, %max3A_146 : vector<16xf32>
        %swap3A_148 = arith.index_cast %scan3A_45 : i32 to index
        %swap3A_149 = arith.constant 64 : index
        %swap3A_150 = tpu.vector_load %arg12[%swap3A_148, %swap3A_149] {strides = array<i32>} : memref<128x128xf32, #tpu.memory_space<vmem>>, vector<1x16xf32>,
        %swap3A_151 = vector.shape_cast %swap3A_150 : vector<1x16xf32> to vector<16xf32>
        %swap3A_152 = vector.shape_cast %max3A_147 : vector<16xf32> to vector<1x16xf32>
        tpu.vector_store %arg12[%swap3A_148, %swap3A_149], %swap3A_152 {strides = array<i32>} : memref<128x128xf32, #tpu.memory_space<vmem>>, vector<1x16xf32>,
        %get3A_153 = arith.index_cast %scan3A_45 : i32 to index
        %get3A_154 = arith.constant 80 : index
        %get3A_155 = tpu.vector_load %arg10[%get3A_153, %get3A_154] {strides = array<i32>} : memref<128x128xf32, #tpu.memory_space<vmem>>, vector<1x16xf32>,
        %get3A_156 = vector.shape_cast %get3A_155 : vector<1x16xf32> to vector<16xf32>
        %get3A_157 = arith.index_cast %scan3A_45 : i32 to index
        %get3A_158 = arith.constant 80 : index
        %get3A_159 = tpu.vector_load %arg11[%get3A_157, %get3A_158] {strides = array<i32>} : memref<128x256xf32, #tpu.memory_space<vmem>>, vector<1x16xf32>,
        %get3A_160 = vector.shape_cast %get3A_159 : vector<1x16xf32> to vector<16xf32>
        %get3A_161 = arith.index_cast %scan3A_45 : i32 to index
        %get3A_162 = arith.constant 208 : index
        %get3A_163 = tpu.vector_load %arg11[%get3A_161, %get3A_162] {strides = array<i32>} : memref<128x256xf32, #tpu.memory_space<vmem>>, vector<1x16xf32>,
        %get3A_164 = vector.shape_cast %get3A_163 : vector<1x16xf32> to vector<16xf32>
        %mul3A_165 = arith.mulf %get3A_164, %get3A_156 : vector<16xf32>
        %add3A_166 = arith.addf %mul3A_165, %get3A_160 : vector<16xf32>
        %max3A_167 = arith.constant 0.000000e+00 : f32
        %max3A_168 = vector.broadcast %max3A_167 : f32 to vector<16xf32>
        %max3A_169 = arith.maximumf %add3A_166, %max3A_168 : vector<16xf32>
        %swap3A_170 = arith.index_cast %scan3A_45 : i32 to index
        %swap3A_171 = arith.constant 80 : index
        %swap3A_172 = tpu.vector_load %arg12[%swap3A_170, %swap3A_171] {strides = array<i32>} : memref<128x128xf32, #tpu.memory_space<vmem>>, vector<1x16xf32>,
        %swap3A_173 = vector.shape_cast %swap3A_172 : vector<1x16xf32> to vector<16xf32>
        %swap3A_174 = vector.shape_cast %max3A_169 : vector<16xf32> to vector<1x16xf32>
        tpu.vector_store %arg12[%swap3A_170, %swap3A_171], %swap3A_174 {strides = array<i32>} : memref<128x128xf32, #tpu.memory_space<vmem>>, vector<1x16xf32>,
        %get3A_175 = arith.index_cast %scan3A_45 : i32 to index
        %get3A_176 = arith.constant 96 : index
        %get3A_177 = tpu.vector_load %arg10[%get3A_175, %get3A_176] {strides = array<i32>} : memref<128x128xf32, #tpu.memory_space<vmem>>, vector<1x16xf32>,
        %get3A_178 = vector.shape_cast %get3A_177 : vector<1x16xf32> to vector<16xf32>
        %get3A_179 = arith.index_cast %scan3A_45 : i32 to index
        %get3A_180 = arith.constant 96 : index
        %get3A_181 = tpu.vector_load %arg11[%get3A_179, %get3A_180] {strides = array<i32>} : memref<128x256xf32, #tpu.memory_space<vmem>>, vector<1x16xf32>,
        %get3A_182 = vector.shape_cast %get3A_181 : vector<1x16xf32> to vector<16xf32>
        %get3A_183 = arith.index_cast %scan3A_45 : i32 to index
        %get3A_184 = arith.constant 224 : index
        %get3A_185 = tpu.vector_load %arg11[%get3A_183, %get3A_184] {strides = array<i32>} : memref<128x256xf32, #tpu.memory_space<vmem>>, vector<1x16xf32>,
        %get3A_186 = vector.shape_cast %get3A_185 : vector<1x16xf32> to vector<16xf32>
        %mul3A_187 = arith.mulf %get3A_186, %get3A_178 : vector<16xf32>
        %add3A_188 = arith.addf %mul3A_187, %get3A_182 : vector<16xf32>
        %max3A_189 = arith.constant 0.000000e+00 : f32
        %max3A_190 = vector.broadcast %max3A_189 : f32 to vector<16xf32>
        %max3A_191 = arith.maximumf %add3A_188, %max3A_190 : vector<16xf32>
        %swap3A_192 = arith.index_cast %scan3A_45 : i32 to index
        %swap3A_193 = arith.constant 96 : index
        %swap3A_194 = tpu.vector_load %arg12[%swap3A_192, %swap3A_193] {strides = array<i32>} : memref<128x128xf32, #tpu.memory_space<vmem>>, vector<1x16xf32>,
        %swap3A_195 = vector.shape_cast %swap3A_194 : vector<1x16xf32> to vector<16xf32>
        %swap3A_196 = vector.shape_cast %max3A_191 : vector<16xf32> to vector<1x16xf32>
        tpu.vector_store %arg12[%swap3A_192, %swap3A_193], %swap3A_196 {strides = array<i32>} : memref<128x128xf32, #tpu.memory_space<vmem>>, vector<1x16xf32>,
        %get3A_197 = arith.index_cast %scan3A_45 : i32 to index
        %get3A_198 = arith.constant 112 : index
        %get3A_199 = tpu.vector_load %arg10[%get3A_197, %get3A_198] {strides = array<i32>} : memref<128x128xf32, #tpu.memory_space<vmem>>, vector<1x16xf32>,
        %get3A_200 = vector.shape_cast %get3A_199 : vector<1x16xf32> to vector<16xf32>
        %get3A_201 = arith.index_cast %scan3A_45 : i32 to index
        %get3A_202 = arith.constant 112 : index
        %get3A_203 = tpu.vector_load %arg11[%get3A_201, %get3A_202] {strides = array<i32>} : memref<128x256xf32, #tpu.memory_space<vmem>>, vector<1x16xf32>,
        %get3A_204 = vector.shape_cast %get3A_203 : vector<1x16xf32> to vector<16xf32>
        %get3A_205 = arith.index_cast %scan3A_45 : i32 to index
        %get3A_206 = arith.constant 240 : index
        %get3A_207 = tpu.vector_load %arg11[%get3A_205, %get3A_206] {strides = array<i32>} : memref<128x256xf32, #tpu.memory_space<vmem>>, vector<1x16xf32>,
        %get3A_208 = vector.shape_cast %get3A_207 : vector<1x16xf32> to vector<16xf32>
        %mul3A_209 = arith.mulf %get3A_208, %get3A_200 : vector<16xf32>
        %add3A_210 = arith.addf %mul3A_209, %get3A_204 : vector<16xf32>
        %max3A_211 = arith.constant 0.000000e+00 : f32
        %max3A_212 = vector.broadcast %max3A_211 : f32 to vector<16xf32>
        %max3A_213 = arith.maximumf %add3A_210, %max3A_212 : vector<16xf32>
        %swap3A_214 = arith.index_cast %scan3A_45 : i32 to index
        %swap3A_215 = arith.constant 112 : index
        %swap3A_216 = tpu.vector_load %arg12[%swap3A_214, %swap3A_215] {strides = array<i32>} : memref<128x128xf32, #tpu.memory_space<vmem>>, vector<1x16xf32>,
        %swap3A_217 = vector.shape_cast %swap3A_216 : vector<1x16xf32> to vector<16xf32>
        %swap3A_218 = vector.shape_cast %max3A_213 : vector<16xf32> to vector<1x16xf32>
        tpu.vector_store %arg12[%swap3A_214, %swap3A_215], %swap3A_218 {strides = array<i32>} : memref<128x128xf32, #tpu.memory_space<vmem>>, vector<1x16xf32>,
      }
      %scan3A_44 = arith.constant 128 : i32
      "tpu.region"() ({
        %run_scoped3A = tpu.sem_alloc : memref<!tpu.dma_semaphore, #tpu.memory_space<semaphore_mem>>
        %dma_start3A_45 = arith.constant 0 : i32
        %dma_start3A_46 = arith.constant 0 : i32
        %dma_start3A_47 = tpu.memref_slice %arg13[%dma_start3A_45, %dma_start3A_46] : memref<5248x128xf32, #tpu.memory_space<vmem_shared>> -> memref<5248x128xf32, #tpu.memory_space<vmem_shared>>
        tpu.enqueue_indirect_dma source(%arg12 : memref<128x128xf32, #tpu.memory_space<vmem>>) target(%dma_start3A_47 : memref<5248x128xf32, #tpu.memory_space<vmem_shared>>) offsets(%arg9 : memref<128xi32, #tpu.memory_space<vmem>>) semaphore(%run_scoped3A : memref<!tpu.dma_semaphore, #tpu.memory_space<semaphore_mem>>) {add = true}
        %dma_wait3A_48 = arith.constant 0 : i32
        %dma_wait3A_49 = arith.constant 0 : i32
        %dma_wait3A_50 = tpu.memref_slice %arg13[%dma_wait3A_48, %dma_wait3A_49] : memref<5248x128xf32, #tpu.memory_space<vmem_shared>> -> memref<5248x128xf32, #tpu.memory_space<vmem_shared>>
        tpu.wait_indirect_dma semaphore(%run_scoped3A : memref<!tpu.dma_semaphore, #tpu.memory_space<semaphore_mem>>) src(%arg12 : memref<128x128xf32, #tpu.memory_space<vmem>>) dst(%dma_wait3A_50 : memref<5248x128xf32, #tpu.memory_space<vmem_shared>>)
        tpu.yield
      }) : () -> ()
    }
    %scan3A_14 = arith.constant 160 : i32
    %barrier3A_15 = arith.constant 0 : index
    tpu.barrier barrier_id(%barrier3A_15)
    %scan3A_16 = arith.constant 0 : i32
    %scan3A_17 = arith.constant 3 : i32
    %scan3A_18 = arith.addi %scan3A_16, %scan3A_17 : i32
    %scan3A_19 = arith.constant 1 : i32
    scf.for %scan3A_21 = %scan3A_16 to %scan3A_18 step %scan3A_19  : i32 {
      %mul3A = arith.constant 16 : i32
      %mul3A_22 = arith.muli %scan3A_21, %mul3A : i32
      %add3A = arith.addi %arg1, %mul3A_22 : i32
      %lt3A = arith.constant 40 : i32
      %lt3A_23 = arith.cmpi slt, %add3A, %lt3A : i32
      %convert_element_type3A = arith.extui %lt3A_23 : i1 to i32
      %cond3A = arith.constant 0 : i32
      %cond3A_24 = arith.cmpi ne, %convert_element_type3A, %cond3A : i32
      scf.if %cond3A_24 {
        %mul3A_25 = arith.constant 128 : i32
        %mul3A_26 = arith.muli %add3A, %mul3A_25 : i32
        "tpu.region"() ({
          %run_scoped3A = tpu.sem_alloc : memref<!tpu.dma_semaphore, #tpu.memory_space<semaphore_mem>>
          %dma_start3A = arith.constant 0 : i32
          %dma_start3A_29 = tpu.memref_slice %arg13[%mul3A_26, %dma_start3A] : memref<5248x128xf32, #tpu.memory_space<vmem_shared>> -> memref<128x128xf32, #tpu.memory_space<vmem_shared>>
          %dma_start3A_30 = arith.constant 0 : i32
          %dma_start3A_31 = tpu.memref_slice %arg13[%mul3A_26, %dma_start3A_30] : memref<5248x128xf32, #tpu.memory_space<vmem_shared>> -> memref<128x128xf32, #tpu.memory_space<vmem_shared>>
          tpu.enqueue_dma source(%dma_start3A_31 : memref<128x128xf32, #tpu.memory_space<vmem_shared>>) target(%arg12 : memref<128x128xf32, #tpu.memory_space<vmem>>) target_semaphore(%run_scoped3A : memref<!tpu.dma_semaphore, #tpu.memory_space<semaphore_mem>>)
          %dma_wait3A = arith.constant 0 : i32
          %dma_wait3A_32 = tpu.memref_slice %arg13[%mul3A_26, %dma_wait3A] : memref<5248x128xf32, #tpu.memory_space<vmem_shared>> -> memref<128x128xf32, #tpu.memory_space<vmem_shared>>
          %dma_wait3A_33 = arith.constant 0 : i32
          %dma_wait3A_34 = tpu.memref_slice %arg13[%mul3A_26, %dma_wait3A_33] : memref<5248x128xf32, #tpu.memory_space<vmem_shared>> -> memref<128x128xf32, #tpu.memory_space<vmem_shared>>
          tpu.wait_dma2 semaphore(%run_scoped3A : memref<!tpu.dma_semaphore, #tpu.memory_space<semaphore_mem>>) src(%dma_wait3A_34 : memref<128x128xf32, #tpu.memory_space<vmem_shared>>) dst(%arg12 : memref<128x128xf32, #tpu.memory_space<vmem>>)
          tpu.yield
        }) : () -> ()
        %mul3A_27 = arith.constant 128 : i32
        %mul3A_28 = arith.muli %add3A, %mul3A_27 : i32
        "tpu.region"() ({
          %run_scoped3A = tpu.sem_alloc : memref<!tpu.dma_semaphore, #tpu.memory_space<semaphore_mem>>
          %dma_start3A = arith.constant 0 : i32
          %dma_start3A_29 = tpu.memref_slice %arg5[%arg0, %mul3A_28, %dma_start3A] : memref<2x5120x128xf32, #tpu.memory_space<hbm>> -> memref<1x128x128xf32, #tpu.memory_space<hbm>>
          %dma_start3A_30 = tpu.memref_squeeze %dma_start3A_29 : memref<1x128x128xf32, #tpu.memory_space<hbm>> -> memref<128x128xf32, #tpu.memory_space<hbm>>
          %dma_start3A_31 = arith.constant 0 : i32
          %dma_start3A_32 = tpu.memref_slice %arg5[%arg0, %mul3A_28, %dma_start3A_31] : memref<2x5120x128xf32, #tpu.memory_space<hbm>> -> memref<1x128x128xf32, #tpu.memory_space<hbm>>
          %dma_start3A_33 = tpu.memref_squeeze %dma_start3A_32 : memref<1x128x128xf32, #tpu.memory_space<hbm>> -> memref<128x128xf32, #tpu.memory_space<hbm>>
          tpu.enqueue_dma source(%arg12 : memref<128x128xf32, #tpu.memory_space<vmem>>) target(%dma_start3A_33 : memref<128x128xf32, #tpu.memory_space<hbm>>) target_semaphore(%run_scoped3A : memref<!tpu.dma_semaphore, #tpu.memory_space<semaphore_mem>>)
          %dma_wait3A = arith.constant 0 : i32
          %dma_wait3A_34 = tpu.memref_slice %arg5[%arg0, %mul3A_28, %dma_wait3A] : memref<2x5120x128xf32, #tpu.memory_space<hbm>> -> memref<1x128x128xf32, #tpu.memory_space<hbm>>
          %dma_wait3A_35 = tpu.memref_squeeze %dma_wait3A_34 : memref<1x128x128xf32, #tpu.memory_space<hbm>> -> memref<128x128xf32, #tpu.memory_space<hbm>>
          %dma_wait3A_36 = arith.constant 0 : i32
          %dma_wait3A_37 = tpu.memref_slice %arg5[%arg0, %mul3A_28, %dma_wait3A_36] : memref<2x5120x128xf32, #tpu.memory_space<hbm>> -> memref<1x128x128xf32, #tpu.memory_space<hbm>>
          %dma_wait3A_38 = tpu.memref_squeeze %dma_wait3A_37 : memref<1x128x128xf32, #tpu.memory_space<hbm>> -> memref<128x128xf32, #tpu.memory_space<hbm>>
          tpu.wait_dma2 semaphore(%run_scoped3A : memref<!tpu.dma_semaphore, #tpu.memory_space<semaphore_mem>>) src(%arg12 : memref<128x128xf32, #tpu.memory_space<vmem>>) dst(%dma_wait3A_38 : memref<128x128xf32, #tpu.memory_space<hbm>>)
          tpu.yield
        }) : () -> ()
      } else {
      }
    }
    %scan3A_20 = arith.constant 3 : i32
    return
  }
}

#map = affine_map<(d0, d1) -> (0)>
#map1 = affine_map<(d0, d1) -> (0, 0, 0)>
module attributes {stable_mosaic.version = 14 : i64} {
  func.func @_count_kernel(%arg0: i32, %arg1: i32, %arg2: memref<327680xi32, #tpu.memory_space<hbm>>, %arg3: memref<2x5120x128xf32, #tpu.memory_space<hbm>>, %arg4: memref<128xi32, #tpu.memory_space<vmem>>, %arg5: memref<128xi32, #tpu.memory_space<vmem>>, %arg6: memref<128x128xf32, #tpu.memory_space<vmem>>, %arg7: memref<5248x128xf32, #tpu.memory_space<vmem_shared>>, %arg8: memref<!tpu.dma_semaphore, #tpu.memory_space<semaphore_mem>>) attributes {dimension_semantics = [#tpu.dimension_semantics<core_parallel>, #tpu.dimension_semantics<subcore_parallel>], iteration_bounds = array<i64: 2, 16>, scalar_prefetch = 0 : i64, scratch_operands = 5 : i64, tpu.core_type = #tpu.core_type<sc_vector_subcore>, window_params = [{transform_indices = #map}, {transform_indices = #map1}]} {
    %broadcast_in_dim3A = arith.constant 0.000000e+00 : f32
    %broadcast_in_dim3A_0 = vector.broadcast %broadcast_in_dim3A : f32 to vector<16xf32>
    %iota3A = tpu.iota {dimensions = array<i32: 0>} : vector<16xi32>
    %scan3A = arith.constant 0 : i32
    %scan3A_1 = arith.constant 128 : i32
    %scan3A_2 = arith.addi %scan3A, %scan3A_1 : i32
    %scan3A_3 = arith.constant 1 : i32
    scf.for %scan3A_21 = %scan3A to %scan3A_2 step %scan3A_3  : i32 {
      %swap3A = arith.index_cast %scan3A_21 : i32 to index
      %swap3A_22 = arith.constant 0 : index
      %swap3A_23 = tpu.vector_load %arg6[%swap3A, %swap3A_22] {strides = array<i32>} : memref<128x128xf32, #tpu.memory_space<vmem>>, vector<1x16xf32>,
      %swap3A_24 = vector.shape_cast %swap3A_23 : vector<1x16xf32> to vector<16xf32>
      %swap3A_25 = vector.shape_cast %broadcast_in_dim3A_0 : vector<16xf32> to vector<1x16xf32>
      tpu.vector_store %arg6[%swap3A, %swap3A_22], %swap3A_25 {strides = array<i32>} : memref<128x128xf32, #tpu.memory_space<vmem>>, vector<1x16xf32>,
      %swap3A_26 = arith.index_cast %scan3A_21 : i32 to index
      %swap3A_27 = arith.constant 16 : index
      %swap3A_28 = tpu.vector_load %arg6[%swap3A_26, %swap3A_27] {strides = array<i32>} : memref<128x128xf32, #tpu.memory_space<vmem>>, vector<1x16xf32>,
      %swap3A_29 = vector.shape_cast %swap3A_28 : vector<1x16xf32> to vector<16xf32>
      %swap3A_30 = vector.shape_cast %broadcast_in_dim3A_0 : vector<16xf32> to vector<1x16xf32>
      tpu.vector_store %arg6[%swap3A_26, %swap3A_27], %swap3A_30 {strides = array<i32>} : memref<128x128xf32, #tpu.memory_space<vmem>>, vector<1x16xf32>,
      %swap3A_31 = arith.index_cast %scan3A_21 : i32 to index
      %swap3A_32 = arith.constant 32 : index
      %swap3A_33 = tpu.vector_load %arg6[%swap3A_31, %swap3A_32] {strides = array<i32>} : memref<128x128xf32, #tpu.memory_space<vmem>>, vector<1x16xf32>,
      %swap3A_34 = vector.shape_cast %swap3A_33 : vector<1x16xf32> to vector<16xf32>
      %swap3A_35 = vector.shape_cast %broadcast_in_dim3A_0 : vector<16xf32> to vector<1x16xf32>
      tpu.vector_store %arg6[%swap3A_31, %swap3A_32], %swap3A_35 {strides = array<i32>} : memref<128x128xf32, #tpu.memory_space<vmem>>, vector<1x16xf32>,
      %swap3A_36 = arith.index_cast %scan3A_21 : i32 to index
      %swap3A_37 = arith.constant 48 : index
      %swap3A_38 = tpu.vector_load %arg6[%swap3A_36, %swap3A_37] {strides = array<i32>} : memref<128x128xf32, #tpu.memory_space<vmem>>, vector<1x16xf32>,
      %swap3A_39 = vector.shape_cast %swap3A_38 : vector<1x16xf32> to vector<16xf32>
      %swap3A_40 = vector.shape_cast %broadcast_in_dim3A_0 : vector<16xf32> to vector<1x16xf32>
      tpu.vector_store %arg6[%swap3A_36, %swap3A_37], %swap3A_40 {strides = array<i32>} : memref<128x128xf32, #tpu.memory_space<vmem>>, vector<1x16xf32>,
      %swap3A_41 = arith.index_cast %scan3A_21 : i32 to index
      %swap3A_42 = arith.constant 64 : index
      %swap3A_43 = tpu.vector_load %arg6[%swap3A_41, %swap3A_42] {strides = array<i32>} : memref<128x128xf32, #tpu.memory_space<vmem>>, vector<1x16xf32>,
      %swap3A_44 = vector.shape_cast %swap3A_43 : vector<1x16xf32> to vector<16xf32>
      %swap3A_45 = vector.shape_cast %broadcast_in_dim3A_0 : vector<16xf32> to vector<1x16xf32>
      tpu.vector_store %arg6[%swap3A_41, %swap3A_42], %swap3A_45 {strides = array<i32>} : memref<128x128xf32, #tpu.memory_space<vmem>>, vector<1x16xf32>,
      %swap3A_46 = arith.index_cast %scan3A_21 : i32 to index
      %swap3A_47 = arith.constant 80 : index
      %swap3A_48 = tpu.vector_load %arg6[%swap3A_46, %swap3A_47] {strides = array<i32>} : memref<128x128xf32, #tpu.memory_space<vmem>>, vector<1x16xf32>,
      %swap3A_49 = vector.shape_cast %swap3A_48 : vector<1x16xf32> to vector<16xf32>
      %swap3A_50 = vector.shape_cast %broadcast_in_dim3A_0 : vector<16xf32> to vector<1x16xf32>
      tpu.vector_store %arg6[%swap3A_46, %swap3A_47], %swap3A_50 {strides = array<i32>} : memref<128x128xf32, #tpu.memory_space<vmem>>, vector<1x16xf32>,
      %swap3A_51 = arith.index_cast %scan3A_21 : i32 to index
      %swap3A_52 = arith.constant 96 : index
      %swap3A_53 = tpu.vector_load %arg6[%swap3A_51, %swap3A_52] {strides = array<i32>} : memref<128x128xf32, #tpu.memory_space<vmem>>, vector<1x16xf32>,
      %swap3A_54 = vector.shape_cast %swap3A_53 : vector<1x16xf32> to vector<16xf32>
      %swap3A_55 = vector.shape_cast %broadcast_in_dim3A_0 : vector<16xf32> to vector<1x16xf32>
      tpu.vector_store %arg6[%swap3A_51, %swap3A_52], %swap3A_55 {strides = array<i32>} : memref<128x128xf32, #tpu.memory_space<vmem>>, vector<1x16xf32>,
      %swap3A_56 = arith.index_cast %scan3A_21 : i32 to index
      %swap3A_57 = arith.constant 112 : index
      %swap3A_58 = tpu.vector_load %arg6[%swap3A_56, %swap3A_57] {strides = array<i32>} : memref<128x128xf32, #tpu.memory_space<vmem>>, vector<1x16xf32>,
      %swap3A_59 = vector.shape_cast %swap3A_58 : vector<1x16xf32> to vector<16xf32>
      %swap3A_60 = vector.shape_cast %broadcast_in_dim3A_0 : vector<16xf32> to vector<1x16xf32>
      tpu.vector_store %arg6[%swap3A_56, %swap3A_57], %swap3A_60 {strides = array<i32>} : memref<128x128xf32, #tpu.memory_space<vmem>>, vector<1x16xf32>,
    }
    %scan3A_4 = arith.constant 128 : i32
    %scan3A_5 = arith.constant 0 : i32
    %scan3A_6 = arith.constant 3 : i32
    %scan3A_7 = arith.addi %scan3A_5, %scan3A_6 : i32
    %scan3A_8 = arith.constant 1 : i32
    scf.for %scan3A_21 = %scan3A_5 to %scan3A_7 step %scan3A_8  : i32 {
      %mul3A = arith.constant 16 : i32
      %mul3A_22 = arith.muli %scan3A_21, %mul3A : i32
      %add3A = arith.addi %arg1, %mul3A_22 : i32
      %lt3A = arith.constant 41 : i32
      %lt3A_23 = arith.cmpi slt, %add3A, %lt3A : i32
      %convert_element_type3A = arith.extui %lt3A_23 : i1 to i32
      %cond3A = arith.constant 0 : i32
      %cond3A_24 = arith.cmpi ne, %convert_element_type3A, %cond3A : i32
      scf.if %cond3A_24 {
        %mul3A_25 = arith.constant 128 : i32
        %mul3A_26 = arith.muli %add3A, %mul3A_25 : i32
        "tpu.region"() ({
          %run_scoped3A = tpu.sem_alloc : memref<!tpu.dma_semaphore, #tpu.memory_space<semaphore_mem>>
          %dma_start3A = arith.constant 0 : i32
          %dma_start3A_27 = tpu.memref_slice %arg7[%mul3A_26, %dma_start3A] : memref<5248x128xf32, #tpu.memory_space<vmem_shared>> -> memref<128x128xf32, #tpu.memory_space<vmem_shared>>
          %dma_start3A_28 = arith.constant 0 : i32
          %dma_start3A_29 = tpu.memref_slice %arg7[%mul3A_26, %dma_start3A_28] : memref<5248x128xf32, #tpu.memory_space<vmem_shared>> -> memref<128x128xf32, #tpu.memory_space<vmem_shared>>
          tpu.enqueue_dma source(%arg6 : memref<128x128xf32, #tpu.memory_space<vmem>>) target(%dma_start3A_29 : memref<128x128xf32, #tpu.memory_space<vmem_shared>>) target_semaphore(%run_scoped3A : memref<!tpu.dma_semaphore, #tpu.memory_space<semaphore_mem>>)
          %dma_wait3A = arith.constant 0 : i32
          %dma_wait3A_30 = tpu.memref_slice %arg7[%mul3A_26, %dma_wait3A] : memref<5248x128xf32, #tpu.memory_space<vmem_shared>> -> memref<128x128xf32, #tpu.memory_space<vmem_shared>>
          %dma_wait3A_31 = arith.constant 0 : i32
          %dma_wait3A_32 = tpu.memref_slice %arg7[%mul3A_26, %dma_wait3A_31] : memref<5248x128xf32, #tpu.memory_space<vmem_shared>> -> memref<128x128xf32, #tpu.memory_space<vmem_shared>>
          tpu.wait_dma2 semaphore(%run_scoped3A : memref<!tpu.dma_semaphore, #tpu.memory_space<semaphore_mem>>) src(%arg6 : memref<128x128xf32, #tpu.memory_space<vmem>>) dst(%dma_wait3A_32 : memref<128x128xf32, #tpu.memory_space<vmem_shared>>)
          tpu.yield
        }) : () -> ()
      } else {
      }
    }
    %scan3A_9 = arith.constant 3 : i32
    %barrier3A = arith.constant 0 : index
    tpu.barrier barrier_id(%barrier3A)
    %scan3A_10 = arith.constant 0 : i32
    %scan3A_11 = arith.constant 160 : i32
    %scan3A_12 = arith.addi %scan3A_10, %scan3A_11 : i32
    %scan3A_13 = arith.constant 1 : i32
    scf.for %scan3A_21 = %scan3A_10 to %scan3A_12 step %scan3A_13  : i32 {
      %mul3A = arith.constant 160 : i32
      %mul3A_22 = arith.muli %arg1, %mul3A : i32
      %add3A = arith.addi %mul3A_22, %scan3A_21 : i32
      %mul3A_23 = arith.constant 128 : i32
      %mul3A_24 = arith.muli %add3A, %mul3A_23 : i32
      "tpu.region"() ({
        %run_scoped3A = tpu.sem_alloc : memref<!tpu.dma_semaphore, #tpu.memory_space<semaphore_mem>>
        %dma_start3A = tpu.memref_slice %arg2[%mul3A_24] : memref<327680xi32, #tpu.memory_space<hbm>> -> memref<128xi32, #tpu.memory_space<hbm>>
        %dma_start3A_30 = tpu.memref_slice %arg2[%mul3A_24] : memref<327680xi32, #tpu.memory_space<hbm>> -> memref<128xi32, #tpu.memory_space<hbm>>
        tpu.enqueue_dma source(%dma_start3A_30 : memref<128xi32, #tpu.memory_space<hbm>>) target(%arg4 : memref<128xi32, #tpu.memory_space<vmem>>) target_semaphore(%run_scoped3A : memref<!tpu.dma_semaphore, #tpu.memory_space<semaphore_mem>>)
        %dma_wait3A = tpu.memref_slice %arg2[%mul3A_24] : memref<327680xi32, #tpu.memory_space<hbm>> -> memref<128xi32, #tpu.memory_space<hbm>>
        %dma_wait3A_31 = tpu.memref_slice %arg2[%mul3A_24] : memref<327680xi32, #tpu.memory_space<hbm>> -> memref<128xi32, #tpu.memory_space<hbm>>
        tpu.wait_dma2 semaphore(%run_scoped3A : memref<!tpu.dma_semaphore, #tpu.memory_space<semaphore_mem>>) src(%dma_wait3A_31 : memref<128xi32, #tpu.memory_space<hbm>>) dst(%arg4 : memref<128xi32, #tpu.memory_space<vmem>>)
        tpu.yield
      }) : () -> ()
      %scan3A_25 = arith.constant 0 : i32
      %scan3A_26 = arith.constant 8 : i32
      %scan3A_27 = arith.addi %scan3A_25, %scan3A_26 : i32
      %scan3A_28 = arith.constant 1 : i32
      scf.for %scan3A_30 = %scan3A_25 to %scan3A_27 step %scan3A_28  : i32 {
        %mul3A_31 = arith.constant 16 : i32
        %mul3A_32 = arith.muli %scan3A_30, %mul3A_31 : i32
        %get3A = arith.index_cast %mul3A_32 : i32 to index
        %get3A_33 = tpu.vector_load %arg4[%get3A] {strides = array<i32>} : memref<128xi32, #tpu.memory_space<vmem>>, vector<16xi32>,
        %get3A_34 = vector.shape_cast %get3A_33 : vector<16xi32> to vector<16xi32>
        %shift_right_logical3A = arith.constant 28 : i32
        %shift_right_logical3A_35 = vector.broadcast %shift_right_logical3A : i32 to vector<16xi32>
        %shift_right_logical3A_36 = arith.shrui %get3A_34, %shift_right_logical3A_35 : vector<16xi32>
        %and3A = arith.constant 16383 : i32
        %and3A_37 = vector.broadcast %and3A : i32 to vector<16xi32>
        %and3A_38 = arith.andi %get3A_34, %and3A_37 : vector<16xi32>
        %mul3A_39 = arith.constant 5120 : i32
        %mul3A_40 = arith.muli %arg0, %mul3A_39 : i32
        %sub3A = vector.broadcast %mul3A_40 : i32 to vector<16xi32>
        %sub3A_41 = arith.subi %and3A_38, %sub3A : vector<16xi32>
        %ge3A = arith.constant 0 : i32
        %ge3A_42 = vector.broadcast %ge3A : i32 to vector<16xi32>
        %ge3A_43 = arith.cmpi sge, %sub3A_41, %ge3A_42 : vector<16xi32>
        %lt3A = arith.constant 5120 : i32
        %lt3A_44 = vector.broadcast %lt3A : i32 to vector<16xi32>
        %lt3A_45 = arith.cmpi slt, %sub3A_41, %lt3A_44 : vector<16xi32>
        %and3A_46 = arith.andi %ge3A_43, %lt3A_45 : vector<16xi1>
        %jit3A = arith.constant 5120 : i32
        %broadcast_in_dim3A_47 = vector.broadcast %jit3A : i32 to vector<16xi32>
        %select_n3A = arith.select %and3A_46, %sub3A_41, %broadcast_in_dim3A_47 : vector<16xi1>, vector<16xi32>
        %mul3A_48 = arith.constant 16 : i32
        %mul3A_49 = arith.muli %scan3A_30, %mul3A_48 : i32
        %swap3A = arith.index_cast %mul3A_49 : i32 to index
        %swap3A_50 = tpu.vector_load %arg5[%swap3A] {strides = array<i32>} : memref<128xi32, #tpu.memory_space<vmem>>, vector<16xi32>,
        %swap3A_51 = vector.shape_cast %swap3A_50 : vector<16xi32> to vector<16xi32>
        %swap3A_52 = vector.shape_cast %select_n3A : vector<16xi32> to vector<16xi32>
        tpu.vector_store %arg5[%swap3A], %swap3A_52 {strides = array<i32>} : memref<128xi32, #tpu.memory_space<vmem>>, vector<16xi32>,
        %slice3A = vector.extract_strided_slice %shift_right_logical3A_36 {offsets = [0], sizes = [1], strides = [1]} : vector<16xi32> to vector<1xi32>
        %squeeze3A = vector.extract %slice3A[0] : i32 from vector<1xi32>
        %eq3A = vector.broadcast %squeeze3A : i32 to vector<16xi32>
        %eq3A_53 = arith.cmpi eq, %iota3A, %eq3A : vector<16xi32>
        %jit3A_54 = arith.constant 1.000000e+00 : f32
        %jit3A_55 = arith.constant 0.000000e+00 : f32
        %broadcast_in_dim3A_56 = vector.broadcast %jit3A_54 : f32 to vector<16xf32>
        %broadcast_in_dim3A_57 = vector.broadcast %jit3A_55 : f32 to vector<16xf32>
        %select_n3A_58 = arith.select %eq3A_53, %broadcast_in_dim3A_56, %broadcast_in_dim3A_57 : vector<16xi1>, vector<16xf32>
        %mul3A_59 = arith.constant 16 : i32
        %mul3A_60 = arith.muli %scan3A_30, %mul3A_59 : i32
        %add3A_61 = arith.constant 0 : i32
        %add3A_62 = arith.addi %mul3A_60, %add3A_61 : i32
        %swap3A_63 = arith.index_cast %add3A_62 : i32 to index
        %swap3A_64 = arith.constant 0 : index
        %swap3A_65 = tpu.vector_load %arg6[%swap3A_63, %swap3A_64] {strides = array<i32>} : memref<128x128xf32, #tpu.memory_space<vmem>>, vector<1x16xf32>,
        %swap3A_66 = vector.shape_cast %swap3A_65 : vector<1x16xf32> to vector<16xf32>
        %swap3A_67 = vector.shape_cast %select_n3A_58 : vector<16xf32> to vector<1x16xf32>
        tpu.vector_store %arg6[%swap3A_63, %swap3A_64], %swap3A_67 {strides = array<i32>} : memref<128x128xf32, #tpu.memory_space<vmem>>, vector<1x16xf32>,
        %slice3A_68 = vector.extract_strided_slice %shift_right_logical3A_36 {offsets = [1], sizes = [1], strides = [1]} : vector<16xi32> to vector<1xi32>
        %squeeze3A_69 = vector.extract %slice3A_68[0] : i32 from vector<1xi32>
        %eq3A_70 = vector.broadcast %squeeze3A_69 : i32 to vector<16xi32>
        %eq3A_71 = arith.cmpi eq, %iota3A, %eq3A_70 : vector<16xi32>
        %jit3A_72 = arith.constant 1.000000e+00 : f32
        %jit3A_73 = arith.constant 0.000000e+00 : f32
        %broadcast_in_dim3A_74 = vector.broadcast %jit3A_72 : f32 to vector<16xf32>
        %broadcast_in_dim3A_75 = vector.broadcast %jit3A_73 : f32 to vector<16xf32>
        %select_n3A_76 = arith.select %eq3A_71, %broadcast_in_dim3A_74, %broadcast_in_dim3A_75 : vector<16xi1>, vector<16xf32>
        %mul3A_77 = arith.constant 16 : i32
        %mul3A_78 = arith.muli %scan3A_30, %mul3A_77 : i32
        %add3A_79 = arith.constant 1 : i32
        %add3A_80 = arith.addi %mul3A_78, %add3A_79 : i32
        %swap3A_81 = arith.index_cast %add3A_80 : i32 to index
        %swap3A_82 = arith.constant 0 : index
        %swap3A_83 = tpu.vector_load %arg6[%swap3A_81, %swap3A_82] {strides = array<i32>} : memref<128x128xf32, #tpu.memory_space<vmem>>, vector<1x16xf32>,
        %swap3A_84 = vector.shape_cast %swap3A_83 : vector<1x16xf32> to vector<16xf32>
        %swap3A_85 = vector.shape_cast %select_n3A_76 : vector<16xf32> to vector<1x16xf32>
        tpu.vector_store %arg6[%swap3A_81, %swap3A_82], %swap3A_85 {strides = array<i32>} : memref<128x128xf32, #tpu.memory_space<vmem>>, vector<1x16xf32>,
        %slice3A_86 = vector.extract_strided_slice %shift_right_logical3A_36 {offsets = [2], sizes = [1], strides = [1]} : vector<16xi32> to vector<1xi32>
        %squeeze3A_87 = vector.extract %slice3A_86[0] : i32 from vector<1xi32>
        %eq3A_88 = vector.broadcast %squeeze3A_87 : i32 to vector<16xi32>
        %eq3A_89 = arith.cmpi eq, %iota3A, %eq3A_88 : vector<16xi32>
        %jit3A_90 = arith.constant 1.000000e+00 : f32
        %jit3A_91 = arith.constant 0.000000e+00 : f32
        %broadcast_in_dim3A_92 = vector.broadcast %jit3A_90 : f32 to vector<16xf32>
        %broadcast_in_dim3A_93 = vector.broadcast %jit3A_91 : f32 to vector<16xf32>
        %select_n3A_94 = arith.select %eq3A_89, %broadcast_in_dim3A_92, %broadcast_in_dim3A_93 : vector<16xi1>, vector<16xf32>
        %mul3A_95 = arith.constant 16 : i32
        %mul3A_96 = arith.muli %scan3A_30, %mul3A_95 : i32
        %add3A_97 = arith.constant 2 : i32
        %add3A_98 = arith.addi %mul3A_96, %add3A_97 : i32
        %swap3A_99 = arith.index_cast %add3A_98 : i32 to index
        %swap3A_100 = arith.constant 0 : index
        %swap3A_101 = tpu.vector_load %arg6[%swap3A_99, %swap3A_100] {strides = array<i32>} : memref<128x128xf32, #tpu.memory_space<vmem>>, vector<1x16xf32>,
        %swap3A_102 = vector.shape_cast %swap3A_101 : vector<1x16xf32> to vector<16xf32>
        %swap3A_103 = vector.shape_cast %select_n3A_94 : vector<16xf32> to vector<1x16xf32>
        tpu.vector_store %arg6[%swap3A_99, %swap3A_100], %swap3A_103 {strides = array<i32>} : memref<128x128xf32, #tpu.memory_space<vmem>>, vector<1x16xf32>,
        %slice3A_104 = vector.extract_strided_slice %shift_right_logical3A_36 {offsets = [3], sizes = [1], strides = [1]} : vector<16xi32> to vector<1xi32>
        %squeeze3A_105 = vector.extract %slice3A_104[0] : i32 from vector<1xi32>
        %eq3A_106 = vector.broadcast %squeeze3A_105 : i32 to vector<16xi32>
        %eq3A_107 = arith.cmpi eq, %iota3A, %eq3A_106 : vector<16xi32>
        %jit3A_108 = arith.constant 1.000000e+00 : f32
        %jit3A_109 = arith.constant 0.000000e+00 : f32
        %broadcast_in_dim3A_110 = vector.broadcast %jit3A_108 : f32 to vector<16xf32>
        %broadcast_in_dim3A_111 = vector.broadcast %jit3A_109 : f32 to vector<16xf32>
        %select_n3A_112 = arith.select %eq3A_107, %broadcast_in_dim3A_110, %broadcast_in_dim3A_111 : vector<16xi1>, vector<16xf32>
        %mul3A_113 = arith.constant 16 : i32
        %mul3A_114 = arith.muli %scan3A_30, %mul3A_113 : i32
        %add3A_115 = arith.constant 3 : i32
        %add3A_116 = arith.addi %mul3A_114, %add3A_115 : i32
        %swap3A_117 = arith.index_cast %add3A_116 : i32 to index
        %swap3A_118 = arith.constant 0 : index
        %swap3A_119 = tpu.vector_load %arg6[%swap3A_117, %swap3A_118] {strides = array<i32>} : memref<128x128xf32, #tpu.memory_space<vmem>>, vector<1x16xf32>,
        %swap3A_120 = vector.shape_cast %swap3A_119 : vector<1x16xf32> to vector<16xf32>
        %swap3A_121 = vector.shape_cast %select_n3A_112 : vector<16xf32> to vector<1x16xf32>
        tpu.vector_store %arg6[%swap3A_117, %swap3A_118], %swap3A_121 {strides = array<i32>} : memref<128x128xf32, #tpu.memory_space<vmem>>, vector<1x16xf32>,
        %slice3A_122 = vector.extract_strided_slice %shift_right_logical3A_36 {offsets = [4], sizes = [1], strides = [1]} : vector<16xi32> to vector<1xi32>
        %squeeze3A_123 = vector.extract %slice3A_122[0] : i32 from vector<1xi32>
        %eq3A_124 = vector.broadcast %squeeze3A_123 : i32 to vector<16xi32>
        %eq3A_125 = arith.cmpi eq, %iota3A, %eq3A_124 : vector<16xi32>
        %jit3A_126 = arith.constant 1.000000e+00 : f32
        %jit3A_127 = arith.constant 0.000000e+00 : f32
        %broadcast_in_dim3A_128 = vector.broadcast %jit3A_126 : f32 to vector<16xf32>
        %broadcast_in_dim3A_129 = vector.broadcast %jit3A_127 : f32 to vector<16xf32>
        %select_n3A_130 = arith.select %eq3A_125, %broadcast_in_dim3A_128, %broadcast_in_dim3A_129 : vector<16xi1>, vector<16xf32>
        %mul3A_131 = arith.constant 16 : i32
        %mul3A_132 = arith.muli %scan3A_30, %mul3A_131 : i32
        %add3A_133 = arith.constant 4 : i32
        %add3A_134 = arith.addi %mul3A_132, %add3A_133 : i32
        %swap3A_135 = arith.index_cast %add3A_134 : i32 to index
        %swap3A_136 = arith.constant 0 : index
        %swap3A_137 = tpu.vector_load %arg6[%swap3A_135, %swap3A_136] {strides = array<i32>} : memref<128x128xf32, #tpu.memory_space<vmem>>, vector<1x16xf32>,
        %swap3A_138 = vector.shape_cast %swap3A_137 : vector<1x16xf32> to vector<16xf32>
        %swap3A_139 = vector.shape_cast %select_n3A_130 : vector<16xf32> to vector<1x16xf32>
        tpu.vector_store %arg6[%swap3A_135, %swap3A_136], %swap3A_139 {strides = array<i32>} : memref<128x128xf32, #tpu.memory_space<vmem>>, vector<1x16xf32>,
        %slice3A_140 = vector.extract_strided_slice %shift_right_logical3A_36 {offsets = [5], sizes = [1], strides = [1]} : vector<16xi32> to vector<1xi32>
        %squeeze3A_141 = vector.extract %slice3A_140[0] : i32 from vector<1xi32>
        %eq3A_142 = vector.broadcast %squeeze3A_141 : i32 to vector<16xi32>
        %eq3A_143 = arith.cmpi eq, %iota3A, %eq3A_142 : vector<16xi32>
        %jit3A_144 = arith.constant 1.000000e+00 : f32
        %jit3A_145 = arith.constant 0.000000e+00 : f32
        %broadcast_in_dim3A_146 = vector.broadcast %jit3A_144 : f32 to vector<16xf32>
        %broadcast_in_dim3A_147 = vector.broadcast %jit3A_145 : f32 to vector<16xf32>
        %select_n3A_148 = arith.select %eq3A_143, %broadcast_in_dim3A_146, %broadcast_in_dim3A_147 : vector<16xi1>, vector<16xf32>
        %mul3A_149 = arith.constant 16 : i32
        %mul3A_150 = arith.muli %scan3A_30, %mul3A_149 : i32
        %add3A_151 = arith.constant 5 : i32
        %add3A_152 = arith.addi %mul3A_150, %add3A_151 : i32
        %swap3A_153 = arith.index_cast %add3A_152 : i32 to index
        %swap3A_154 = arith.constant 0 : index
        %swap3A_155 = tpu.vector_load %arg6[%swap3A_153, %swap3A_154] {strides = array<i32>} : memref<128x128xf32, #tpu.memory_space<vmem>>, vector<1x16xf32>,
        %swap3A_156 = vector.shape_cast %swap3A_155 : vector<1x16xf32> to vector<16xf32>
        %swap3A_157 = vector.shape_cast %select_n3A_148 : vector<16xf32> to vector<1x16xf32>
        tpu.vector_store %arg6[%swap3A_153, %swap3A_154], %swap3A_157 {strides = array<i32>} : memref<128x128xf32, #tpu.memory_space<vmem>>, vector<1x16xf32>,
        %slice3A_158 = vector.extract_strided_slice %shift_right_logical3A_36 {offsets = [6], sizes = [1], strides = [1]} : vector<16xi32> to vector<1xi32>
        %squeeze3A_159 = vector.extract %slice3A_158[0] : i32 from vector<1xi32>
        %eq3A_160 = vector.broadcast %squeeze3A_159 : i32 to vector<16xi32>
        %eq3A_161 = arith.cmpi eq, %iota3A, %eq3A_160 : vector<16xi32>
        %jit3A_162 = arith.constant 1.000000e+00 : f32
        %jit3A_163 = arith.constant 0.000000e+00 : f32
        %broadcast_in_dim3A_164 = vector.broadcast %jit3A_162 : f32 to vector<16xf32>
        %broadcast_in_dim3A_165 = vector.broadcast %jit3A_163 : f32 to vector<16xf32>
        %select_n3A_166 = arith.select %eq3A_161, %broadcast_in_dim3A_164, %broadcast_in_dim3A_165 : vector<16xi1>, vector<16xf32>
        %mul3A_167 = arith.constant 16 : i32
        %mul3A_168 = arith.muli %scan3A_30, %mul3A_167 : i32
        %add3A_169 = arith.constant 6 : i32
        %add3A_170 = arith.addi %mul3A_168, %add3A_169 : i32
        %swap3A_171 = arith.index_cast %add3A_170 : i32 to index
        %swap3A_172 = arith.constant 0 : index
        %swap3A_173 = tpu.vector_load %arg6[%swap3A_171, %swap3A_172] {strides = array<i32>} : memref<128x128xf32, #tpu.memory_space<vmem>>, vector<1x16xf32>,
        %swap3A_174 = vector.shape_cast %swap3A_173 : vector<1x16xf32> to vector<16xf32>
        %swap3A_175 = vector.shape_cast %select_n3A_166 : vector<16xf32> to vector<1x16xf32>
        tpu.vector_store %arg6[%swap3A_171, %swap3A_172], %swap3A_175 {strides = array<i32>} : memref<128x128xf32, #tpu.memory_space<vmem>>, vector<1x16xf32>,
        %slice3A_176 = vector.extract_strided_slice %shift_right_logical3A_36 {offsets = [7], sizes = [1], strides = [1]} : vector<16xi32> to vector<1xi32>
        %squeeze3A_177 = vector.extract %slice3A_176[0] : i32 from vector<1xi32>
        %eq3A_178 = vector.broadcast %squeeze3A_177 : i32 to vector<16xi32>
        %eq3A_179 = arith.cmpi eq, %iota3A, %eq3A_178 : vector<16xi32>
        %jit3A_180 = arith.constant 1.000000e+00 : f32
        %jit3A_181 = arith.constant 0.000000e+00 : f32
        %broadcast_in_dim3A_182 = vector.broadcast %jit3A_180 : f32 to vector<16xf32>
        %broadcast_in_dim3A_183 = vector.broadcast %jit3A_181 : f32 to vector<16xf32>
        %select_n3A_184 = arith.select %eq3A_179, %broadcast_in_dim3A_182, %broadcast_in_dim3A_183 : vector<16xi1>, vector<16xf32>
        %mul3A_185 = arith.constant 16 : i32
        %mul3A_186 = arith.muli %scan3A_30, %mul3A_185 : i32
        %add3A_187 = arith.constant 7 : i32
        %add3A_188 = arith.addi %mul3A_186, %add3A_187 : i32
        %swap3A_189 = arith.index_cast %add3A_188 : i32 to index
        %swap3A_190 = arith.constant 0 : index
        %swap3A_191 = tpu.vector_load %arg6[%swap3A_189, %swap3A_190] {strides = array<i32>} : memref<128x128xf32, #tpu.memory_space<vmem>>, vector<1x16xf32>,
        %swap3A_192 = vector.shape_cast %swap3A_191 : vector<1x16xf32> to vector<16xf32>
        %swap3A_193 = vector.shape_cast %select_n3A_184 : vector<16xf32> to vector<1x16xf32>
        tpu.vector_store %arg6[%swap3A_189, %swap3A_190], %swap3A_193 {strides = array<i32>} : memref<128x128xf32, #tpu.memory_space<vmem>>, vector<1x16xf32>,
        %slice3A_194 = vector.extract_strided_slice %shift_right_logical3A_36 {offsets = [8], sizes = [1], strides = [1]} : vector<16xi32> to vector<1xi32>
        %squeeze3A_195 = vector.extract %slice3A_194[0] : i32 from vector<1xi32>
        %eq3A_196 = vector.broadcast %squeeze3A_195 : i32 to vector<16xi32>
        %eq3A_197 = arith.cmpi eq, %iota3A, %eq3A_196 : vector<16xi32>
        %jit3A_198 = arith.constant 1.000000e+00 : f32
        %jit3A_199 = arith.constant 0.000000e+00 : f32
        %broadcast_in_dim3A_200 = vector.broadcast %jit3A_198 : f32 to vector<16xf32>
        %broadcast_in_dim3A_201 = vector.broadcast %jit3A_199 : f32 to vector<16xf32>
        %select_n3A_202 = arith.select %eq3A_197, %broadcast_in_dim3A_200, %broadcast_in_dim3A_201 : vector<16xi1>, vector<16xf32>
        %mul3A_203 = arith.constant 16 : i32
        %mul3A_204 = arith.muli %scan3A_30, %mul3A_203 : i32
        %add3A_205 = arith.constant 8 : i32
        %add3A_206 = arith.addi %mul3A_204, %add3A_205 : i32
        %swap3A_207 = arith.index_cast %add3A_206 : i32 to index
        %swap3A_208 = arith.constant 0 : index
        %swap3A_209 = tpu.vector_load %arg6[%swap3A_207, %swap3A_208] {strides = array<i32>} : memref<128x128xf32, #tpu.memory_space<vmem>>, vector<1x16xf32>,
        %swap3A_210 = vector.shape_cast %swap3A_209 : vector<1x16xf32> to vector<16xf32>
        %swap3A_211 = vector.shape_cast %select_n3A_202 : vector<16xf32> to vector<1x16xf32>
        tpu.vector_store %arg6[%swap3A_207, %swap3A_208], %swap3A_211 {strides = array<i32>} : memref<128x128xf32, #tpu.memory_space<vmem>>, vector<1x16xf32>,
        %slice3A_212 = vector.extract_strided_slice %shift_right_logical3A_36 {offsets = [9], sizes = [1], strides = [1]} : vector<16xi32> to vector<1xi32>
        %squeeze3A_213 = vector.extract %slice3A_212[0] : i32 from vector<1xi32>
        %eq3A_214 = vector.broadcast %squeeze3A_213 : i32 to vector<16xi32>
        %eq3A_215 = arith.cmpi eq, %iota3A, %eq3A_214 : vector<16xi32>
        %jit3A_216 = arith.constant 1.000000e+00 : f32
        %jit3A_217 = arith.constant 0.000000e+00 : f32
        %broadcast_in_dim3A_218 = vector.broadcast %jit3A_216 : f32 to vector<16xf32>
        %broadcast_in_dim3A_219 = vector.broadcast %jit3A_217 : f32 to vector<16xf32>
        %select_n3A_220 = arith.select %eq3A_215, %broadcast_in_dim3A_218, %broadcast_in_dim3A_219 : vector<16xi1>, vector<16xf32>
        %mul3A_221 = arith.constant 16 : i32
        %mul3A_222 = arith.muli %scan3A_30, %mul3A_221 : i32
        %add3A_223 = arith.constant 9 : i32
        %add3A_224 = arith.addi %mul3A_222, %add3A_223 : i32
        %swap3A_225 = arith.index_cast %add3A_224 : i32 to index
        %swap3A_226 = arith.constant 0 : index
        %swap3A_227 = tpu.vector_load %arg6[%swap3A_225, %swap3A_226] {strides = array<i32>} : memref<128x128xf32, #tpu.memory_space<vmem>>, vector<1x16xf32>,
        %swap3A_228 = vector.shape_cast %swap3A_227 : vector<1x16xf32> to vector<16xf32>
        %swap3A_229 = vector.shape_cast %select_n3A_220 : vector<16xf32> to vector<1x16xf32>
        tpu.vector_store %arg6[%swap3A_225, %swap3A_226], %swap3A_229 {strides = array<i32>} : memref<128x128xf32, #tpu.memory_space<vmem>>, vector<1x16xf32>,
        %slice3A_230 = vector.extract_strided_slice %shift_right_logical3A_36 {offsets = [10], sizes = [1], strides = [1]} : vector<16xi32> to vector<1xi32>
        %squeeze3A_231 = vector.extract %slice3A_230[0] : i32 from vector<1xi32>
        %eq3A_232 = vector.broadcast %squeeze3A_231 : i32 to vector<16xi32>
        %eq3A_233 = arith.cmpi eq, %iota3A, %eq3A_232 : vector<16xi32>
        %jit3A_234 = arith.constant 1.000000e+00 : f32
        %jit3A_235 = arith.constant 0.000000e+00 : f32
        %broadcast_in_dim3A_236 = vector.broadcast %jit3A_234 : f32 to vector<16xf32>
        %broadcast_in_dim3A_237 = vector.broadcast %jit3A_235 : f32 to vector<16xf32>
        %select_n3A_238 = arith.select %eq3A_233, %broadcast_in_dim3A_236, %broadcast_in_dim3A_237 : vector<16xi1>, vector<16xf32>
        %mul3A_239 = arith.constant 16 : i32
        %mul3A_240 = arith.muli %scan3A_30, %mul3A_239 : i32
        %add3A_241 = arith.constant 10 : i32
        %add3A_242 = arith.addi %mul3A_240, %add3A_241 : i32
        %swap3A_243 = arith.index_cast %add3A_242 : i32 to index
        %swap3A_244 = arith.constant 0 : index
        %swap3A_245 = tpu.vector_load %arg6[%swap3A_243, %swap3A_244] {strides = array<i32>} : memref<128x128xf32, #tpu.memory_space<vmem>>, vector<1x16xf32>,
        %swap3A_246 = vector.shape_cast %swap3A_245 : vector<1x16xf32> to vector<16xf32>
        %swap3A_247 = vector.shape_cast %select_n3A_238 : vector<16xf32> to vector<1x16xf32>
        tpu.vector_store %arg6[%swap3A_243, %swap3A_244], %swap3A_247 {strides = array<i32>} : memref<128x128xf32, #tpu.memory_space<vmem>>, vector<1x16xf32>,
        %slice3A_248 = vector.extract_strided_slice %shift_right_logical3A_36 {offsets = [11], sizes = [1], strides = [1]} : vector<16xi32> to vector<1xi32>
        %squeeze3A_249 = vector.extract %slice3A_248[0] : i32 from vector<1xi32>
        %eq3A_250 = vector.broadcast %squeeze3A_249 : i32 to vector<16xi32>
        %eq3A_251 = arith.cmpi eq, %iota3A, %eq3A_250 : vector<16xi32>
        %jit3A_252 = arith.constant 1.000000e+00 : f32
        %jit3A_253 = arith.constant 0.000000e+00 : f32
        %broadcast_in_dim3A_254 = vector.broadcast %jit3A_252 : f32 to vector<16xf32>
        %broadcast_in_dim3A_255 = vector.broadcast %jit3A_253 : f32 to vector<16xf32>
        %select_n3A_256 = arith.select %eq3A_251, %broadcast_in_dim3A_254, %broadcast_in_dim3A_255 : vector<16xi1>, vector<16xf32>
        %mul3A_257 = arith.constant 16 : i32
        %mul3A_258 = arith.muli %scan3A_30, %mul3A_257 : i32
        %add3A_259 = arith.constant 11 : i32
        %add3A_260 = arith.addi %mul3A_258, %add3A_259 : i32
        %swap3A_261 = arith.index_cast %add3A_260 : i32 to index
        %swap3A_262 = arith.constant 0 : index
        %swap3A_263 = tpu.vector_load %arg6[%swap3A_261, %swap3A_262] {strides = array<i32>} : memref<128x128xf32, #tpu.memory_space<vmem>>, vector<1x16xf32>,
        %swap3A_264 = vector.shape_cast %swap3A_263 : vector<1x16xf32> to vector<16xf32>
        %swap3A_265 = vector.shape_cast %select_n3A_256 : vector<16xf32> to vector<1x16xf32>
        tpu.vector_store %arg6[%swap3A_261, %swap3A_262], %swap3A_265 {strides = array<i32>} : memref<128x128xf32, #tpu.memory_space<vmem>>, vector<1x16xf32>,
        %slice3A_266 = vector.extract_strided_slice %shift_right_logical3A_36 {offsets = [12], sizes = [1], strides = [1]} : vector<16xi32> to vector<1xi32>
        %squeeze3A_267 = vector.extract %slice3A_266[0] : i32 from vector<1xi32>
        %eq3A_268 = vector.broadcast %squeeze3A_267 : i32 to vector<16xi32>
        %eq3A_269 = arith.cmpi eq, %iota3A, %eq3A_268 : vector<16xi32>
        %jit3A_270 = arith.constant 1.000000e+00 : f32
        %jit3A_271 = arith.constant 0.000000e+00 : f32
        %broadcast_in_dim3A_272 = vector.broadcast %jit3A_270 : f32 to vector<16xf32>
        %broadcast_in_dim3A_273 = vector.broadcast %jit3A_271 : f32 to vector<16xf32>
        %select_n3A_274 = arith.select %eq3A_269, %broadcast_in_dim3A_272, %broadcast_in_dim3A_273 : vector<16xi1>, vector<16xf32>
        %mul3A_275 = arith.constant 16 : i32
        %mul3A_276 = arith.muli %scan3A_30, %mul3A_275 : i32
        %add3A_277 = arith.constant 12 : i32
        %add3A_278 = arith.addi %mul3A_276, %add3A_277 : i32
        %swap3A_279 = arith.index_cast %add3A_278 : i32 to index
        %swap3A_280 = arith.constant 0 : index
        %swap3A_281 = tpu.vector_load %arg6[%swap3A_279, %swap3A_280] {strides = array<i32>} : memref<128x128xf32, #tpu.memory_space<vmem>>, vector<1x16xf32>,
        %swap3A_282 = vector.shape_cast %swap3A_281 : vector<1x16xf32> to vector<16xf32>
        %swap3A_283 = vector.shape_cast %select_n3A_274 : vector<16xf32> to vector<1x16xf32>
        tpu.vector_store %arg6[%swap3A_279, %swap3A_280], %swap3A_283 {strides = array<i32>} : memref<128x128xf32, #tpu.memory_space<vmem>>, vector<1x16xf32>,
        %slice3A_284 = vector.extract_strided_slice %shift_right_logical3A_36 {offsets = [13], sizes = [1], strides = [1]} : vector<16xi32> to vector<1xi32>
        %squeeze3A_285 = vector.extract %slice3A_284[0] : i32 from vector<1xi32>
        %eq3A_286 = vector.broadcast %squeeze3A_285 : i32 to vector<16xi32>
        %eq3A_287 = arith.cmpi eq, %iota3A, %eq3A_286 : vector<16xi32>
        %jit3A_288 = arith.constant 1.000000e+00 : f32
        %jit3A_289 = arith.constant 0.000000e+00 : f32
        %broadcast_in_dim3A_290 = vector.broadcast %jit3A_288 : f32 to vector<16xf32>
        %broadcast_in_dim3A_291 = vector.broadcast %jit3A_289 : f32 to vector<16xf32>
        %select_n3A_292 = arith.select %eq3A_287, %broadcast_in_dim3A_290, %broadcast_in_dim3A_291 : vector<16xi1>, vector<16xf32>
        %mul3A_293 = arith.constant 16 : i32
        %mul3A_294 = arith.muli %scan3A_30, %mul3A_293 : i32
        %add3A_295 = arith.constant 13 : i32
        %add3A_296 = arith.addi %mul3A_294, %add3A_295 : i32
        %swap3A_297 = arith.index_cast %add3A_296 : i32 to index
        %swap3A_298 = arith.constant 0 : index
        %swap3A_299 = tpu.vector_load %arg6[%swap3A_297, %swap3A_298] {strides = array<i32>} : memref<128x128xf32, #tpu.memory_space<vmem>>, vector<1x16xf32>,
        %swap3A_300 = vector.shape_cast %swap3A_299 : vector<1x16xf32> to vector<16xf32>
        %swap3A_301 = vector.shape_cast %select_n3A_292 : vector<16xf32> to vector<1x16xf32>
        tpu.vector_store %arg6[%swap3A_297, %swap3A_298], %swap3A_301 {strides = array<i32>} : memref<128x128xf32, #tpu.memory_space<vmem>>, vector<1x16xf32>,
        %slice3A_302 = vector.extract_strided_slice %shift_right_logical3A_36 {offsets = [14], sizes = [1], strides = [1]} : vector<16xi32> to vector<1xi32>
        %squeeze3A_303 = vector.extract %slice3A_302[0] : i32 from vector<1xi32>
        %eq3A_304 = vector.broadcast %squeeze3A_303 : i32 to vector<16xi32>
        %eq3A_305 = arith.cmpi eq, %iota3A, %eq3A_304 : vector<16xi32>
        %jit3A_306 = arith.constant 1.000000e+00 : f32
        %jit3A_307 = arith.constant 0.000000e+00 : f32
        %broadcast_in_dim3A_308 = vector.broadcast %jit3A_306 : f32 to vector<16xf32>
        %broadcast_in_dim3A_309 = vector.broadcast %jit3A_307 : f32 to vector<16xf32>
        %select_n3A_310 = arith.select %eq3A_305, %broadcast_in_dim3A_308, %broadcast_in_dim3A_309 : vector<16xi1>, vector<16xf32>
        %mul3A_311 = arith.constant 16 : i32
        %mul3A_312 = arith.muli %scan3A_30, %mul3A_311 : i32
        %add3A_313 = arith.constant 14 : i32
        %add3A_314 = arith.addi %mul3A_312, %add3A_313 : i32
        %swap3A_315 = arith.index_cast %add3A_314 : i32 to index
        %swap3A_316 = arith.constant 0 : index
        %swap3A_317 = tpu.vector_load %arg6[%swap3A_315, %swap3A_316] {strides = array<i32>} : memref<128x128xf32, #tpu.memory_space<vmem>>, vector<1x16xf32>,
        %swap3A_318 = vector.shape_cast %swap3A_317 : vector<1x16xf32> to vector<16xf32>
        %swap3A_319 = vector.shape_cast %select_n3A_310 : vector<16xf32> to vector<1x16xf32>
        tpu.vector_store %arg6[%swap3A_315, %swap3A_316], %swap3A_319 {strides = array<i32>} : memref<128x128xf32, #tpu.memory_space<vmem>>, vector<1x16xf32>,
        %slice3A_320 = vector.extract_strided_slice %shift_right_logical3A_36 {offsets = [15], sizes = [1], strides = [1]} : vector<16xi32> to vector<1xi32>
        %squeeze3A_321 = vector.extract %slice3A_320[0] : i32 from vector<1xi32>
        %eq3A_322 = vector.broadcast %squeeze3A_321 : i32 to vector<16xi32>
        %eq3A_323 = arith.cmpi eq, %iota3A, %eq3A_322 : vector<16xi32>
        %jit3A_324 = arith.constant 1.000000e+00 : f32
        %jit3A_325 = arith.constant 0.000000e+00 : f32
        %broadcast_in_dim3A_326 = vector.broadcast %jit3A_324 : f32 to vector<16xf32>
        %broadcast_in_dim3A_327 = vector.broadcast %jit3A_325 : f32 to vector<16xf32>
        %select_n3A_328 = arith.select %eq3A_323, %broadcast_in_dim3A_326, %broadcast_in_dim3A_327 : vector<16xi1>, vector<16xf32>
        %mul3A_329 = arith.constant 16 : i32
        %mul3A_330 = arith.muli %scan3A_30, %mul3A_329 : i32
        %add3A_331 = arith.constant 15 : i32
        %add3A_332 = arith.addi %mul3A_330, %add3A_331 : i32
        %swap3A_333 = arith.index_cast %add3A_332 : i32 to index
        %swap3A_334 = arith.constant 0 : index
        %swap3A_335 = tpu.vector_load %arg6[%swap3A_333, %swap3A_334] {strides = array<i32>} : memref<128x128xf32, #tpu.memory_space<vmem>>, vector<1x16xf32>,
        %swap3A_336 = vector.shape_cast %swap3A_335 : vector<1x16xf32> to vector<16xf32>
        %swap3A_337 = vector.shape_cast %select_n3A_328 : vector<16xf32> to vector<1x16xf32>
        tpu.vector_store %arg6[%swap3A_333, %swap3A_334], %swap3A_337 {strides = array<i32>} : memref<128x128xf32, #tpu.memory_space<vmem>>, vector<1x16xf32>,
      }
      %scan3A_29 = arith.constant 8 : i32
      "tpu.region"() ({
        %run_scoped3A = tpu.sem_alloc : memref<!tpu.dma_semaphore, #tpu.memory_space<semaphore_mem>>
        %dma_start3A = arith.constant 0 : i32
        %dma_start3A_30 = arith.constant 0 : i32
        %dma_start3A_31 = tpu.memref_slice %arg7[%dma_start3A, %dma_start3A_30] : memref<5248x128xf32, #tpu.memory_space<vmem_shared>> -> memref<5248x128xf32, #tpu.memory_space<vmem_shared>>
        tpu.enqueue_indirect_dma source(%arg6 : memref<128x128xf32, #tpu.memory_space<vmem>>) target(%dma_start3A_31 : memref<5248x128xf32, #tpu.memory_space<vmem_shared>>) offsets(%arg5 : memref<128xi32, #tpu.memory_space<vmem>>) semaphore(%run_scoped3A : memref<!tpu.dma_semaphore, #tpu.memory_space<semaphore_mem>>) {add = true}
        %dma_wait3A = arith.constant 0 : i32
        %dma_wait3A_32 = arith.constant 0 : i32
        %dma_wait3A_33 = tpu.memref_slice %arg7[%dma_wait3A, %dma_wait3A_32] : memref<5248x128xf32, #tpu.memory_space<vmem_shared>> -> memref<5248x128xf32, #tpu.memory_space<vmem_shared>>
        tpu.wait_indirect_dma semaphore(%run_scoped3A : memref<!tpu.dma_semaphore, #tpu.memory_space<semaphore_mem>>) src(%arg6 : memref<128x128xf32, #tpu.memory_space<vmem>>) dst(%dma_wait3A_33 : memref<5248x128xf32, #tpu.memory_space<vmem_shared>>)
        tpu.yield
      }) : () -> ()
    }
    %scan3A_14 = arith.constant 160 : i32
    %barrier3A_15 = arith.constant 0 : index
    tpu.barrier barrier_id(%barrier3A_15)
    %scan3A_16 = arith.constant 0 : i32
    %scan3A_17 = arith.constant 3 : i32
    %scan3A_18 = arith.addi %scan3A_16, %scan3A_17 : i32
    %scan3A_19 = arith.constant 1 : i32
    scf.for %scan3A_21 = %scan3A_16 to %scan3A_18 step %scan3A_19  : i32 {
      %mul3A = arith.constant 16 : i32
      %mul3A_22 = arith.muli %scan3A_21, %mul3A : i32
      %add3A = arith.addi %arg1, %mul3A_22 : i32
      %lt3A = arith.constant 40 : i32
      %lt3A_23 = arith.cmpi slt, %add3A, %lt3A : i32
      %convert_element_type3A = arith.extui %lt3A_23 : i1 to i32
      %cond3A = arith.constant 0 : i32
      %cond3A_24 = arith.cmpi ne, %convert_element_type3A, %cond3A : i32
      scf.if %cond3A_24 {
        %mul3A_25 = arith.constant 128 : i32
        %mul3A_26 = arith.muli %add3A, %mul3A_25 : i32
        "tpu.region"() ({
          %run_scoped3A = tpu.sem_alloc : memref<!tpu.dma_semaphore, #tpu.memory_space<semaphore_mem>>
          %dma_start3A = arith.constant 0 : i32
          %dma_start3A_29 = tpu.memref_slice %arg7[%mul3A_26, %dma_start3A] : memref<5248x128xf32, #tpu.memory_space<vmem_shared>> -> memref<128x128xf32, #tpu.memory_space<vmem_shared>>
          %dma_start3A_30 = arith.constant 0 : i32
          %dma_start3A_31 = tpu.memref_slice %arg7[%mul3A_26, %dma_start3A_30] : memref<5248x128xf32, #tpu.memory_space<vmem_shared>> -> memref<128x128xf32, #tpu.memory_space<vmem_shared>>
          tpu.enqueue_dma source(%dma_start3A_31 : memref<128x128xf32, #tpu.memory_space<vmem_shared>>) target(%arg6 : memref<128x128xf32, #tpu.memory_space<vmem>>) target_semaphore(%run_scoped3A : memref<!tpu.dma_semaphore, #tpu.memory_space<semaphore_mem>>)
          %dma_wait3A = arith.constant 0 : i32
          %dma_wait3A_32 = tpu.memref_slice %arg7[%mul3A_26, %dma_wait3A] : memref<5248x128xf32, #tpu.memory_space<vmem_shared>> -> memref<128x128xf32, #tpu.memory_space<vmem_shared>>
          %dma_wait3A_33 = arith.constant 0 : i32
          %dma_wait3A_34 = tpu.memref_slice %arg7[%mul3A_26, %dma_wait3A_33] : memref<5248x128xf32, #tpu.memory_space<vmem_shared>> -> memref<128x128xf32, #tpu.memory_space<vmem_shared>>
          tpu.wait_dma2 semaphore(%run_scoped3A : memref<!tpu.dma_semaphore, #tpu.memory_space<semaphore_mem>>) src(%dma_wait3A_34 : memref<128x128xf32, #tpu.memory_space<vmem_shared>>) dst(%arg6 : memref<128x128xf32, #tpu.memory_space<vmem>>)
          tpu.yield
        }) : () -> ()
        %mul3A_27 = arith.constant 128 : i32
        %mul3A_28 = arith.muli %add3A, %mul3A_27 : i32
        "tpu.region"() ({
          %run_scoped3A = tpu.sem_alloc : memref<!tpu.dma_semaphore, #tpu.memory_space<semaphore_mem>>
          %dma_start3A = arith.constant 0 : i32
          %dma_start3A_29 = tpu.memref_slice %arg3[%arg0, %mul3A_28, %dma_start3A] : memref<2x5120x128xf32, #tpu.memory_space<hbm>> -> memref<1x128x128xf32, #tpu.memory_space<hbm>>
          %dma_start3A_30 = tpu.memref_squeeze %dma_start3A_29 : memref<1x128x128xf32, #tpu.memory_space<hbm>> -> memref<128x128xf32, #tpu.memory_space<hbm>>
          %dma_start3A_31 = arith.constant 0 : i32
          %dma_start3A_32 = tpu.memref_slice %arg3[%arg0, %mul3A_28, %dma_start3A_31] : memref<2x5120x128xf32, #tpu.memory_space<hbm>> -> memref<1x128x128xf32, #tpu.memory_space<hbm>>
          %dma_start3A_33 = tpu.memref_squeeze %dma_start3A_32 : memref<1x128x128xf32, #tpu.memory_space<hbm>> -> memref<128x128xf32, #tpu.memory_space<hbm>>
          tpu.enqueue_dma source(%arg6 : memref<128x128xf32, #tpu.memory_space<vmem>>) target(%dma_start3A_33 : memref<128x128xf32, #tpu.memory_space<hbm>>) target_semaphore(%run_scoped3A : memref<!tpu.dma_semaphore, #tpu.memory_space<semaphore_mem>>)
          %dma_wait3A = arith.constant 0 : i32
          %dma_wait3A_34 = tpu.memref_slice %arg3[%arg0, %mul3A_28, %dma_wait3A] : memref<2x5120x128xf32, #tpu.memory_space<hbm>> -> memref<1x128x128xf32, #tpu.memory_space<hbm>>
          %dma_wait3A_35 = tpu.memref_squeeze %dma_wait3A_34 : memref<1x128x128xf32, #tpu.memory_space<hbm>> -> memref<128x128xf32, #tpu.memory_space<hbm>>
          %dma_wait3A_36 = arith.constant 0 : i32
          %dma_wait3A_37 = tpu.memref_slice %arg3[%arg0, %mul3A_28, %dma_wait3A_36] : memref<2x5120x128xf32, #tpu.memory_space<hbm>> -> memref<1x128x128xf32, #tpu.memory_space<hbm>>
          %dma_wait3A_38 = tpu.memref_squeeze %dma_wait3A_37 : memref<1x128x128xf32, #tpu.memory_space<hbm>> -> memref<128x128xf32, #tpu.memory_space<hbm>>
          tpu.wait_dma2 semaphore(%run_scoped3A : memref<!tpu.dma_semaphore, #tpu.memory_space<semaphore_mem>>) src(%arg6 : memref<128x128xf32, #tpu.memory_space<vmem>>) dst(%dma_wait3A_38 : memref<128x128xf32, #tpu.memory_space<hbm>>)
          tpu.yield
        }) : () -> ()
      } else {
      }
    }
    %scan3A_20 = arith.constant 3 : i32
    return
  }
}

module attributes {stable_mosaic.version = 14 : i64} {
  func.func @_dense_body(%arg0: i32, %arg1: memref<256x128xf32, #tpu.memory_space<vmem>>, %arg2: memref<128x1920xf32, #tpu.memory_space<vmem>>, %arg3: memref<256x16xf32, #tpu.memory_space<vmem>>, %arg4: memref<4x256x128xf32, #tpu.memory_space<vmem>>, %arg5: memref<4x256x256xf32, #tpu.memory_space<vmem>>, %arg6: memref<256x128xf32, #tpu.memory_space<vmem>>) attributes {dimension_semantics = [#tpu.dimension_semantics<arbitrary>], iteration_bounds = array<i64: 40>, scalar_prefetch = 0 : i64, scratch_operands = 0 : i64, tpu.core_type = #tpu.core_type<tc>, window_params = [{transform_indices = @transform_0, window_bounds = array<i64: 256, 128>}, {pipeline_mode = #tpu.pipeline_mode<synchronous>, transform_indices = @transform_1, window_bounds = array<i64: 128, 1920>}, {transform_indices = @transform_2, window_bounds = array<i64: 256, 16>}, {transform_indices = @transform_3, window_bounds = array<i64: 4, 256, 128>}, {transform_indices = @transform_4, window_bounds = array<i64: 4, 256, 256>}, {transform_indices = @transform_5, window_bounds = array<i64: 256, 128>}]} {
    %get3A = arith.constant 0 : index
    %get3A_0 = arith.constant 0 : index
    %get3A_1 = vector.load %arg1[%get3A, %get3A_0] : memref<256x128xf32, #tpu.memory_space<vmem>>, vector<256x128xf32>
    %get3A_2 = arith.constant 0 : index
    %get3A_3 = arith.constant 0 : index
    %get3A_4 = vector.load %arg2[%get3A_2, %get3A_3] : memref<128x1920xf32, #tpu.memory_space<vmem>>, vector<128x1920xf32>
    %dot_general3A = arith.constant dense<0.000000e+00> : vector<256x1920xf32>
    %dot_general3A_5 = tpu.matmul %get3A_1, %get3A_4, %dot_general3A {dimension_numbers = #tpu.dot_dimension_numbers<[1], [0], [0], [1], [0, 0, 1, 1], [], []>, transpose_lhs_hint = false} : vector<256x128xf32>, vector<128x1920xf32>, vector<256x1920xf32> -> vector<256x1920xf32>
    %get3A_6 = arith.constant 0 : index
    %get3A_7 = arith.constant 0 : index
    %get3A_8 = vector.load %arg3[%get3A_6, %get3A_7] : memref<256x16xf32, #tpu.memory_space<vmem>>, vector<256x16xf32>
    %max3A = arith.constant 1.000000e+00 : f32
    %max3A_9 = vector.broadcast %max3A : f32 to vector<256x16xf32>
    %max3A_10 = arith.maximumf %get3A_8, %max3A_9 : vector<256x16xf32>
    %div3A = arith.constant 1.000000e+00 : f32
    %div3A_11 = vector.broadcast %div3A : f32 to vector<256x16xf32>
    %div3A_12 = arith.divf %div3A_11, %max3A_10 : vector<256x16xf32>
    %slice3A = vector.extract_strided_slice %dot_general3A_5 {offsets = [0, 0], sizes = [256, 128], strides = [1, 1]} : vector<256x1920xf32> to vector<256x128xf32>
    %swap3A = arith.constant 0 : index
    %swap3A_13 = arith.constant 0 : index
    %swap3A_14 = arith.constant 0 : index
    %swap3A_15 = vector.load %arg4[%swap3A, %swap3A_13, %swap3A_14] : memref<4x256x128xf32, #tpu.memory_space<vmem>>, vector<1x256x128xf32>
    %swap3A_16 = vector.shape_cast %swap3A_15 : vector<1x256x128xf32> to vector<256x128xf32>
    %swap3A_17 = vector.shape_cast %slice3A : vector<256x128xf32> to vector<1x256x128xf32>
    tpu.vector_store %arg4[%swap3A, %swap3A_13, %swap3A_14], %swap3A_17 {strides = array<i32>} : memref<4x256x128xf32, #tpu.memory_space<vmem>>, vector<1x256x128xf32>,
    %slice3A_18 = vector.extract_strided_slice %dot_general3A_5 {offsets = [0, 512], sizes = [256, 256], strides = [1, 1]} : vector<256x1920xf32> to vector<256x256xf32>
    %slice3A_19 = vector.extract_strided_slice %div3A_12 {offsets = [0, 0], sizes = [256, 1], strides = [1, 1]} : vector<256x16xf32> to vector<256x1xf32>
    %squeeze3A = vector.shape_cast %slice3A_19 : vector<256x1xf32> to vector<256xf32>
    %broadcast_in_dim3A = vector.shape_cast %squeeze3A : vector<256xf32> to vector<256x1xf32>
    %mul3A = vector.broadcast %broadcast_in_dim3A : vector<256x1xf32> to vector<256x256xf32>
    %mul3A_20 = arith.mulf %slice3A_18, %mul3A : vector<256x256xf32>
    %swap3A_21 = arith.constant 0 : index
    %swap3A_22 = arith.constant 0 : index
    %swap3A_23 = arith.constant 0 : index
    %swap3A_24 = vector.load %arg5[%swap3A_21, %swap3A_22, %swap3A_23] : memref<4x256x256xf32, #tpu.memory_space<vmem>>, vector<1x256x256xf32>
    %swap3A_25 = vector.shape_cast %swap3A_24 : vector<1x256x256xf32> to vector<256x256xf32>
    %swap3A_26 = vector.shape_cast %mul3A_20 : vector<256x256xf32> to vector<1x256x256xf32>
    tpu.vector_store %arg5[%swap3A_21, %swap3A_22, %swap3A_23], %swap3A_26 {strides = array<i32>} : memref<4x256x256xf32, #tpu.memory_space<vmem>>, vector<1x256x256xf32>,
    %slice3A_27 = vector.extract_strided_slice %dot_general3A_5 {offsets = [0, 128], sizes = [256, 128], strides = [1, 1]} : vector<256x1920xf32> to vector<256x128xf32>
    %swap3A_28 = arith.constant 1 : index
    %swap3A_29 = arith.constant 0 : index
    %swap3A_30 = arith.constant 0 : index
    %swap3A_31 = vector.load %arg4[%swap3A_28, %swap3A_29, %swap3A_30] : memref<4x256x128xf32, #tpu.memory_space<vmem>>, vector<1x256x128xf32>
    %swap3A_32 = vector.shape_cast %swap3A_31 : vector<1x256x128xf32> to vector<256x128xf32>
    %swap3A_33 = vector.shape_cast %slice3A_27 : vector<256x128xf32> to vector<1x256x128xf32>
    tpu.vector_store %arg4[%swap3A_28, %swap3A_29, %swap3A_30], %swap3A_33 {strides = array<i32>} : memref<4x256x128xf32, #tpu.memory_space<vmem>>, vector<1x256x128xf32>,
    %slice3A_34 = vector.extract_strided_slice %dot_general3A_5 {offsets = [0, 768], sizes = [256, 256], strides = [1, 1]} : vector<256x1920xf32> to vector<256x256xf32>
    %slice3A_35 = vector.extract_strided_slice %div3A_12 {offsets = [0, 1], sizes = [256, 1], strides = [1, 1]} : vector<256x16xf32> to vector<256x1xf32>
    %squeeze3A_36 = vector.shape_cast %slice3A_35 : vector<256x1xf32> to vector<256xf32>
    %broadcast_in_dim3A_37 = vector.shape_cast %squeeze3A_36 : vector<256xf32> to vector<256x1xf32>
    %mul3A_38 = vector.broadcast %broadcast_in_dim3A_37 : vector<256x1xf32> to vector<256x256xf32>
    %mul3A_39 = arith.mulf %slice3A_34, %mul3A_38 : vector<256x256xf32>
    %swap3A_40 = arith.constant 1 : index
    %swap3A_41 = arith.constant 0 : index
    %swap3A_42 = arith.constant 0 : index
    %swap3A_43 = vector.load %arg5[%swap3A_40, %swap3A_41, %swap3A_42] : memref<4x256x256xf32, #tpu.memory_space<vmem>>, vector<1x256x256xf32>
    %swap3A_44 = vector.shape_cast %swap3A_43 : vector<1x256x256xf32> to vector<256x256xf32>
    %swap3A_45 = vector.shape_cast %mul3A_39 : vector<256x256xf32> to vector<1x256x256xf32>
    tpu.vector_store %arg5[%swap3A_40, %swap3A_41, %swap3A_42], %swap3A_45 {strides = array<i32>} : memref<4x256x256xf32, #tpu.memory_space<vmem>>, vector<1x256x256xf32>,
    %slice3A_46 = vector.extract_strided_slice %dot_general3A_5 {offsets = [0, 256], sizes = [256, 128], strides = [1, 1]} : vector<256x1920xf32> to vector<256x128xf32>
    %swap3A_47 = arith.constant 2 : index
    %swap3A_48 = arith.constant 0 : index
    %swap3A_49 = arith.constant 0 : index
    %swap3A_50 = vector.load %arg4[%swap3A_47, %swap3A_48, %swap3A_49] : memref<4x256x128xf32, #tpu.memory_space<vmem>>, vector<1x256x128xf32>
    %swap3A_51 = vector.shape_cast %swap3A_50 : vector<1x256x128xf32> to vector<256x128xf32>
    %swap3A_52 = vector.shape_cast %slice3A_46 : vector<256x128xf32> to vector<1x256x128xf32>
    tpu.vector_store %arg4[%swap3A_47, %swap3A_48, %swap3A_49], %swap3A_52 {strides = array<i32>} : memref<4x256x128xf32, #tpu.memory_space<vmem>>, vector<1x256x128xf32>,
    %slice3A_53 = vector.extract_strided_slice %dot_general3A_5 {offsets = [0, 1024], sizes = [256, 256], strides = [1, 1]} : vector<256x1920xf32> to vector<256x256xf32>
    %slice3A_54 = vector.extract_strided_slice %div3A_12 {offsets = [0, 2], sizes = [256, 1], strides = [1, 1]} : vector<256x16xf32> to vector<256x1xf32>
    %squeeze3A_55 = vector.shape_cast %slice3A_54 : vector<256x1xf32> to vector<256xf32>
    %broadcast_in_dim3A_56 = vector.shape_cast %squeeze3A_55 : vector<256xf32> to vector<256x1xf32>
    %mul3A_57 = vector.broadcast %broadcast_in_dim3A_56 : vector<256x1xf32> to vector<256x256xf32>
    %mul3A_58 = arith.mulf %slice3A_53, %mul3A_57 : vector<256x256xf32>
    %swap3A_59 = arith.constant 2 : index
    %swap3A_60 = arith.constant 0 : index
    %swap3A_61 = arith.constant 0 : index
    %swap3A_62 = vector.load %arg5[%swap3A_59, %swap3A_60, %swap3A_61] : memref<4x256x256xf32, #tpu.memory_space<vmem>>, vector<1x256x256xf32>
    %swap3A_63 = vector.shape_cast %swap3A_62 : vector<1x256x256xf32> to vector<256x256xf32>
    %swap3A_64 = vector.shape_cast %mul3A_58 : vector<256x256xf32> to vector<1x256x256xf32>
    tpu.vector_store %arg5[%swap3A_59, %swap3A_60, %swap3A_61], %swap3A_64 {strides = array<i32>} : memref<4x256x256xf32, #tpu.memory_space<vmem>>, vector<1x256x256xf32>,
    %slice3A_65 = vector.extract_strided_slice %dot_general3A_5 {offsets = [0, 384], sizes = [256, 128], strides = [1, 1]} : vector<256x1920xf32> to vector<256x128xf32>
    %swap3A_66 = arith.constant 3 : index
    %swap3A_67 = arith.constant 0 : index
    %swap3A_68 = arith.constant 0 : index
    %swap3A_69 = vector.load %arg4[%swap3A_66, %swap3A_67, %swap3A_68] : memref<4x256x128xf32, #tpu.memory_space<vmem>>, vector<1x256x128xf32>
    %swap3A_70 = vector.shape_cast %swap3A_69 : vector<1x256x128xf32> to vector<256x128xf32>
    %swap3A_71 = vector.shape_cast %slice3A_65 : vector<256x128xf32> to vector<1x256x128xf32>
    tpu.vector_store %arg4[%swap3A_66, %swap3A_67, %swap3A_68], %swap3A_71 {strides = array<i32>} : memref<4x256x128xf32, #tpu.memory_space<vmem>>, vector<1x256x128xf32>,
    %slice3A_72 = vector.extract_strided_slice %dot_general3A_5 {offsets = [0, 1280], sizes = [256, 256], strides = [1, 1]} : vector<256x1920xf32> to vector<256x256xf32>
    %slice3A_73 = vector.extract_strided_slice %div3A_12 {offsets = [0, 3], sizes = [256, 1], strides = [1, 1]} : vector<256x16xf32> to vector<256x1xf32>
    %squeeze3A_74 = vector.shape_cast %slice3A_73 : vector<256x1xf32> to vector<256xf32>
    %broadcast_in_dim3A_75 = vector.shape_cast %squeeze3A_74 : vector<256xf32> to vector<256x1xf32>
    %mul3A_76 = vector.broadcast %broadcast_in_dim3A_75 : vector<256x1xf32> to vector<256x256xf32>
    %mul3A_77 = arith.mulf %slice3A_72, %mul3A_76 : vector<256x256xf32>
    %swap3A_78 = arith.constant 3 : index
    %swap3A_79 = arith.constant 0 : index
    %swap3A_80 = arith.constant 0 : index
    %swap3A_81 = vector.load %arg5[%swap3A_78, %swap3A_79, %swap3A_80] : memref<4x256x256xf32, #tpu.memory_space<vmem>>, vector<1x256x256xf32>
    %swap3A_82 = vector.shape_cast %swap3A_81 : vector<1x256x256xf32> to vector<256x256xf32>
    %swap3A_83 = vector.shape_cast %mul3A_77 : vector<256x256xf32> to vector<1x256x256xf32>
    tpu.vector_store %arg5[%swap3A_78, %swap3A_79, %swap3A_80], %swap3A_83 {strides = array<i32>} : memref<4x256x256xf32, #tpu.memory_space<vmem>>, vector<1x256x256xf32>,
    %slice3A_84 = vector.extract_strided_slice %dot_general3A_5 {offsets = [0, 1536], sizes = [256, 128], strides = [1, 1]} : vector<256x1920xf32> to vector<256x128xf32>
    %slice3A_85 = vector.extract_strided_slice %dot_general3A_5 {offsets = [0, 1664], sizes = [256, 128], strides = [1, 1]} : vector<256x1920xf32> to vector<256x128xf32>
    %slice3A_86 = vector.extract_strided_slice %dot_general3A_5 {offsets = [0, 1792], sizes = [256, 128], strides = [1, 1]} : vector<256x1920xf32> to vector<256x128xf32>
    %mul3A_87 = arith.mulf %slice3A_86, %slice3A_84 : vector<256x128xf32>
    %add3A = arith.addf %mul3A_87, %slice3A_85 : vector<256x128xf32>
    %max3A_88 = arith.constant 0.000000e+00 : f32
    %max3A_89 = vector.broadcast %max3A_88 : f32 to vector<256x128xf32>
    %max3A_90 = arith.maximumf %add3A, %max3A_89 : vector<256x128xf32>
    %swap3A_91 = arith.constant 0 : index
    %swap3A_92 = arith.constant 0 : index
    %swap3A_93 = vector.load %arg6[%swap3A_91, %swap3A_92] : memref<256x128xf32, #tpu.memory_space<vmem>>, vector<256x128xf32>
    tpu.vector_store %arg6[%swap3A_91, %swap3A_92], %max3A_90 {strides = array<i32>} : memref<256x128xf32, #tpu.memory_space<vmem>>, vector<256x128xf32>,
    return
  }
  func.func @transform_0(%arg0: i32) -> (i32, i32) {
    %c0_i32 = arith.constant 0 : i32
    %c0_i32_0 = arith.constant 0 : i32
    return %arg0, %c0_i32 : i32, i32
  }
  func.func @transform_1(%arg0: i32) -> (i32, i32) {
    %c0_i32 = arith.constant 0 : i32
    %c0_i32_0 = arith.constant 0 : i32
    %c0_i32_1 = arith.constant 0 : i32
    return %c0_i32, %c0_i32_0 : i32, i32
  }
  func.func @transform_2(%arg0: i32) -> (i32, i32) {
    %c0_i32 = arith.constant 0 : i32
    %c0_i32_0 = arith.constant 0 : i32
    return %arg0, %c0_i32 : i32, i32
  }
  func.func @transform_3(%arg0: i32) -> (i32, i32, i32) {
    %c0_i32 = arith.constant 0 : i32
    %c0_i32_0 = arith.constant 0 : i32
    %c0_i32_1 = arith.constant 0 : i32
    return %c0_i32, %arg0, %c0_i32_0 : i32, i32, i32
  }
  func.func @transform_4(%arg0: i32) -> (i32, i32, i32) {
    %c0_i32 = arith.constant 0 : i32
    %c0_i32_0 = arith.constant 0 : i32
    %c0_i32_1 = arith.constant 0 : i32
    return %c0_i32, %arg0, %c0_i32_0 : i32, i32, i32
  }
  func.func @transform_5(%arg0: i32) -> (i32, i32) {
    %c0_i32 = arith.constant 0 : i32
    %c0_i32_0 = arith.constant 0 : i32
    return %arg0, %c0_i32 : i32, i32
  }
}

module attributes {stable_mosaic.version = 14 : i64} {
  func.func @_bn_body(%arg0: memref<10000x128xf32, #tpu.memory_space<vmem>>, %arg1: memref<10000x128xf32, #tpu.memory_space<vmem>>, %arg2: memref<1x128xf32, #tpu.memory_space<vmem>>, %arg3: memref<1x128xf32, #tpu.memory_space<vmem>>, %arg4: memref<10000x128xf32, #tpu.memory_space<vmem>>) attributes {dimension_semantics = [], scalar_prefetch = 0 : i64, scratch_operands = 0 : i64, tpu.core_type = #tpu.core_type<tc>} {
    %get3A = arith.constant 0 : index
    %get3A_0 = arith.constant 0 : index
    %get3A_1 = vector.load %arg0[%get3A, %get3A_0] : memref<10000x128xf32, #tpu.memory_space<vmem>>, vector<10000x128xf32>
    %get3A_2 = arith.constant 0 : index
    %get3A_3 = arith.constant 0 : index
    %get3A_4 = vector.load %arg1[%get3A_2, %get3A_3] : memref<10000x128xf32, #tpu.memory_space<vmem>>, vector<10000x128xf32>
    %add3A = arith.addf %get3A_1, %get3A_4 : vector<10000x128xf32>
    %reduce_sum3A = arith.constant dense<0.000000e+00> : vector<128xf32>
    %reduce_sum3A_5 = vector.multi_reduction <add>, %add3A, %reduce_sum3A [0] : vector<10000x128xf32> to vector<128xf32>
    %broadcast_in_dim3A = vector.shape_cast %reduce_sum3A_5 : vector<128xf32> to vector<1x128xf32>
    %div3A = arith.constant 1.000000e+04 : f32
    %div3A_6 = vector.broadcast %div3A : f32 to vector<1x128xf32>
    %div3A_7 = arith.divf %broadcast_in_dim3A, %div3A_6 : vector<1x128xf32>
    %mul3A = arith.mulf %add3A, %add3A : vector<10000x128xf32>
    %reduce_sum3A_8 = arith.constant dense<0.000000e+00> : vector<128xf32>
    %reduce_sum3A_9 = vector.multi_reduction <add>, %mul3A, %reduce_sum3A_8 [0] : vector<10000x128xf32> to vector<128xf32>
    %broadcast_in_dim3A_10 = vector.shape_cast %reduce_sum3A_9 : vector<128xf32> to vector<1x128xf32>
    %div3A_11 = arith.constant 1.000000e+04 : f32
    %div3A_12 = vector.broadcast %div3A_11 : f32 to vector<1x128xf32>
    %div3A_13 = arith.divf %broadcast_in_dim3A_10, %div3A_12 : vector<1x128xf32>
    %mul3A_14 = arith.mulf %div3A_7, %div3A_7 : vector<1x128xf32>
    %sub3A = arith.subf %div3A_13, %mul3A_14 : vector<1x128xf32>
    %get3A_15 = arith.constant 0 : index
    %get3A_16 = arith.constant 0 : index
    %get3A_17 = vector.load %arg2[%get3A_15, %get3A_16] : memref<1x128xf32, #tpu.memory_space<vmem>>, vector<1x128xf32>
    %sub3A_18 = vector.broadcast %div3A_7 : vector<1x128xf32> to vector<10000x128xf32>
    %sub3A_19 = arith.subf %add3A, %sub3A_18 : vector<10000x128xf32>
    %mul3A_20 = vector.broadcast %get3A_17 : vector<1x128xf32> to vector<10000x128xf32>
    %mul3A_21 = arith.mulf %mul3A_20, %sub3A_19 : vector<10000x128xf32>
    %add3A_22 = arith.constant 9.99999974E-6 : f32
    %add3A_23 = vector.broadcast %add3A_22 : f32 to vector<1x128xf32>
    %add3A_24 = arith.addf %sub3A, %add3A_23 : vector<1x128xf32>
    %rsqrt3A = math.rsqrt %add3A_24 : vector<1x128xf32>
    %mul3A_25 = vector.broadcast %rsqrt3A : vector<1x128xf32> to vector<10000x128xf32>
    %mul3A_26 = arith.mulf %mul3A_21, %mul3A_25 : vector<10000x128xf32>
    %get3A_27 = arith.constant 0 : index
    %get3A_28 = arith.constant 0 : index
    %get3A_29 = vector.load %arg3[%get3A_27, %get3A_28] : memref<1x128xf32, #tpu.memory_space<vmem>>, vector<1x128xf32>
    %add3A_30 = vector.broadcast %get3A_29 : vector<1x128xf32> to vector<10000x128xf32>
    %add3A_31 = arith.addf %mul3A_26, %add3A_30 : vector<10000x128xf32>
    %max3A = arith.constant 0.000000e+00 : f32
    %max3A_32 = vector.broadcast %max3A : f32 to vector<10000x128xf32>
    %max3A_33 = arith.maximumf %add3A_31, %max3A_32 : vector<10000x128xf32>
    %swap3A = arith.constant 0 : index
    %swap3A_34 = arith.constant 0 : index
    %swap3A_35 = vector.load %arg4[%swap3A, %swap3A_34] : memref<10000x128xf32, #tpu.memory_space<vmem>>, vector<10000x128xf32>
    tpu.vector_store %arg4[%swap3A, %swap3A_34], %max3A_33 {strides = array<i32>} : memref<10000x128xf32, #tpu.memory_space<vmem>>, vector<10000x128xf32>,
    return
  }
}

module attributes {stable_mosaic.version = 14 : i64} {
  func.func @_add_body(%arg0: memref<10000x128xf32, #tpu.memory_space<vmem>>, %arg1: memref<10000x128xf32, #tpu.memory_space<vmem>>, %arg2: memref<10000x128xf32, #tpu.memory_space<vmem>>) attributes {dimension_semantics = [], scalar_prefetch = 0 : i64, scratch_operands = 0 : i64, tpu.core_type = #tpu.core_type<tc>} {
    %get3A = arith.constant 0 : index
    %get3A_0 = arith.constant 0 : index
    %get3A_1 = vector.load %arg0[%get3A, %get3A_0] : memref<10000x128xf32, #tpu.memory_space<vmem>>, vector<10000x128xf32>
    %get3A_2 = arith.constant 0 : index
    %get3A_3 = arith.constant 0 : index
    %get3A_4 = vector.load %arg1[%get3A_2, %get3A_3] : memref<10000x128xf32, #tpu.memory_space<vmem>>, vector<10000x128xf32>
    %add3A = arith.addf %get3A_1, %get3A_4 : vector<10000x128xf32>
    %swap3A = arith.constant 0 : index
    %swap3A_5 = arith.constant 0 : index
    %swap3A_6 = vector.load %arg2[%swap3A, %swap3A_5] : memref<10000x128xf32, #tpu.memory_space<vmem>>, vector<10000x128xf32>
    tpu.vector_store %arg2[%swap3A, %swap3A_5], %add3A {strides = array<i32>} : memref<10000x128xf32, #tpu.memory_space<vmem>>, vector<10000x128xf32>,
    return
  }
}

</mosaic_0001>

<sc_bundles>
// kernel: kernel.12.cloned.1.call-start
scs
__scs_entry_jumppad:
0x0: {  	(pc) =	sbr.rel $0x88, $3  }
0x1: {  	(tag) =	ssettag $0x0;
	lr =	simm.s32 $0x1  }
0x2: {  	[smem:$0x3F94] =	sst lr;
	_ =	strace $0xD0000000  }
0x3: {  	_ = 	snop  }
0x4: {  	_ = 	snop  }
0x5: {  	_ = 	snop  }
0x6: {  	_ = 	snop  }
0x7: {  	_ = 	snop  }
__scs_overlays_trampoline_lowered:
0x8: {  	[smem:$0x3FA3] =	sst s0  }
0x9: {  	[smem:$0x3FA4] =	sst s1  }
0xa: {  	[smem:$0x3FA5] =	sst s2  }
0xb: {  	[smem:$0x3FA6] =	sst s3  }
0xc: {  	[smem:$0x3FA7] =	sst s4  }
0xd: {  	[smem:$0x3FA8] =	sst s5  }
0xe: {  	[smem:$0x3FA9] =	sst s6  }
0xf: {  	[smem:$0x3FAA] =	sst s7  }
0x10: {  	[smem:$0x3FAB] =	sst s8  }
0x11: {  	[smem:$0x3FAC] =	sst s9;
	s0 =	simm.s32 @!p0 $0x0  }
0x12: {  	s1 =	sld [smem:$0x3F92];
	s0 =	simm.s32 @p0 $0x1  }
0x13: {  	[smem:$0x3FAD] =	sst s0;
	s0 =	simm.s32 @!p1 $0x0  }
0x14: {  	s2 =	sld [smem:$0x3F91];
	s0 =	simm.s32 @p1 $0x1  }
0x15: {  	[smem:$0x3FAE] =	sst s0;
	s0 =	simm.s32 @!p2 $0x0  }
0x16: {  	s3 =	sld [smem:$0x3FDB];
	s0 =	simm.s32 @p2 $0x1  }
0x17: {  	s4 =	simm.s32 $0x1BF5;
	[smem:$0x3FB0] =	sst s0  }
0x18: {  	s0 =	sld [smem:$0x3F93];
	_ =	swait.ge [sflag:s4], $0x0  }
0x19: {  	s7 =	sld [smem:$0x3F94]  }
0x1a: {  	s8 =	sadd.s32 $0xFFFFE003, lr  }
0x1b: {  	s9 =	sadd.s32 $0xFFFFFEF7, lr;
	s5 =	simm.s32 $0xFFFFFFFF;
	p2 =	slt.u32 s8, $0xFFFFF086  }
0x1c: {  	p1 =	slt.u32 s9, $0xF7A;
	s5 =	simm.s32 @!p2 $0x0  }
0x1d: {  	s5 =	simm.s32 @p1 $0x1;
	p0 =	seq.s32 s7, s2  }
0x1e: {  	s7 =	smul.u32 @!p0 $0xF7A, s2;
	p2 =	seq.s32 @!p0 s5, $0x0  }
0x1f: {  	s9 =	smul.u32 $0xF7A, s1;
	s8 =	simm.s32 @!p0 $0x1BF5;
	p2 =	por !p2, p0  }
0x20: {  	[sflag:s8] =	ssyncset.s32 @!p0 $0xFFFFF086;
	s6 =	sadd.s32 @!p0 s3, s7;
	s7 =	simm.s32 @!p0 $0x108  }
0x21: {  	s3 =	sadd.s32 s3, s9;
	s6 =	sadd.s32 @!p0 $0x88, s6;
	s7 =	simm.s32 @p2 $0x1082  }
0x22: {  	[simem:s7], [sflag:s8] =	dma.local @!p0 [hbm:s6], $0xF7A  }
0x23: {  	s9 =	sor.u32 $0xD0000000, s2;
	s6 =	simm.s32 $0x108;
	_ =	swait.ge @!p0 [sflag:s8], $0x0  }
0x24: {  	s3 =	sadd.s32 $0x88, s3;
	s6 =	simm.s32 @!p1 $0x1082;
	[sflag:s4] =	ssyncset.s32 $0xFFFFF086  }
0x25: {  	[simem:s6], [sflag:s4] =	dma.local [hbm:s3], $0xF7A  }
0x26: {  	[smem:$0x3F94] =	sst s1;
	(tag) =	ssettag s2;
	_ =	strace s9  }
0x27: {  	s1 =	sld [smem:$0x3FA4]  }
0x28: {  	s2 =	sld [smem:$0x3FA5]  }
0x29: {  	s4 =	sld [smem:$0x3FA7]  }
0x2a: {  	p0 =	seq.s32 s5, $0x0;
	s5 =	sld [smem:$0x3FA8]  }
0x2b: {  	s6 =	sld [smem:$0x3FA9]  }
0x2c: {  	s7 =	sld [smem:$0x3FAA]  }
0x2d: {  	s3 =	simm.s32 $0x108;
	s8 =	sld [smem:$0x3FAB]  }
0x2e: {  	s3 =	simm.s32 @!p0 $0x1082;
	s9 =	sld [smem:$0x3FAC]  }
0x2f: {  	lr =	sadd.s32 s0, s3;
	s0 =	sld [smem:$0x3FA3]  }
0x30: {  	s3 =	sld [smem:$0x3FA6]  }
0x31: {  	[smem:$0x3FAF] =	sst s10  }
0x32: {  	s10 =	sld [smem:$0x3FAD];
	_ =	sdelay $0x3  }
0x33: {  	p0 =	seq.s32 s10, $0x1;
	s10 =	sld [smem:$0x3FAF];
	_ =	sdelay $0x3  }
0x34: {  	[smem:$0x3FAF] =	sst s10  }
0x35: {  	s10 =	sld [smem:$0x3FAE];
	_ =	sdelay $0x3  }
0x36: {  	p1 =	seq.s32 s10, $0x1;
	s10 =	sld [smem:$0x3FAF];
	_ =	sdelay $0x3  }
0x37: {  	[smem:$0x3FAF] =	sst s10  }
0x38: {  	s10 =	sld [smem:$0x3FB0]  }
0x39: {  	_ = 	snop;
	(pc) =	sbr.ind lr, $3  }
0x3a: {  	_ = 	snop  }
0x3b: {  	_ = 	snop  }
0x3c: {  	p2 =	seq.s32 s10, $0x1;
	s10 =	sld [smem:$0x3FAF]  }
0x3d: {  	_ =	shalt  }
0x3e: {  	_ =	shalt  }
0x3f: {  	_ =	shalt  }
0x40: {  	_ =	shalt  }
0x41: {  	_ =	shalt  }
0x42: {  	_ =	shalt  }
0x43: {  	_ =	shalt  }
0x44: {  	_ =	shalt  }
0x45: {  	_ =	shalt  }
0x46: {  	_ =	shalt  }
0x47: {  	_ =	shalt  }
0x48: {  	_ =	shalt  }
0x49: {  	_ =	shalt  }
0x4a: {  	_ =	shalt  }
0x4b: {  	_ =	shalt  }
0x4c: {  	_ =	shalt  }
0x4d: {  	_ =	shalt  }
0x4e: {  	_ =	shalt  }
0x4f: {  	_ =	shalt  }
0x50: {  	_ =	shalt  }
0x51: {  	_ =	shalt  }
0x52: {  	_ =	shalt  }
0x53: {  	_ =	shalt  }
0x54: {  	_ =	shalt  }
0x55: {  	_ =	shalt  }
0x56: {  	_ =	shalt  }
0x57: {  	_ =	shalt  }
0x58: {  	_ =	shalt  }
0x59: {  	_ =	shalt  }
0x5a: {  	_ =	shalt  }
0x5b: {  	_ =	shalt  }
0x5c: {  	_ =	shalt  }
0x5d: {  	_ =	shalt  }
0x5e: {  	_ =	shalt  }
0x5f: {  	_ =	shalt  }
0x60: {  	_ =	shalt  }
0x61: {  	_ =	shalt  }
0x62: {  	_ =	shalt  }
0x63: {  	_ =	shalt  }
0x64: {  	_ =	shalt  }
0x65: {  	_ =	shalt  }
0x66: {  	_ =	shalt  }
0x67: {  	_ =	shalt  }
0x68: {  	_ =	shalt  }
0x69: {  	_ =	shalt  }
0x6a: {  	_ =	shalt  }
0x6b: {  	_ =	shalt  }
0x6c: {  	_ =	shalt  }
0x6d: {  	_ =	shalt  }
0x6e: {  	_ =	shalt  }
0x6f: {  	_ =	shalt  }
0x70: {  	_ =	shalt  }
0x71: {  	_ =	shalt  }
0x72: {  	_ =	shalt  }
0x73: {  	_ =	shalt  }
0x74: {  	_ =	shalt  }
0x75: {  	_ =	shalt  }
0x76: {  	_ =	shalt  }
0x77: {  	_ =	shalt  }
0x78: {  	_ =	shalt  }
0x79: {  	_ =	shalt  }
0x7a: {  	_ =	shalt  }
0x7b: {  	_ =	shalt  }
0x7c: {  	_ =	shalt  }
0x7d: {  	_ =	shalt  }
0x7e: {  	_ =	shalt  }
0x7f: {  	_ =	shalt  }
0x80: {  	_ =	shalt  }
0x81: {  	_ =	shalt  }
0x82: {  	_ =	shalt  }
0x83: {  	_ =	shalt  }
0x84: {  	_ =	shalt  }
0x85: {  	_ =	shalt  }
0x86: {  	_ =	shalt  }
0x87: {  	_ =	shalt  }
.Lfunc_end0:
.L_simem_size_0:
called_computation.1_lowered:
.L_overlay_start_0:
0x88: {  	s2 =	sld [smem:$0x3FD9]  }
0x89: {  	s3 =	sld [smem:$0x3FFE];
	_ =	sdelay $0x1  }
0x8a: {  	s1 =	srdreg.scid  }
0x8b: {  	s0 =	sand.u32 $0x1, s1  }
0x8c: {  	s17 =	sshll.u32 s0, $0xA;
	s2 =	sadd.s32 s3, s2  }
0x8d: {  	s2 =	sadd.s32 s2, s17  }
0x8e: {  	[smem:$0x3FBB] =	sst s2  }
0x8f: {  	_ = 	snop  }
0x90: {  	s2 =	sld [smem:$0x3FD0];
	(tm) =	ssettm $0x1  }
0x91: {  	s18 =	sld [smem:$0x3FFB];
	_ =	sdelay $0x3  }
0x92: {  	_ =	strace s18  }
0x93: {  	s3 =	sld [smem:$0x3FFC];
	_ =	sdelay $0x3  }
0x94: {  	_ =	strace s3  }
0x95: {  	s3 =	sld [smem:$0x3FFD];
	_ =	sdelay $0x3  }
0x96: {  	_ =	strace s3  }
0x97: {  	_ =	strace $0x8FFFFFFF  }
0x98: {  	s19 =	sld [smem:$0x3FDB];
	_ =	sdelay $0x1  }
0x99: {  	s4 =	simm.s32 $_scs_section_size  }
0x9a: {  	s5 =	simm.s32 $_size__tile_overlayer_lowered;
	s6 =	simm.s32 $_tile_overlayer_lowered  }
0x9b: {  	s22 =	simm.s32 $0x1BFF;
	s21 =	sshll.u32 s6, $0x1;
	s3 =	sadd.s32 s4, s19  }
0x9c: {  	s7 =	simm.s32 $0x0;
	s20 =	sshll.u32 s5, $0x1;
	s5 =	sadd.s32 s21, s3  }
0x9d: {  	[timem:s7], [sflag:s22] =	dma.local [hbm:s5], s20  }
0x9e: {  	_ =	swait.ge [sflag:s22], s20  }
0x9f: {  	s4 =	ssub.s32 $0x0, s20;
	[sflag:s22] =	ssyncset.done $0x0  }
0xa0: {  	[sflag:s22] =	ssyncadd.s32 s4;
	_ =	sdelay $0x1  }
0xa1: {  	s23 =	simm.s32 $0x1B8B  }
0xa2: {  	_ =	swait.ge [sflag:s23], $0x1  }
0xa3: {  	[sflag:s23] =	ssyncset.done $0x0  }
0xa4: {  	s25 =	simm.s32 $0x1B8E;
	s24 =	sld [smem:$0x3FFE];
	[sflag:s23] =	ssyncadd.s32 $0xFFFFFFFF  }
0xa5: {  	s26 =	simm.s32 $execute0_lowered;
	[smem:$0x3FD2] =	sst s25  }
0xa6: {  	s5 =	sshll.u32 s26, $0x1;
	_ =	strace $0x80000049;
	[dreg:$0x1] =	wrdreg $0xFFFFFFFF  }
0xa7: {  	s28 =	simm.s32 $_size_execute0_lowered;
	s3 =	sadd.s32 s3, s5;
	[dreg:$0x0] =	wrdreg $0x0  }
0xa8: {  	s5 =	sshll.u32 s28, $0x1;
	[dreg:$0x2] =	wrdreg s3  }
0xa9: {  	[dreg:$0x3] =	wrdreg s5  }
0xaa: {  	[dreg:$0x4] =	wrdreg $0xC0  }
0xab: {  	_ =	task [dreg:s7], $0x5FFFF  }
0xac: {  	[dreg:$0x1] =	wrdreg $0xFFFFFFFF  }
0xad: {  	[dreg:$0x0] =	wrdreg $0x60  }
0xae: {  	[dreg:$0x2] =	wrdreg s24  }
0xaf: {  	[dreg:$0x3] =	wrdreg s2  }
0xb0: {  	[dreg:$0x4] =	wrdreg $0x102000  }
0xb1: {  	[dreg:$0x5] =	wrdreg $0x9  }
0xb2: {  	_ =	task.clear_ibuf [dreg:s7], $0x6FFFF;
	_ =	strace $0x90000049  }
0xb3: {  	s29 =	simm.s32 $0x9;
	_ =	strace $0x8000004B  }
0xb4: {  	_ =	swait.ge [sflag:s29], $0x1  }
0xb5: {  	[sflag:s29] =	ssyncadd.s32 $0xFFFFFFFF  }
0xb6: {  	_ =	strace $0x9000004B  }
0xb7: {  	_ =	sfence  }
0xb8: {  	s30 =	sld [smem:$0x0];
	_ =	sdelay $0x2  }
0xb9: {  	s31 =	sshll.u32 s1, $0xD;
	s1 =	sshrl.u32 s1, $0x2  }
0xba: {  	s3 =	sand.u32 $0x4000, s31;
	s1 =	sadd.s32 s1, s30  }
0xbb: {  	s0 =	sor.u32 s3, s0;
	s1 =	sshll.u32 s1, $0x11  }
0xbc: {  	s0 =	sor.u32 s1, s0  }
0xbd: {  	s0 =	sadd.s32 $0x8F2B, s0  }
0xbe: {  	[sflag:s0] =	ssyncadd.remote.s32 $0x1  }
0xbf: {  	_ =	sfence.sel $0xFFFF  }
0xc0: {  	[dreg:$0x0] =	wrdreg $0xFFFFFFFF;
	(pc) =	sbr.abs _section_cstart, $3  }
0xc1: {  	[dreg:$0x1] =	wrdreg $0xFFFFFFFF  }
0xc2: {  	_ =	task.clear_ibuf [dreg:s7], $0x2FFFF;
	_ =	strace $0x9FFFFFFF  }
0xc3: {  	(tm) =	ssettm $0x7FFFFFFF  }
tec
execute0_lowered:
.L_overlay_start_1:
0x0: {  	(tag) =	ssettag $0x1  }
0x1: {  	s0 =	rddreg [dreg:$0x0]  }
0x2: {  	s10 =	rddreg [dreg:$0x2];
	s1 =	simm.s32 $0x0  }
0x3: {  	s20 =	srdreg.scid;
	s8 =	stileid.u32;
	s15 =	simm.s32 $0xC200  }
0x4: {  	s16 =	simm.s32 $0x3;
	s17 =	simm.s32 $0x80;
	s22 =	simm.s32 $0x5A00  }
0x5: {  	s23 =	simm.s32 $0x6200;
	s24 =	simm.s32 $0x6A00;
	s25 =	simm.s32 $0x7200  }
0x6: {  	s28 =	simm.s32 $0x8200;
	s29 =	simm.s32 $0x8A00;
	s30 =	simm.s32 $0x9200  }
0x7: {  	s31 =	simm.s32 $0x9A00;
	s12 =	simm.s32 $0x1;
	s13 =	simm.s32 $0x2  }
0x8: {  	s14 =	simm.s32 $0x180;
	[smem:$0x7FF] =	sst s1;
	s1 =	sand.u32 $0x1, s20  }
0x9: {  	s5 =	sadd.s32 $0x2B000, s0;
	s6 =	sadd.s32 $0xCB000, s0;
	s7 =	smul.u32 $0xA0, s8  }
0xa: {  	s0 =	sadd.s32 $0x20B000, s0;
	s4 =	sshll.u32 s8, $0xE;
	s8 =	sor.u32 $0x20, s8  }
0xb: {  	_ =	strace $0x8000004A;
	s2 =	ssub.s32 $0x2, s1;
	s21 =	smul.u32 $0xFFFFEC00, s1  }
0xc: {  	s1 =	smul.u32 $0xA0000, s1;
	s26 =	sor.u32 $0x40000, s4;
	s9 =	sshll.u32 s8, $0xE  }
0xd: {  	s11 =	sadd.s32 s4, s10;
	p0 =	sgt.u32 s8, $0x28;
	p1 =	sgt.u32 s8, $0x27  }
0xe: {  	s8 =	simm.s32 $0xBA00;
	s3 =	sshrl.u32 s2, $0x1;
	s18 =	sadd.s32 s26, s10  }
0xf: {  	s10 =	sadd.s32 s9, s10;
	[dreg:$0x5] =	wrdreg s11;
	s2 =	ssub.s32 s2, s3  }
0x10: {  	s4 =	sadd.s32 s1, s4;
	s3 =	simm.s32 $0xB200;
	[dreg:$0x6] =	wrdreg s18  }
0x11: {  	[dreg:$0x7] =	wrdreg s10;
	s2 =	smax.u32 s2, $0x1;
	s4 =	sshrl.u32 s4, $0x3  }
0x12: {  	[dreg:$0x4] =	wrdreg s2;
	s2 =	sadd.s32 s1, s26;
	s1 =	sadd.s32 s1, s9  }
0x13: {  	s4 =	sadd.s32 s0, s4;
	s26 =	simm.s32 $0x7A00;
	s2 =	sshrl.u32 s2, $0x3  }
0x14: {  	v4 =	vlaneseq.u32;
	v1 =	vimm.f32 $0.0e+00;
	s1 =	sshrl.u32 s1, $0x3;
	[dreg:$0x8] =	wrdreg s4;
	s2 =	sadd.s32 s0, s2  }
0x15: {  	vm0 =	vmmov $0xffff;
	v2 =	vand.u32 $0x7, v4;
	v3 =	vshrl.u32 v4, $0x3;
	s9 =	simm.s32 $0x0;
	s0 =	sadd.s32 s0, s1;
	[dreg:$0x9] =	wrdreg s2  }
0x16: {  	v4 =	vor.u32 $0x8, v4;
	v3 =	vmul.u32 $0x8, v3;
	v0 =	vmov s21;
	s4 =	simm.s32 $0xAA00;
	[dreg:$0xa] =	wrdreg s0;
	s0 =	simm.s32 $0xA200  }
.LBB2_1:
0x17: {  	[dreg:$0xb] =	wrdreg s9;
	s1 =	simm.s32 $0x0;
	s2 =	simm.s32 $0x200  }
.LBB2_2:
0x18: {  	p2 =	sne.s32 s2, $0xFE00;
	[tilespmem:s1+$0xC270] =	vst v1  }
0x19: {  	[tilespmem:s1+$0xC200] =	vst v1  }
0x1a: {  	[tilespmem:s1+$0xC210] =	vst v1  }
.Ltmp0:
0x1b: {  	[tilespmem:s1+$0xC220] =	vst v1;
	(pc) =	sbr.rel @p2 .LBB2_2-.Ltmp0, $4  }
0x1c: {  	[tilespmem:s1+$0xC230] =	vst v1  }
0x1d: {  	[tilespmem:s1+$0xC240] =	vst v1  }
0x1e: {  	[tilespmem:s1+$0xC250] =	vst v1  }
0x1f: {  	[tilespmem:s1+$0xC260] =	vst v1;
	s1 =	sshra.s32 s2, $0x2;
	s2 =	sadd.s32 $0x200, s2  }
0x20: {  	[tilespmem:s1+$0xC270] =	vst v1  }
0x21: {  	[tilespmem:s1+$0xC200] =	vst v1  }
0x22: {  	[tilespmem:s1+$0xC210] =	vst v1  }
0x23: {  	[tilespmem:s1+$0xC220] =	vst v1  }
0x24: {  	[tilespmem:s1+$0xC230] =	vst v1  }
0x25: {  	[tilespmem:s1+$0xC240] =	vst v1  }
0x26: {  	[tilespmem:s1+$0xC250] =	vst v1  }
0x27: {  	[tilespmem:s1+$0xC260] =	vst v1  }
0x28: {  	[spmem:s11] =	stream.linear.scatter [tilespmem:s15], [sflag:$0x3], $0x4000, $0x38;
	[tilespmem:$0x1A600] =	vst v63  }
0x29: {  	_ =	swait.ge [sflag:s16], $0x4000  }
0x2a: {  	[sflag:s16] =	ssyncset.done $0x0  }
0x2b: {  	[sflag:s16] =	ssyncadd.s32 $0xFFFFC000  }
0x2c: {  	[spmem:s18] =	stream.linear.scatter [tilespmem:s15], [sflag:$0x3], $0x4000, $0x38;
	[tilespmem:$0x1A600] =	vst v63  }
0x2d: {  	_ =	swait.ge [sflag:s16], $0x4000  }
0x2e: {  	[sflag:s16] =	ssyncset.done $0x0  }
0x2f: {  	s1 =	simm.s32 @!p0 $0xC200;
	[sflag:s16] =	ssyncadd.s32 $0xFFFFC000  }
0x30: {  	[spmem:s10] =	stream.linear.scatter @!p0 [tilespmem:s1], [sflag:$0x3], $0x4000, $0x38;
	[tilespmem:$0x1A600] =	vst v63  }
0x31: {  	s1 =	simm.s32 @!p0 $0x3  }
0x32: {  	_ =	swait.ge @!p0 [sflag:s1], $0x4000  }
0x33: {  	[sflag:s1] =	ssyncset.done @!p0 $0x0  }
0x34: {  	[sflag:s1] =	ssyncadd.s32 @!p0 $0xFFFFC000  }
0x35: {  	s9 =	simm.s32 $0x0;
	s11 =	simm.s32 $0x0;
	[bflag:$0x0] =	sbarrier.arrive $0xFFFF  }
.LBB2_4:
0x36: {  	s1 =	sadd.s32 s7, s9  }
0x37: {  	s2 =	rddreg [dreg:$0x1];
	s1 =	sshll.u32 s1, $0x4  }
0x38: {  	s1 =	sadd.s32 s2, s1  }
0x39: {  	[tilespmem:s11], [sflag:$0x3] =	stream.linear.gather [hbm4b:s1+s11], $0x80, $0x38;
	[tilespmem:$0x1A600] =	vst v63  }
0x3a: {  	_ =	swait.ge [sflag:s16], $0x80  }
0x3b: {  	[sflag:s16] =	ssyncset.done $0x0  }
0x3c: {  	[sflag:s16] =	ssyncadd.s32 $0xFFFFFF80  }
0x3d: {  	v5 =	vld [tilespmem:$0x0];
	_ =	sdelay $0x1  }
0x3e: {  	v6 =	vld [tilespmem:$0x10];
	_ =	sdelay $0x2  }
0x3f: {  	v7 =	vshrl.u32 v5, $0x1C  }
0x40: {  	v9 =	vld [tilespmem:$0x20];
	v8 =	vshrl.u32 v5, $0xE;
	v7 =	vmul.u32 $0x2800, v7  }
0x41: {  	v10 =	vshrl.u32 v6, $0x1C;
	v8 =	vand.u32 $0x3FFF, v8  }
0x42: {  	v5 =	vand.u32 $0x3FFF, v5;
	v10 =	vmul.u32 $0x2800, v10;
	v8 =	vadd.s32 v8, v7  }
0x43: {  	v11 =	vld [tilespmem:$0x30];
	v7 =	vadd.s32 v5, v7;
	v5 =	vadd.s32 v0, v5;
	[tilespmem:$0x80] =	vst v8;
	v8 =	vshrl.u32 v6, $0xE  }
0x44: {  	[tilespmem:$0x100] =	vst v7;
	v5 =	vmin.u32 v5, $0x1400;
	v6 =	vand.u32 $0x3FFF, v6;
	v7 =	vand.u32 $0x3FFF, v8  }
0x45: {  	[tilespmem:$0x180] =	vst v5;
	v8 =	vshrl.u32 v9, $0x1C;
	v5 =	vadd.s32 v7, v10;
	v7 =	vadd.s32 v6, v10  }
0x46: {  	v60 =	vld [tilespmem:$0x40];
	v8 =	vmul.u32 $0x2800, v8;
	[tilespmem:$0x90] =	vst v5;
	v5 =	vadd.s32 v0, v6;
	v6 =	vshrl.u32 v9, $0xE  }
0x47: {  	[tilespmem:$0x110] =	vst v7;
	v7 =	vand.u32 $0x3FFF, v9;
	v5 =	vmin.u32 v5, $0x1400;
	v6 =	vand.u32 $0x3FFF, v6  }
0x48: {  	[tilespmem:$0x190] =	vst v5;
	v5 =	vadd.s32 v6, v8;
	v6 =	vadd.s32 v7, v8;
	v8 =	vshrl.u32 v11, $0x1C  }
0x49: {  	v61 =	vld [tilespmem:$0x50];
	[tilespmem:$0xA0] =	vst v5;
	v5 =	vadd.s32 v0, v7;
	v7 =	vshrl.u32 v11, $0xE;
	v8 =	vmul.u32 $0x2800, v8  }
0x4a: {  	[tilespmem:$0x120] =	vst v6;
	v5 =	vmin.u32 v5, $0x1400;
	v6 =	vand.u32 $0x3FFF, v7;
	v7 =	vand.u32 $0x3FFF, v11  }
0x4b: {  	[tilespmem:$0x1A0] =	vst v5;
	v5 =	vadd.s32 v6, v8;
	v6 =	vadd.s32 v7, v8;
	v8 =	vshrl.u32 v60, $0x1C  }
0x4c: {  	v62 =	vld [tilespmem:$0x60];
	[tilespmem:$0xB0] =	vst v5;
	v5 =	vadd.s32 v0, v7;
	v7 =	vshrl.u32 v60, $0xE;
	v8 =	vmul.u32 $0x2800, v8  }
0x4d: {  	[tilespmem:$0x130] =	vst v6;
	v5 =	vmin.u32 v5, $0x1400;
	v6 =	vand.u32 $0x3FFF, v7;
	v7 =	vand.u32 $0x3FFF, v60  }
0x4e: {  	[tilespmem:$0x1B0] =	vst v5;
	v5 =	vadd.s32 v6, v8;
	v6 =	vadd.s32 v7, v8;
	v8 =	vshrl.u32 v61, $0x1C  }
0x4f: {  	v63 =	vld [tilespmem:$0x70];
	[tilespmem:$0xC0] =	vst v5;
	v5 =	vadd.s32 v0, v7;
	v7 =	vshrl.u32 v61, $0xE;
	v8 =	vmul.u32 $0x2800, v8  }
0x50: {  	[tilespmem:$0x140] =	vst v6;
	v5 =	vmin.u32 v5, $0x1400;
	v6 =	vand.u32 $0x3FFF, v7;
	v7 =	vand.u32 $0x3FFF, v61  }
0x51: {  	[tilespmem:$0x1C0] =	vst v5;
	v5 =	vadd.s32 v6, v8;
	v6 =	vadd.s32 v7, v8;
	v8 =	vshrl.u32 v62, $0x1C  }
0x52: {  	[tilespmem:$0xD0] =	vst v5;
	v5 =	vadd.s32 v0, v7;
	v7 =	vshrl.u32 v62, $0xE;
	v8 =	vmul.u32 $0x2800, v8  }
0x53: {  	[tilespmem:$0x150] =	vst v6;
	v5 =	vmin.u32 v5, $0x1400;
	v6 =	vand.u32 $0x3FFF, v7;
	v7 =	vand.u32 $0x3FFF, v62  }
0x54: {  	[tilespmem:$0x1D0] =	vst v5;
	v5 =	vadd.s32 v6, v8;
	v6 =	vadd.s32 v7, v8;
	v8 =	vshrl.u32 v63, $0x1C  }
0x55: {  	[tilespmem:$0xE0] =	vst v5;
	v5 =	vadd.s32 v0, v7;
	v7 =	vshrl.u32 v63, $0xE;
	v8 =	vmul.u32 $0x2800, v8  }
0x56: {  	[tilespmem:$0x160] =	vst v6;
	v5 =	vmin.u32 v5, $0x1400;
	v6 =	vand.u32 $0x3FFF, v7  }
0x57: {  	[tilespmem:$0x1E0] =	vst v5;
	v5 =	vand.u32 $0x3FFF, v63;
	v6 =	vadd.s32 v6, v8  }
0x58: {  	[tilespmem:$0xF0] =	vst v6;
	v6 =	vadd.s32 v5, v8;
	v5 =	vadd.s32 v0, v5  }
0x59: {  	[tilespmem:$0x170] =	vst v6;
	v5 =	vmin.u32 v5, $0x1400  }
0x5a: {  	s2 =	simm.s32 $0x200;
	[tilespmem:$0x1F0] =	vst v5  }
0x5b: {  	[tilespmem:s2], [sflag:$0x1] =	stream.indirect.gather [hbm4b:s5+s17], $0x80, s17, s17, $0xb8;
	[tilespmem:$0x1A600] =	vst v63  }
0x5c: {  	v5 =	vld [tilespmem:$0x100];
	_ =	sdelay $0x4  }
0x5d: {  	v6 =	vshll.u32 v5, $0x1  }
0x5e: {  	v5 =	vand.u32 $0x7, v5;
	v6 =	vand.u32 $0xFFFFFFF0, v6  }
0x5f: {  	v5 =	vor.u32 v5, v6  }
0x60: {  	v6 =	vperm.xlane v5, v2;
	_ =	sdelay $0x1  }
0x61: {  	v5 =	vperm.xlane v5, v4;
	v6 =	vadd.s32 v3, v6;
	_ =	sdelay $0x1  }
0x62: {  	v5 =	vadd.s32 v3, v5;
	_ =	sdelay $0x1  }
0x63: {  	s10 =	simm.s32 $0x4200  }
0x64: {  	[tilespmem:s10], [sflag:$0x2] =	stream.indirect_vreg.gather [hbm4b:s6+s11], $0x80, v6, vm0, $0xb8;
	[tilespmem:$0x1A600] =	vst v63  }
0x65: {  	s18 =	simm.s32 $0x4A00  }
0x66: {  	[tilespmem:s18], [sflag:$0x2] =	stream.indirect_vreg.gather [hbm4b:s6+s11], $0x80, v5, vm0, $0xb8;
	[tilespmem:$0x1A600] =	vst v63  }
0x67: {  	v5 =	vld [tilespmem:$0x110];
	_ =	sdelay $0x4  }
0x68: {  	v6 =	vshll.u32 v5, $0x1  }
0x69: {  	v5 =	vand.u32 $0x7, v5;
	v6 =	vand.u32 $0xFFFFFFF0, v6  }
0x6a: {  	v5 =	vor.u32 v5, v6  }
0x6b: {  	v6 =	vperm.xlane v5, v2;
	_ =	sdelay $0x1  }
0x6c: {  	v5 =	vperm.xlane v5, v4;
	v6 =	vadd.s32 v3, v6;
	_ =	sdelay $0x1  }
0x6d: {  	v5 =	vadd.s32 v3, v5;
	_ =	sdelay $0x1  }
0x6e: {  	s19 =	simm.s32 $0x5200  }
0x6f: {  	[tilespmem:s19], [sflag:$0x2] =	stream.indirect_vreg.gather [hbm4b:s6+s11], $0x80, v6, vm0, $0xb8;
	[tilespmem:$0x1A600] =	vst v63  }
0x70: {  	_ = 	snop  }
0x71: {  	[tilespmem:s22], [sflag:$0x2] =	stream.indirect_vreg.gather [hbm4b:s6+s11], $0x80, v5, vm0, $0xb8;
	[tilespmem:$0x1A600] =	vst v63  }
0x72: {  	v5 =	vld [tilespmem:$0x120];
	_ =	sdelay $0x4  }
0x73: {  	v6 =	vshll.u32 v5, $0x1  }
0x74: {  	v5 =	vand.u32 $0x7, v5;
	v6 =	vand.u32 $0xFFFFFFF0, v6  }
0x75: {  	v5 =	vor.u32 v5, v6  }
0x76: {  	v6 =	vperm.xlane v5, v2;
	_ =	sdelay $0x1  }
0x77: {  	v5 =	vperm.xlane v5, v4;
	v6 =	vadd.s32 v3, v6;
	_ =	sdelay $0x1  }
0x78: {  	v5 =	vadd.s32 v3, v5;
	_ =	sdelay $0x2  }
0x79: {  	[tilespmem:s23], [sflag:$0x2] =	stream.indirect_vreg.gather [hbm4b:s6+s11], $0x80, v6, vm0, $0xb8;
	[tilespmem:$0x1A600] =	vst v63  }
0x7a: {  	_ = 	snop  }
0x7b: {  	[tilespmem:s24], [sflag:$0x2] =	stream.indirect_vreg.gather [hbm4b:s6+s11], $0x80, v5, vm0, $0xb8;
	[tilespmem:$0x1A600] =	vst v63  }
0x7c: {  	v5 =	vld [tilespmem:$0x130];
	_ =	sdelay $0x4  }
0x7d: {  	v6 =	vshll.u32 v5, $0x1  }
0x7e: {  	v5 =	vand.u32 $0x7, v5;
	v6 =	vand.u32 $0xFFFFFFF0, v6  }
0x7f: {  	v5 =	vor.u32 v5, v6  }
0x80: {  	v6 =	vperm.xlane v5, v2;
	_ =	sdelay $0x1  }
0x81: {  	v5 =	vperm.xlane v5, v4;
	v6 =	vadd.s32 v3, v6;
	_ =	sdelay $0x1  }
0x82: {  	v5 =	vadd.s32 v3, v5;
	_ =	sdelay $0x2  }
0x83: {  	[tilespmem:s25], [sflag:$0x2] =	stream.indirect_vreg.gather [hbm4b:s6+s11], $0x80, v6, vm0, $0xb8;
	[tilespmem:$0x1A600] =	vst v63  }
0x84: {  	_ = 	snop  }
0x85: {  	[tilespmem:s26], [sflag:$0x2] =	stream.indirect_vreg.gather [hbm4b:s6+s11], $0x80, v5, vm0, $0xb8;
	[tilespmem:$0x1A600] =	vst v63  }
0x86: {  	v5 =	vld [tilespmem:$0x140];
	_ =	sdelay $0x4  }
0x87: {  	v6 =	vshll.u32 v5, $0x1  }
0x88: {  	v5 =	vand.u32 $0x7, v5;
	v6 =	vand.u32 $0xFFFFFFF0, v6  }
0x89: {  	v5 =	vor.u32 v5, v6  }
0x8a: {  	v6 =	vperm.xlane v5, v2;
	_ =	sdelay $0x1  }
0x8b: {  	v5 =	vperm.xlane v5, v4;
	v6 =	vadd.s32 v3, v6;
	_ =	sdelay $0x1  }
0x8c: {  	v5 =	vadd.s32 v3, v5;
	_ =	sdelay $0x2  }
0x8d: {  	[tilespmem:s28], [sflag:$0x2] =	stream.indirect_vreg.gather [hbm4b:s6+s11], $0x80, v6, vm0, $0xb8;
	[tilespmem:$0x1A600] =	vst v63  }
0x8e: {  	_ = 	snop  }
0x8f: {  	[tilespmem:s29], [sflag:$0x2] =	stream.indirect_vreg.gather [hbm4b:s6+s11], $0x80, v5, vm0, $0xb8;
	[tilespmem:$0x1A600] =	vst v63  }
0x90: {  	v5 =	vld [tilespmem:$0x150];
	_ =	sdelay $0x4  }
0x91: {  	v6 =	vshll.u32 v5, $0x1  }
0x92: {  	v5 =	vand.u32 $0x7, v5;
	v6 =	vand.u32 $0xFFFFFFF0, v6  }
0x93: {  	v5 =	vor.u32 v5, v6  }
0x94: {  	v6 =	vperm.xlane v5, v2;
	_ =	sdelay $0x1  }
0x95: {  	v5 =	vperm.xlane v5, v4;
	v6 =	vadd.s32 v3, v6;
	_ =	sdelay $0x1  }
0x96: {  	v5 =	vadd.s32 v3, v5;
	_ =	sdelay $0x2  }
0x97: {  	[tilespmem:s30], [sflag:$0x2] =	stream.indirect_vreg.gather [hbm4b:s6+s11], $0x80, v6, vm0, $0xb8;
	[tilespmem:$0x1A600] =	vst v63  }
0x98: {  	_ = 	snop  }
0x99: {  	[tilespmem:s31], [sflag:$0x2] =	stream.indirect_vreg.gather [hbm4b:s6+s11], $0x80, v5, vm0, $0xb8;
	[tilespmem:$0x1A600] =	vst v63  }
0x9a: {  	v5 =	vld [tilespmem:$0x160];
	_ =	sdelay $0x4  }
0x9b: {  	v6 =	vshll.u32 v5, $0x1  }
0x9c: {  	v5 =	vand.u32 $0x7, v5;
	v6 =	vand.u32 $0xFFFFFFF0, v6  }
0x9d: {  	v5 =	vor.u32 v5, v6  }
0x9e: {  	v6 =	vperm.xlane v5, v2;
	_ =	sdelay $0x1  }
0x9f: {  	v5 =	vperm.xlane v5, v4;
	v6 =	vadd.s32 v3, v6;
	_ =	sdelay $0x1  }
0xa0: {  	v5 =	vadd.s32 v3, v5;
	_ =	sdelay $0x2  }
0xa1: {  	[tilespmem:s0], [sflag:$0x2] =	stream.indirect_vreg.gather [hbm4b:s6+s11], $0x80, v6, vm0, $0xb8;
	[tilespmem:$0x1A600] =	vst v63  }
0xa2: {  	_ = 	snop  }
0xa3: {  	[tilespmem:s4], [sflag:$0x2] =	stream.indirect_vreg.gather [hbm4b:s6+s11], $0x80, v5, vm0, $0xb8;
	[tilespmem:$0x1A600] =	vst v63  }
0xa4: {  	v5 =	vld [tilespmem:$0x170];
	_ =	sdelay $0x4  }
0xa5: {  	v6 =	vshll.u32 v5, $0x1  }
0xa6: {  	v5 =	vand.u32 $0x7, v5;
	v6 =	vand.u32 $0xFFFFFFF0, v6  }
0xa7: {  	v5 =	vor.u32 v5, v6  }
0xa8: {  	v6 =	vperm.xlane v5, v2;
	_ =	sdelay $0x1  }
0xa9: {  	v5 =	vperm.xlane v5, v4;
	v6 =	vadd.s32 v3, v6;
	_ =	sdelay $0x1  }
0xaa: {  	v5 =	vadd.s32 v3, v5;
	_ =	sdelay $0x2  }
0xab: {  	[tilespmem:s3], [sflag:$0x2] =	stream.indirect_vreg.gather [hbm4b:s6+s11], $0x80, v6, vm0, $0xb8;
	[tilespmem:$0x1A600] =	vst v63  }
0xac: {  	_ = 	snop  }
0xad: {  	[tilespmem:s8], [sflag:$0x2] =	stream.indirect_vreg.gather [hbm4b:s6+s11], $0x80, v5, vm0, $0xb8;
	[tilespmem:$0x1A600] =	vst v63  }
0xae: {  	_ =	swait.ge [sflag:s12], $0x4000  }
0xaf: {  	[sflag:s12] =	ssyncset.done $0x0  }
0xb0: {  	[sflag:s12] =	ssyncadd.s32 $0xFFFFC000  }
0xb1: {  	_ =	swait.ge [sflag:s13], $0x8000  }
0xb2: {  	s20 =	sand.u32 $0x7800, s11;
	s21 =	sand.u32 $0x380, s11;
	[sflag:s13] =	ssyncset.done $0x0  }
0xb3: {  	s2 =	sor.u32 s21, s20;
	[sflag:s13] =	ssyncadd.s32 $0xFFFF8000  }
0xb4: {  	s10 =	simm.s32 $0x240;
	v5 =	vld [tilespmem:s2+$0x4600]  }
0xb5: {  	v6 =	vld [tilespmem:s10+$0xFFFFFFC0];
	_ =	sdelay $0x1  }
0xb6: {  	v7 =	vld [tilespmem:s2+$0x4200];
	_ =	sdelay $0x2  }
0xb7: {  	v5 =	vmul.f32 v5, v6;
	_ =	sdelay $0x1  }
0xb8: {  	v5 =	vadd.f32 v5, v7;
	_ =	sdelay $0x1  }
0xb9: {  	s1 =	simm.s32 $0xC240;
	v5 =	vmax.f32 v5, $0.0e+00  }
0xba: {  	[tilespmem:s1+$0xFFFFFFC0] =	vst v5  }
0xbb: {  	v5 =	vld [tilespmem:s10+$0xFFFFFFD0]  }
0xbc: {  	v6 =	vld [tilespmem:s2+$0x4610];
	_ =	sdelay $0x1  }
0xbd: {  	v7 =	vld [tilespmem:s2+$0x4210];
	_ =	sdelay $0x2  }
0xbe: {  	v5 =	vmul.f32 v6, v5;
	_ =	sdelay $0x1  }
0xbf: {  	v5 =	vadd.f32 v5, v7;
	_ =	sdelay $0x1  }
0xc0: {  	v5 =	vmax.f32 v5, $0.0e+00  }
0xc1: {  	[tilespmem:s1+$0xFFFFFFD0] =	vst v5  }
0xc2: {  	v5 =	vld [tilespmem:s10+$0xFFFFFFE0]  }
0xc3: {  	v6 =	vld [tilespmem:s2+$0x4620];
	_ =	sdelay $0x1  }
0xc4: {  	v7 =	vld [tilespmem:s2+$0x4220];
	_ =	sdelay $0x2  }
0xc5: {  	v5 =	vmul.f32 v6, v5;
	_ =	sdelay $0x1  }
0xc6: {  	v5 =	vadd.f32 v5, v7;
	_ =	sdelay $0x1  }
0xc7: {  	v5 =	vmax.f32 v5, $0.0e+00  }
0xc8: {  	[tilespmem:s1+$0xFFFFFFE0] =	vst v5  }
0xc9: {  	v5 =	vld [tilespmem:s10+$0xFFFFFFF0]  }
0xca: {  	v6 =	vld [tilespmem:s2+$0x4630];
	_ =	sdelay $0x1  }
0xcb: {  	v7 =	vld [tilespmem:s2+$0x4230];
	_ =	sdelay $0x2  }
0xcc: {  	v5 =	vmul.f32 v6, v5;
	_ =	sdelay $0x1  }
0xcd: {  	v5 =	vadd.f32 v5, v7;
	_ =	sdelay $0x1  }
0xce: {  	v5 =	vmax.f32 v5, $0.0e+00  }
0xcf: {  	[tilespmem:s1+$0xFFFFFFF0] =	vst v5  }
0xd0: {  	v5 =	vld [tilespmem:s10+$0x0]  }
0xd1: {  	v6 =	vld [tilespmem:s2+$0x4640];
	_ =	sdelay $0x1  }
0xd2: {  	v7 =	vld [tilespmem:s2+$0x4240];
	_ =	sdelay $0x2  }
0xd3: {  	v5 =	vmul.f32 v6, v5;
	_ =	sdelay $0x1  }
0xd4: {  	v5 =	vadd.f32 v5, v7;
	_ =	sdelay $0x1  }
0xd5: {  	v5 =	vmax.f32 v5, $0.0e+00  }
0xd6: {  	[tilespmem:s1+$0x0] =	vst v5  }
0xd7: {  	v5 =	vld [tilespmem:s10+$0x10]  }
0xd8: {  	v6 =	vld [tilespmem:s2+$0x4650];
	_ =	sdelay $0x1  }
0xd9: {  	v7 =	vld [tilespmem:s2+$0x4250];
	_ =	sdelay $0x2  }
0xda: {  	v5 =	vmul.f32 v6, v5;
	_ =	sdelay $0x1  }
0xdb: {  	v5 =	vadd.f32 v5, v7;
	_ =	sdelay $0x1  }
0xdc: {  	v5 =	vmax.f32 v5, $0.0e+00  }
0xdd: {  	[tilespmem:s1+$0x10] =	vst v5  }
0xde: {  	v5 =	vld [tilespmem:s10+$0x20]  }
0xdf: {  	v6 =	vld [tilespmem:s2+$0x4660];
	_ =	sdelay $0x1  }
0xe0: {  	v7 =	vld [tilespmem:s2+$0x4260];
	_ =	sdelay $0x2  }
0xe1: {  	v5 =	vmul.f32 v6, v5;
	_ =	sdelay $0x1  }
0xe2: {  	v5 =	vadd.f32 v5, v7;
	_ =	sdelay $0x1  }
0xe3: {  	v5 =	vmax.f32 v5, $0.0e+00  }
0xe4: {  	[tilespmem:s1+$0x20] =	vst v5  }
0xe5: {  	v5 =	vld [tilespmem:s10+$0x30]  }
0xe6: {  	v6 =	vld [tilespmem:s2+$0x4670]  }
0xe7: {  	s18 =	simm.s32 $0x80;
	s19 =	simm.s32 $0x0;
	v7 =	vld [tilespmem:s2+$0x4270];
	s2 =	simm.s32 $0xC240  }
.LBB2_5:
0xe8: {  	s19 =	sadd.s32 $0x100, s19;
	s10 =	sadd.s32 $0x80, s10;
	s1 =	sadd.s32 $0x80, s1  }
0xe9: {  	p2 =	sne.s32 s18, $0x3F80;
	s20 =	smov.u32 s18;
	s18 =	sadd.s32 $0x80, s18  }
0xea: {  	_ = 	snop  }
0xeb: {  	v5 =	vmul.f32 v6, v5;
	_ =	sdelay $0x1  }
0xec: {  	v5 =	vadd.f32 v5, v7;
	_ =	sdelay $0x1  }
0xed: {  	s21 =	sand.u32 $0x7800, s19;
	s20 =	sand.u32 $0x380, s20;
	v5 =	vmax.f32 v5, $0.0e+00  }
0xee: {  	s20 =	sor.u32 s20, s21;
	[tilespmem:s2+$0x30] =	vst v5;
	s2 =	smov.u32 s1  }
0xef: {  	v5 =	vld [tilespmem:s20+$0x4600]  }
0xf0: {  	v6 =	vld [tilespmem:s10+$0xFFFFFFC0]  }
0xf1: {  	v7 =	vld [tilespmem:s20+$0x4200];
	_ =	sdelay $0x3  }
0xf2: {  	v5 =	vmul.f32 v5, v6;
	_ =	sdelay $0x1  }
0xf3: {  	v5 =	vadd.f32 v5, v7;
	_ =	sdelay $0x1  }
0xf4: {  	v5 =	vmax.f32 v5, $0.0e+00  }
0xf5: {  	[tilespmem:s1+$0xFFFFFFC0] =	vst v5  }
0xf6: {  	v5 =	vld [tilespmem:s10+$0xFFFFFFD0]  }
0xf7: {  	v6 =	vld [tilespmem:s20+$0x4610];
	_ =	sdelay $0x1  }
0xf8: {  	v7 =	vld [tilespmem:s20+$0x4210];
	_ =	sdelay $0x2  }
0xf9: {  	v5 =	vmul.f32 v6, v5;
	_ =	sdelay $0x1  }
0xfa: {  	v5 =	vadd.f32 v5, v7;
	_ =	sdelay $0x1  }
0xfb: {  	v5 =	vmax.f32 v5, $0.0e+00  }
0xfc: {  	[tilespmem:s1+$0xFFFFFFD0] =	vst v5  }
0xfd: {  	v5 =	vld [tilespmem:s10+$0xFFFFFFE0]  }
0xfe: {  	v6 =	vld [tilespmem:s20+$0x4620];
	_ =	sdelay $0x1  }
0xff: {  	v7 =	vld [tilespmem:s20+$0x4220];
	_ =	sdelay $0x2  }
0x100: {  	v5 =	vmul.f32 v6, v5;
	_ =	sdelay $0x1  }
0x101: {  	v5 =	vadd.f32 v5, v7;
	_ =	sdelay $0x1  }
0x102: {  	v5 =	vmax.f32 v5, $0.0e+00  }
0x103: {  	[tilespmem:s1+$0xFFFFFFE0] =	vst v5  }
0x104: {  	v5 =	vld [tilespmem:s10+$0xFFFFFFF0]  }
0x105: {  	v6 =	vld [tilespmem:s20+$0x4630];
	_ =	sdelay $0x1  }
0x106: {  	v7 =	vld [tilespmem:s20+$0x4230];
	_ =	sdelay $0x2  }
0x107: {  	v5 =	vmul.f32 v6, v5;
	_ =	sdelay $0x1  }
0x108: {  	v5 =	vadd.f32 v5, v7;
	_ =	sdelay $0x1  }
0x109: {  	v5 =	vmax.f32 v5, $0.0e+00  }
0x10a: {  	[tilespmem:s1+$0xFFFFFFF0] =	vst v5  }
0x10b: {  	v5 =	vld [tilespmem:s10+$0x0]  }
0x10c: {  	v6 =	vld [tilespmem:s20+$0x4640]  }
0x10d: {  	v7 =	vld [tilespmem:s20+$0x4240];
	_ =	sdelay $0x3  }
0x10e: {  	v5 =	vmul.f32 v6, v5;
	_ =	sdelay $0x1  }
0x10f: {  	v5 =	vadd.f32 v5, v7;
	_ =	sdelay $0x1  }
0x110: {  	v5 =	vmax.f32 v5, $0.0e+00  }
0x111: {  	[tilespmem:s1+$0x0] =	vst v5  }
0x112: {  	v5 =	vld [tilespmem:s10+$0x10]  }
0x113: {  	v6 =	vld [tilespmem:s20+$0x4650]  }
0x114: {  	v7 =	vld [tilespmem:s20+$0x4250];
	_ =	sdelay $0x3  }
0x115: {  	v5 =	vmul.f32 v6, v5;
	_ =	sdelay $0x1  }
0x116: {  	v5 =	vadd.f32 v5, v7;
	_ =	sdelay $0x1  }
0x117: {  	v5 =	vmax.f32 v5, $0.0e+00  }
0x118: {  	[tilespmem:s1+$0x10] =	vst v5  }
0x119: {  	v5 =	vld [tilespmem:s10+$0x20]  }
0x11a: {  	v6 =	vld [tilespmem:s20+$0x4660]  }
0x11b: {  	v7 =	vld [tilespmem:s20+$0x4260];
	_ =	sdelay $0x3  }
0x11c: {  	v5 =	vmul.f32 v6, v5;
	_ =	sdelay $0x1  }
0x11d: {  	v5 =	vadd.f32 v5, v7;
	_ =	sdelay $0x1  }
.Ltmp1:
0x11e: {  	v5 =	vmax.f32 v5, $0.0e+00;
	(pc) =	sbr.rel @p2 .LBB2_5-.Ltmp1, $4  }
0x11f: {  	[tilespmem:s1+$0x20] =	vst v5  }
0x120: {  	v5 =	vld [tilespmem:s10+$0x30]  }
0x121: {  	v6 =	vld [tilespmem:s20+$0x4670]  }
0x122: {  	v7 =	vld [tilespmem:s20+$0x4270]  }
0x123: {  	_ =	sdelay $0x2  }
0x124: {  	v5 =	vmul.f32 v6, v5;
	_ =	sdelay $0x1  }
0x125: {  	v5 =	vadd.f32 v5, v7  }
0x126: {  	s9 =	sadd.s32 $0x1, s9  }
0x127: {  	p2 =	sne.s32 s9, $0xA0;
	v5 =	vmax.f32 v5, $0.0e+00  }
.Ltmp2:
0x128: {  	s1 =	rddreg [dreg:$0x2];
	[tilespmem:s2+$0x30] =	vst v5;
	(pc) =	sbr.rel @p2 .LBB2_4-.Ltmp2, $4  }
0x129: {  	[spmem:s1] =	stream.indirect.scatter.add.f32 [tilespmem:s15], [sflag:$0x3], $0x80, s14, s17, $0xb8;
	[tilespmem:$0x1A600] =	vst v63  }
0x12a: {  	_ =	swait.ge [sflag:s16], $0x4000  }
0x12b: {  	[sflag:s16] =	ssyncset.done $0x0  }
0x12c: {  	[sflag:s16] =	ssyncadd.s32 $0xFFFFC000  }
0x12d: {  	[bflag:$0x0] =	sbarrier.arrive $0xFFFF  }
0x12e: {  	s9 =	simm.s32 $0x4;
	s11 =	rddreg [dreg:$0x5]  }
0x12f: {  	[tilespmem:s15], [sflag:$0x4] =	stream.linear.gather [spmem:s11], $0x4000, $0x38;
	[tilespmem:$0x1A600] =	vst v63  }
0x130: {  	_ =	swait.ge [sflag:s9], $0x4000  }
0x131: {  	[sflag:s9] =	ssyncset.done $0x0  }
0x132: {  	s1 =	simm.s32 $0x0;
	s2 =	rddreg [dreg:$0x8];
	[sflag:s9] =	ssyncadd.s32 $0xFFFFC000  }
0x133: {  	[hbm4b:s2+s1] =	stream.linear.scatter [tilespmem:s15], [sflag:$0x3], $0x4000, $0x38;
	[tilespmem:$0x1A600] =	vst v63  }
0x134: {  	_ =	swait.ge [sflag:s16], $0x4000  }
0x135: {  	[sflag:s16] =	ssyncset.done $0x0  }
0x136: {  	s18 =	rddreg [dreg:$0x6];
	[sflag:s16] =	ssyncadd.s32 $0xFFFFC000  }
0x137: {  	[tilespmem:s15], [sflag:$0x4] =	stream.linear.gather [spmem:s18], $0x4000, $0x38;
	[tilespmem:$0x1A600] =	vst v63  }
0x138: {  	_ =	swait.ge [sflag:s9], $0x4000  }
0x139: {  	[sflag:s9] =	ssyncset.done $0x0  }
0x13a: {  	s19 =	rddreg [dreg:$0x9];
	[sflag:s9] =	ssyncadd.s32 $0xFFFFC000  }
0x13b: {  	[hbm4b:s19+s1] =	stream.linear.scatter [tilespmem:s15], [sflag:$0x3], $0x4000, $0x38;
	[tilespmem:$0x1A600] =	vst v63  }
0x13c: {  	_ =	swait.ge [sflag:s16], $0x4000  }
0x13d: {  	s2 =	simm.s32 @!p1 $0x4;
	[sflag:s16] =	ssyncset.done $0x0  }
0x13e: {  	s1 =	simm.s32 @!p1 $0xC200;
	s10 =	rddreg [dreg:$0x7];
	[sflag:s16] =	ssyncadd.s32 $0xFFFFC000  }
0x13f: {  	[tilespmem:s1], [sflag:$0x4] =	stream.linear.gather @!p1 [spmem:s10], $0x4000, $0x38;
	[tilespmem:$0x1A600] =	vst v63  }
0x140: {  	_ =	swait.ge @!p1 [sflag:s2], $0x4000  }
0x141: {  	[sflag:s2] =	ssyncset.done @!p1 $0x0  }
0x142: {  	s9 =	rddreg [dreg:$0xa];
	[sflag:s2] =	ssyncadd.s32 @!p1 $0xFFFFC000;
	s2 =	simm.s32 @!p1 $0x0  }
0x143: {  	[hbm4b:s9+s2] =	stream.linear.scatter @!p1 [tilespmem:s1], [sflag:$0x3], $0x4000, $0x38;
	[tilespmem:$0x1A600] =	vst v63  }
0x144: {  	s1 =	simm.s32 @!p1 $0x3  }
0x145: {  	_ =	swait.ge @!p1 [sflag:s1], $0x4000  }
0x146: {  	s20 =	rddreg [dreg:$0xb]  }
0x147: {  	s21 =	rddreg [dreg:$0x4];
	s9 =	sadd.s32 $0x1, s20  }
0x148: {  	p2 =	sne.s32 s9, s21  }
.Ltmp3:
0x149: {  	_ = 	snop;
	(pc) =	sbr.rel @p2 .LBB2_1-.Ltmp3, $3  }
0x14a: {  	_ =	sdelay $0x1  }
0x14b: {  	[sflag:s1] =	ssyncset.done @!p1 $0x0  }
0x14c: {  	[sflag:s1] =	ssyncadd.s32 @!p1 $0xFFFFC000  }
0x14d: {  	_ =	sfence.sel $0x180000  }
0x14e: {  	[bflag:$0x0] =	sbarrier.arrive $0xFFFF  }
0x14f: {  	_ =	strace $0x9000004A  }
0x150: {  	s0 =	stileid.u32;
	[bflag:$0x2] =	sbarrier.arrive $0xFFFF  }
0x151: {  	p0 =	sne.s32 s0, $0x0;
	s0 =	rddreg [dreg:$0x3]  }
0x152: {  	s0 =	sadd.s32 @!p0 $0x100000, s0  }
0x153: {  	[sflag:s0] =	ssyncadd.tile.s32 @!p0 $0x1;
	_ =	shalt  }
.Lfunc_end2:
_tile_overlayer_lowered:
.L_overlay_start_2:
0x154: {  	(tag) =	ssettag $0x2  }
0x155: {  	s0 =	rddreg [dreg:$0x0];
	s2 =	stileid.u32  }
0x156: {  	s1 =	rddreg [dreg:$0x1];
	p0 =	sne.s32 s2, $0x0  }
0x157: {  	s3 =	rddreg [dreg:$0x2];
	[bflag:$0x3] =	sbarrier.arrive $0xFFFF;
	s2 =	simm.s32 @!p0 $0x1C03  }
0x158: {  	[timem:s3], [sflag:s2] =	dma.local @!p0 [hbm:s0], s1  }
0x159: {  	s0 =	simm.s32 @!p0 $0x3  }
0x15a: {  	_ =	swait.ge @!p0 [sflag:s0], s1  }
0x15b: {  	s1 =	ssub.s32 @!p0 $0x0, s1;
	[sflag:s0] =	ssyncset.done @!p0 $0x0  }
0x15c: {  	[sflag:s0] =	ssyncadd.s32 @!p0 s1  }
0x15d: {  	[bflag:$0x3] =	sbarrier.arrive $0xFFFF  }
0x15e: {  	_ =	shalt  }

// kernel: kernel.15.cloned.1.call-start
scs
__scs_entry_jumppad:
0x0: {  	(pc) =	sbr.rel $0x88, $3  }
0x1: {  	(tag) =	ssettag $0x0;
	lr =	simm.s32 $0x1  }
0x2: {  	[smem:$0x3F94] =	sst lr;
	_ =	strace $0xD0000000  }
0x3: {  	_ = 	snop  }
0x4: {  	_ = 	snop  }
0x5: {  	_ = 	snop  }
0x6: {  	_ = 	snop  }
0x7: {  	_ = 	snop  }
__scs_overlays_trampoline_lowered:
0x8: {  	[smem:$0x3FA3] =	sst s0  }
0x9: {  	[smem:$0x3FA4] =	sst s1  }
0xa: {  	[smem:$0x3FA5] =	sst s2  }
0xb: {  	[smem:$0x3FA6] =	sst s3  }
0xc: {  	[smem:$0x3FA7] =	sst s4  }
0xd: {  	[smem:$0x3FA8] =	sst s5  }
0xe: {  	[smem:$0x3FA9] =	sst s6  }
0xf: {  	[smem:$0x3FAA] =	sst s7  }
0x10: {  	[smem:$0x3FAB] =	sst s8  }
0x11: {  	[smem:$0x3FAC] =	sst s9;
	s0 =	simm.s32 @!p0 $0x0  }
0x12: {  	s1 =	sld [smem:$0x3F92];
	s0 =	simm.s32 @p0 $0x1  }
0x13: {  	[smem:$0x3FAD] =	sst s0;
	s0 =	simm.s32 @!p1 $0x0  }
0x14: {  	s2 =	sld [smem:$0x3F91];
	s0 =	simm.s32 @p1 $0x1  }
0x15: {  	[smem:$0x3FAE] =	sst s0;
	s0 =	simm.s32 @!p2 $0x0  }
0x16: {  	s3 =	sld [smem:$0x3FDB];
	s0 =	simm.s32 @p2 $0x1  }
0x17: {  	s4 =	simm.s32 $0x1BF5;
	[smem:$0x3FB0] =	sst s0  }
0x18: {  	s0 =	sld [smem:$0x3F93];
	_ =	swait.ge [sflag:s4], $0x0  }
0x19: {  	s7 =	sld [smem:$0x3F94]  }
0x1a: {  	s8 =	sadd.s32 $0xFFFFE003, lr  }
0x1b: {  	s9 =	sadd.s32 $0xFFFFFEF7, lr;
	s5 =	simm.s32 $0xFFFFFFFF;
	p2 =	slt.u32 s8, $0xFFFFF086  }
0x1c: {  	p1 =	slt.u32 s9, $0xF7A;
	s5 =	simm.s32 @!p2 $0x0  }
0x1d: {  	s5 =	simm.s32 @p1 $0x1;
	p0 =	seq.s32 s7, s2  }
0x1e: {  	s7 =	smul.u32 @!p0 $0xF7A, s2;
	p2 =	seq.s32 @!p0 s5, $0x0  }
0x1f: {  	s9 =	smul.u32 $0xF7A, s1;
	s8 =	simm.s32 @!p0 $0x1BF5;
	p2 =	por !p2, p0  }
0x20: {  	[sflag:s8] =	ssyncset.s32 @!p0 $0xFFFFF086;
	s6 =	sadd.s32 @!p0 s3, s7;
	s7 =	simm.s32 @!p0 $0x108  }
0x21: {  	s3 =	sadd.s32 s3, s9;
	s6 =	sadd.s32 @!p0 $0x88, s6;
	s7 =	simm.s32 @p2 $0x1082  }
0x22: {  	[simem:s7], [sflag:s8] =	dma.local @!p0 [hbm:s6], $0xF7A  }
0x23: {  	s9 =	sor.u32 $0xD0000000, s2;
	s6 =	simm.s32 $0x108;
	_ =	swait.ge @!p0 [sflag:s8], $0x0  }
0x24: {  	s3 =	sadd.s32 $0x88, s3;
	s6 =	simm.s32 @!p1 $0x1082;
	[sflag:s4] =	ssyncset.s32 $0xFFFFF086  }
0x25: {  	[simem:s6], [sflag:s4] =	dma.local [hbm:s3], $0xF7A  }
0x26: {  	[smem:$0x3F94] =	sst s1;
	(tag) =	ssettag s2;
	_ =	strace s9  }
0x27: {  	s1 =	sld [smem:$0x3FA4]  }
0x28: {  	s2 =	sld [smem:$0x3FA5]  }
0x29: {  	s4 =	sld [smem:$0x3FA7]  }
0x2a: {  	p0 =	seq.s32 s5, $0x0;
	s5 =	sld [smem:$0x3FA8]  }
0x2b: {  	s6 =	sld [smem:$0x3FA9]  }
0x2c: {  	s7 =	sld [smem:$0x3FAA]  }
0x2d: {  	s3 =	simm.s32 $0x108;
	s8 =	sld [smem:$0x3FAB]  }
0x2e: {  	s3 =	simm.s32 @!p0 $0x1082;
	s9 =	sld [smem:$0x3FAC]  }
0x2f: {  	lr =	sadd.s32 s0, s3;
	s0 =	sld [smem:$0x3FA3]  }
0x30: {  	s3 =	sld [smem:$0x3FA6]  }
0x31: {  	[smem:$0x3FAF] =	sst s10  }
0x32: {  	s10 =	sld [smem:$0x3FAD];
	_ =	sdelay $0x3  }
0x33: {  	p0 =	seq.s32 s10, $0x1;
	s10 =	sld [smem:$0x3FAF];
	_ =	sdelay $0x3  }
0x34: {  	[smem:$0x3FAF] =	sst s10  }
0x35: {  	s10 =	sld [smem:$0x3FAE];
	_ =	sdelay $0x3  }
0x36: {  	p1 =	seq.s32 s10, $0x1;
	s10 =	sld [smem:$0x3FAF];
	_ =	sdelay $0x3  }
0x37: {  	[smem:$0x3FAF] =	sst s10  }
0x38: {  	s10 =	sld [smem:$0x3FB0]  }
0x39: {  	_ = 	snop;
	(pc) =	sbr.ind lr, $3  }
0x3a: {  	_ = 	snop  }
0x3b: {  	_ = 	snop  }
0x3c: {  	p2 =	seq.s32 s10, $0x1;
	s10 =	sld [smem:$0x3FAF]  }
0x3d: {  	_ =	shalt  }
0x3e: {  	_ =	shalt  }
0x3f: {  	_ =	shalt  }
0x40: {  	_ =	shalt  }
0x41: {  	_ =	shalt  }
0x42: {  	_ =	shalt  }
0x43: {  	_ =	shalt  }
0x44: {  	_ =	shalt  }
0x45: {  	_ =	shalt  }
0x46: {  	_ =	shalt  }
0x47: {  	_ =	shalt  }
0x48: {  	_ =	shalt  }
0x49: {  	_ =	shalt  }
0x4a: {  	_ =	shalt  }
0x4b: {  	_ =	shalt  }
0x4c: {  	_ =	shalt  }
0x4d: {  	_ =	shalt  }
0x4e: {  	_ =	shalt  }
0x4f: {  	_ =	shalt  }
0x50: {  	_ =	shalt  }
0x51: {  	_ =	shalt  }
0x52: {  	_ =	shalt  }
0x53: {  	_ =	shalt  }
0x54: {  	_ =	shalt  }
0x55: {  	_ =	shalt  }
0x56: {  	_ =	shalt  }
0x57: {  	_ =	shalt  }
0x58: {  	_ =	shalt  }
0x59: {  	_ =	shalt  }
0x5a: {  	_ =	shalt  }
0x5b: {  	_ =	shalt  }
0x5c: {  	_ =	shalt  }
0x5d: {  	_ =	shalt  }
0x5e: {  	_ =	shalt  }
0x5f: {  	_ =	shalt  }
0x60: {  	_ =	shalt  }
0x61: {  	_ =	shalt  }
0x62: {  	_ =	shalt  }
0x63: {  	_ =	shalt  }
0x64: {  	_ =	shalt  }
0x65: {  	_ =	shalt  }
0x66: {  	_ =	shalt  }
0x67: {  	_ =	shalt  }
0x68: {  	_ =	shalt  }
0x69: {  	_ =	shalt  }
0x6a: {  	_ =	shalt  }
0x6b: {  	_ =	shalt  }
0x6c: {  	_ =	shalt  }
0x6d: {  	_ =	shalt  }
0x6e: {  	_ =	shalt  }
0x6f: {  	_ =	shalt  }
0x70: {  	_ =	shalt  }
0x71: {  	_ =	shalt  }
0x72: {  	_ =	shalt  }
0x73: {  	_ =	shalt  }
0x74: {  	_ =	shalt  }
0x75: {  	_ =	shalt  }
0x76: {  	_ =	shalt  }
0x77: {  	_ =	shalt  }
0x78: {  	_ =	shalt  }
0x79: {  	_ =	shalt  }
0x7a: {  	_ =	shalt  }
0x7b: {  	_ =	shalt  }
0x7c: {  	_ =	shalt  }
0x7d: {  	_ =	shalt  }
0x7e: {  	_ =	shalt  }
0x7f: {  	_ =	shalt  }
0x80: {  	_ =	shalt  }
0x81: {  	_ =	shalt  }
0x82: {  	_ =	shalt  }
0x83: {  	_ =	shalt  }
0x84: {  	_ =	shalt  }
0x85: {  	_ =	shalt  }
0x86: {  	_ =	shalt  }
0x87: {  	_ =	shalt  }
.Lfunc_end0:
.L_simem_size_0:
called_computation.2_lowered:
.L_overlay_start_0:
0x88: {  	s2 =	sld [smem:$0x3FD9]  }
0x89: {  	s3 =	sld [smem:$0x3FFE];
	_ =	sdelay $0x1  }
0x8a: {  	s1 =	srdreg.scid  }
0x8b: {  	s0 =	sand.u32 $0x1, s1  }
0x8c: {  	s17 =	sshll.u32 s0, $0xA;
	s2 =	sadd.s32 s3, s2  }
0x8d: {  	s2 =	sadd.s32 s2, s17  }
0x8e: {  	[smem:$0x3FBB] =	sst s2  }
0x8f: {  	_ = 	snop  }
0x90: {  	s2 =	sld [smem:$0x3FD0];
	(tm) =	ssettm $0x1  }
0x91: {  	s18 =	sld [smem:$0x3FFB];
	_ =	sdelay $0x3  }
0x92: {  	_ =	strace s18  }
0x93: {  	s3 =	sld [smem:$0x3FFC];
	_ =	sdelay $0x3  }
0x94: {  	_ =	strace s3  }
0x95: {  	s3 =	sld [smem:$0x3FFD];
	_ =	sdelay $0x3  }
0x96: {  	_ =	strace s3  }
0x97: {  	_ =	strace $0x8FFFFFFF  }
0x98: {  	s19 =	sld [smem:$0x3FDB];
	_ =	sdelay $0x1  }
0x99: {  	s4 =	simm.s32 $_scs_section_size  }
0x9a: {  	s5 =	simm.s32 $_size__tile_overlayer_lowered;
	s6 =	simm.s32 $_tile_overlayer_lowered  }
0x9b: {  	s22 =	simm.s32 $0x1BFF;
	s21 =	sshll.u32 s6, $0x1;
	s3 =	sadd.s32 s4, s19  }
0x9c: {  	s7 =	simm.s32 $0x0;
	s20 =	sshll.u32 s5, $0x1;
	s5 =	sadd.s32 s21, s3  }
0x9d: {  	[timem:s7], [sflag:s22] =	dma.local [hbm:s5], s20  }
0x9e: {  	_ =	swait.ge [sflag:s22], s20  }
0x9f: {  	s4 =	ssub.s32 $0x0, s20;
	[sflag:s22] =	ssyncset.done $0x0  }
0xa0: {  	[sflag:s22] =	ssyncadd.s32 s4;
	_ =	sdelay $0x1  }
0xa1: {  	s23 =	simm.s32 $0x1B8B  }
0xa2: {  	_ =	swait.ge [sflag:s23], $0x1  }
0xa3: {  	[sflag:s23] =	ssyncset.done $0x0  }
0xa4: {  	s25 =	simm.s32 $0x1B8E;
	s24 =	sld [smem:$0x3FFE];
	[sflag:s23] =	ssyncadd.s32 $0xFFFFFFFF  }
0xa5: {  	s26 =	simm.s32 $execute0_lowered;
	[smem:$0x3FD2] =	sst s25  }
0xa6: {  	s5 =	sshll.u32 s26, $0x1;
	_ =	strace $0x8000004C;
	[dreg:$0x1] =	wrdreg $0xFFFFFFFF  }
0xa7: {  	s28 =	simm.s32 $_size_execute0_lowered;
	s3 =	sadd.s32 s3, s5;
	[dreg:$0x0] =	wrdreg $0x0  }
0xa8: {  	s5 =	sshll.u32 s28, $0x1;
	[dreg:$0x2] =	wrdreg s3  }
0xa9: {  	[dreg:$0x3] =	wrdreg s5  }
0xaa: {  	[dreg:$0x4] =	wrdreg $0xC0  }
0xab: {  	_ =	task [dreg:s7], $0x5FFFF  }
0xac: {  	[dreg:$0x1] =	wrdreg $0xFFFFFFFF  }
0xad: {  	[dreg:$0x0] =	wrdreg $0x60  }
0xae: {  	[dreg:$0x2] =	wrdreg s24  }
0xaf: {  	[dreg:$0x3] =	wrdreg s2  }
0xb0: {  	[dreg:$0x4] =	wrdreg $0x102000  }
0xb1: {  	[dreg:$0x5] =	wrdreg $0x9  }
0xb2: {  	_ =	task.clear_ibuf [dreg:s7], $0x6FFFF;
	_ =	strace $0x9000004C  }
0xb3: {  	s29 =	simm.s32 $0x9;
	_ =	strace $0x8000004E  }
0xb4: {  	_ =	swait.ge [sflag:s29], $0x1  }
0xb5: {  	[sflag:s29] =	ssyncadd.s32 $0xFFFFFFFF  }
0xb6: {  	_ =	strace $0x9000004E  }
0xb7: {  	_ =	sfence  }
0xb8: {  	s30 =	sld [smem:$0x0];
	_ =	sdelay $0x2  }
0xb9: {  	s31 =	sshll.u32 s1, $0xD;
	s1 =	sshrl.u32 s1, $0x2  }
0xba: {  	s3 =	sand.u32 $0x4000, s31;
	s1 =	sadd.s32 s1, s30  }
0xbb: {  	s0 =	sor.u32 s3, s0;
	s1 =	sshll.u32 s1, $0x11  }
0xbc: {  	s0 =	sor.u32 s1, s0  }
0xbd: {  	s0 =	sadd.s32 $0x8F2B, s0  }
0xbe: {  	[sflag:s0] =	ssyncadd.remote.s32 $0x1  }
0xbf: {  	_ =	sfence.sel $0xFFFF  }
0xc0: {  	[dreg:$0x0] =	wrdreg $0xFFFFFFFF;
	(pc) =	sbr.abs _section_cstart, $3  }
0xc1: {  	[dreg:$0x1] =	wrdreg $0xFFFFFFFF  }
0xc2: {  	_ =	task.clear_ibuf [dreg:s7], $0x2FFFF;
	_ =	strace $0x9FFFFFFF  }
0xc3: {  	(tm) =	ssettm $0x7FFFFFFF  }
tec
execute0_lowered:
.L_overlay_start_1:
0x0: {  	(tag) =	ssettag $0x1  }
0x1: {  	s0 =	rddreg [dreg:$0x0]  }
0x2: {  	s10 =	rddreg [dreg:$0x2];
	s1 =	simm.s32 $0x0  }
0x3: {  	s20 =	srdreg.scid;
	s8 =	stileid.u32;
	s15 =	simm.s32 $0xC200  }
0x4: {  	s16 =	simm.s32 $0x3;
	s17 =	simm.s32 $0x80;
	s22 =	simm.s32 $0x5A00  }
0x5: {  	s23 =	simm.s32 $0x6200;
	s24 =	simm.s32 $0x6A00;
	s25 =	simm.s32 $0x7200  }
0x6: {  	s28 =	simm.s32 $0x8200;
	s29 =	simm.s32 $0x8A00;
	s30 =	simm.s32 $0x9200  }
0x7: {  	s31 =	simm.s32 $0x9A00;
	s12 =	simm.s32 $0x1;
	s13 =	simm.s32 $0x2  }
0x8: {  	s14 =	simm.s32 $0x180;
	[smem:$0x7FF] =	sst s1;
	s1 =	sand.u32 $0x1, s20  }
0x9: {  	s5 =	sadd.s32 $0x3000, s0;
	s6 =	sadd.s32 $0xA3000, s0;
	s7 =	smul.u32 $0xA0, s8  }
0xa: {  	s0 =	sadd.s32 $0x1E3000, s0;
	s4 =	sshll.u32 s8, $0xE;
	s8 =	sor.u32 $0x20, s8  }
0xb: {  	_ =	strace $0x8000004D;
	s2 =	ssub.s32 $0x2, s1;
	s21 =	smul.u32 $0xFFFFEC00, s1  }
0xc: {  	s1 =	smul.u32 $0xA0000, s1;
	s26 =	sor.u32 $0x40000, s4;
	s9 =	sshll.u32 s8, $0xE  }
0xd: {  	s11 =	sadd.s32 s4, s10;
	p0 =	sgt.u32 s8, $0x28;
	p1 =	sgt.u32 s8, $0x27  }
0xe: {  	s8 =	simm.s32 $0xBA00;
	s3 =	sshrl.u32 s2, $0x1;
	s18 =	sadd.s32 s26, s10  }
0xf: {  	s10 =	sadd.s32 s9, s10;
	[dreg:$0x5] =	wrdreg s11;
	s2 =	ssub.s32 s2, s3  }
0x10: {  	s4 =	sadd.s32 s1, s4;
	s3 =	simm.s32 $0xB200;
	[dreg:$0x6] =	wrdreg s18  }
0x11: {  	[dreg:$0x7] =	wrdreg s10;
	s2 =	smax.u32 s2, $0x1;
	s4 =	sshrl.u32 s4, $0x3  }
0x12: {  	[dreg:$0x4] =	wrdreg s2;
	s2 =	sadd.s32 s1, s26;
	s1 =	sadd.s32 s1, s9  }
0x13: {  	s4 =	sadd.s32 s0, s4;
	s26 =	simm.s32 $0x7A00;
	s2 =	sshrl.u32 s2, $0x3  }
0x14: {  	v4 =	vlaneseq.u32;
	v1 =	vimm.f32 $0.0e+00;
	s1 =	sshrl.u32 s1, $0x3;
	[dreg:$0x8] =	wrdreg s4;
	s2 =	sadd.s32 s0, s2  }
0x15: {  	vm0 =	vmmov $0xffff;
	v2 =	vand.u32 $0x7, v4;
	v3 =	vshrl.u32 v4, $0x3;
	s9 =	simm.s32 $0x0;
	s0 =	sadd.s32 s0, s1;
	[dreg:$0x9] =	wrdreg s2  }
0x16: {  	v4 =	vor.u32 $0x8, v4;
	v3 =	vmul.u32 $0x8, v3;
	v0 =	vmov s21;
	s4 =	simm.s32 $0xAA00;
	[dreg:$0xa] =	wrdreg s0;
	s0 =	simm.s32 $0xA200  }
.LBB2_1:
0x17: {  	[dreg:$0xb] =	wrdreg s9;
	s1 =	simm.s32 $0x0;
	s2 =	simm.s32 $0x200  }
.LBB2_2:
0x18: {  	p2 =	sne.s32 s2, $0xFE00;
	[tilespmem:s1+$0xC270] =	vst v1  }
0x19: {  	[tilespmem:s1+$0xC200] =	vst v1  }
0x1a: {  	[tilespmem:s1+$0xC210] =	vst v1  }
.Ltmp0:
0x1b: {  	[tilespmem:s1+$0xC220] =	vst v1;
	(pc) =	sbr.rel @p2 .LBB2_2-.Ltmp0, $4  }
0x1c: {  	[tilespmem:s1+$0xC230] =	vst v1  }
0x1d: {  	[tilespmem:s1+$0xC240] =	vst v1  }
0x1e: {  	[tilespmem:s1+$0xC250] =	vst v1  }
0x1f: {  	[tilespmem:s1+$0xC260] =	vst v1;
	s1 =	sshra.s32 s2, $0x2;
	s2 =	sadd.s32 $0x200, s2  }
0x20: {  	[tilespmem:s1+$0xC270] =	vst v1  }
0x21: {  	[tilespmem:s1+$0xC200] =	vst v1  }
0x22: {  	[tilespmem:s1+$0xC210] =	vst v1  }
0x23: {  	[tilespmem:s1+$0xC220] =	vst v1  }
0x24: {  	[tilespmem:s1+$0xC230] =	vst v1  }
0x25: {  	[tilespmem:s1+$0xC240] =	vst v1  }
0x26: {  	[tilespmem:s1+$0xC250] =	vst v1  }
0x27: {  	[tilespmem:s1+$0xC260] =	vst v1  }
0x28: {  	[spmem:s11] =	stream.linear.scatter [tilespmem:s15], [sflag:$0x3], $0x4000, $0x38;
	[tilespmem:$0x1A600] =	vst v63  }
0x29: {  	_ =	swait.ge [sflag:s16], $0x4000  }
0x2a: {  	[sflag:s16] =	ssyncset.done $0x0  }
0x2b: {  	[sflag:s16] =	ssyncadd.s32 $0xFFFFC000  }
0x2c: {  	[spmem:s18] =	stream.linear.scatter [tilespmem:s15], [sflag:$0x3], $0x4000, $0x38;
	[tilespmem:$0x1A600] =	vst v63  }
0x2d: {  	_ =	swait.ge [sflag:s16], $0x4000  }
0x2e: {  	[sflag:s16] =	ssyncset.done $0x0  }
0x2f: {  	s1 =	simm.s32 @!p0 $0xC200;
	[sflag:s16] =	ssyncadd.s32 $0xFFFFC000  }
0x30: {  	[spmem:s10] =	stream.linear.scatter @!p0 [tilespmem:s1], [sflag:$0x3], $0x4000, $0x38;
	[tilespmem:$0x1A600] =	vst v63  }
0x31: {  	s1 =	simm.s32 @!p0 $0x3  }
0x32: {  	_ =	swait.ge @!p0 [sflag:s1], $0x4000  }
0x33: {  	[sflag:s1] =	ssyncset.done @!p0 $0x0  }
0x34: {  	[sflag:s1] =	ssyncadd.s32 @!p0 $0xFFFFC000  }
0x35: {  	s9 =	simm.s32 $0x0;
	s11 =	simm.s32 $0x0;
	[bflag:$0x0] =	sbarrier.arrive $0xFFFF  }
.LBB2_4:
0x36: {  	s1 =	sadd.s32 s7, s9  }
0x37: {  	s2 =	rddreg [dreg:$0x1];
	s1 =	sshll.u32 s1, $0x4  }
0x38: {  	s1 =	sadd.s32 s2, s1  }
0x39: {  	[tilespmem:s11], [sflag:$0x3] =	stream.linear.gather [hbm4b:s1+s11], $0x80, $0x38;
	[tilespmem:$0x1A600] =	vst v63  }
0x3a: {  	_ =	swait.ge [sflag:s16], $0x80  }
0x3b: {  	[sflag:s16] =	ssyncset.done $0x0  }
0x3c: {  	[sflag:s16] =	ssyncadd.s32 $0xFFFFFF80  }
0x3d: {  	v5 =	vld [tilespmem:$0x0];
	_ =	sdelay $0x1  }
0x3e: {  	v6 =	vld [tilespmem:$0x10];
	_ =	sdelay $0x2  }
0x3f: {  	v7 =	vshrl.u32 v5, $0x1C  }
0x40: {  	v9 =	vld [tilespmem:$0x20];
	v8 =	vshrl.u32 v5, $0xE;
	v7 =	vmul.u32 $0x2800, v7  }
0x41: {  	v10 =	vshrl.u32 v6, $0x1C;
	v8 =	vand.u32 $0x3FFF, v8  }
0x42: {  	v5 =	vand.u32 $0x3FFF, v5;
	v10 =	vmul.u32 $0x2800, v10;
	v8 =	vadd.s32 v8, v7  }
0x43: {  	v11 =	vld [tilespmem:$0x30];
	v7 =	vadd.s32 v5, v7;
	v5 =	vadd.s32 v0, v5;
	[tilespmem:$0x80] =	vst v8;
	v8 =	vshrl.u32 v6, $0xE  }
0x44: {  	[tilespmem:$0x100] =	vst v7;
	v5 =	vmin.u32 v5, $0x1400;
	v6 =	vand.u32 $0x3FFF, v6;
	v7 =	vand.u32 $0x3FFF, v8  }
0x45: {  	[tilespmem:$0x180] =	vst v5;
	v8 =	vshrl.u32 v9, $0x1C;
	v5 =	vadd.s32 v7, v10;
	v7 =	vadd.s32 v6, v10  }
0x46: {  	v60 =	vld [tilespmem:$0x40];
	v8 =	vmul.u32 $0x2800, v8;
	[tilespmem:$0x90] =	vst v5;
	v5 =	vadd.s32 v0, v6;
	v6 =	vshrl.u32 v9, $0xE  }
0x47: {  	[tilespmem:$0x110] =	vst v7;
	v7 =	vand.u32 $0x3FFF, v9;
	v5 =	vmin.u32 v5, $0x1400;
	v6 =	vand.u32 $0x3FFF, v6  }
0x48: {  	[tilespmem:$0x190] =	vst v5;
	v5 =	vadd.s32 v6, v8;
	v6 =	vadd.s32 v7, v8;
	v8 =	vshrl.u32 v11, $0x1C  }
0x49: {  	v61 =	vld [tilespmem:$0x50];
	[tilespmem:$0xA0] =	vst v5;
	v5 =	vadd.s32 v0, v7;
	v7 =	vshrl.u32 v11, $0xE;
	v8 =	vmul.u32 $0x2800, v8  }
0x4a: {  	[tilespmem:$0x120] =	vst v6;
	v5 =	vmin.u32 v5, $0x1400;
	v6 =	vand.u32 $0x3FFF, v7;
	v7 =	vand.u32 $0x3FFF, v11  }
0x4b: {  	[tilespmem:$0x1A0] =	vst v5;
	v5 =	vadd.s32 v6, v8;
	v6 =	vadd.s32 v7, v8;
	v8 =	vshrl.u32 v60, $0x1C  }
0x4c: {  	v62 =	vld [tilespmem:$0x60];
	[tilespmem:$0xB0] =	vst v5;
	v5 =	vadd.s32 v0, v7;
	v7 =	vshrl.u32 v60, $0xE;
	v8 =	vmul.u32 $0x2800, v8  }
0x4d: {  	[tilespmem:$0x130] =	vst v6;
	v5 =	vmin.u32 v5, $0x1400;
	v6 =	vand.u32 $0x3FFF, v7;
	v7 =	vand.u32 $0x3FFF, v60  }
0x4e: {  	[tilespmem:$0x1B0] =	vst v5;
	v5 =	vadd.s32 v6, v8;
	v6 =	vadd.s32 v7, v8;
	v8 =	vshrl.u32 v61, $0x1C  }
0x4f: {  	v63 =	vld [tilespmem:$0x70];
	[tilespmem:$0xC0] =	vst v5;
	v5 =	vadd.s32 v0, v7;
	v7 =	vshrl.u32 v61, $0xE;
	v8 =	vmul.u32 $0x2800, v8  }
0x50: {  	[tilespmem:$0x140] =	vst v6;
	v5 =	vmin.u32 v5, $0x1400;
	v6 =	vand.u32 $0x3FFF, v7;
	v7 =	vand.u32 $0x3FFF, v61  }
0x51: {  	[tilespmem:$0x1C0] =	vst v5;
	v5 =	vadd.s32 v6, v8;
	v6 =	vadd.s32 v7, v8;
	v8 =	vshrl.u32 v62, $0x1C  }
0x52: {  	[tilespmem:$0xD0] =	vst v5;
	v5 =	vadd.s32 v0, v7;
	v7 =	vshrl.u32 v62, $0xE;
	v8 =	vmul.u32 $0x2800, v8  }
0x53: {  	[tilespmem:$0x150] =	vst v6;
	v5 =	vmin.u32 v5, $0x1400;
	v6 =	vand.u32 $0x3FFF, v7;
	v7 =	vand.u32 $0x3FFF, v62  }
0x54: {  	[tilespmem:$0x1D0] =	vst v5;
	v5 =	vadd.s32 v6, v8;
	v6 =	vadd.s32 v7, v8;
	v8 =	vshrl.u32 v63, $0x1C  }
0x55: {  	[tilespmem:$0xE0] =	vst v5;
	v5 =	vadd.s32 v0, v7;
	v7 =	vshrl.u32 v63, $0xE;
	v8 =	vmul.u32 $0x2800, v8  }
0x56: {  	[tilespmem:$0x160] =	vst v6;
	v5 =	vmin.u32 v5, $0x1400;
	v6 =	vand.u32 $0x3FFF, v7  }
0x57: {  	[tilespmem:$0x1E0] =	vst v5;
	v5 =	vand.u32 $0x3FFF, v63;
	v6 =	vadd.s32 v6, v8  }
0x58: {  	[tilespmem:$0xF0] =	vst v6;
	v6 =	vadd.s32 v5, v8;
	v5 =	vadd.s32 v0, v5  }
0x59: {  	[tilespmem:$0x170] =	vst v6;
	v5 =	vmin.u32 v5, $0x1400  }
0x5a: {  	s2 =	simm.s32 $0x200;
	[tilespmem:$0x1F0] =	vst v5  }
0x5b: {  	[tilespmem:s2], [sflag:$0x1] =	stream.indirect.gather [hbm4b:s5+s17], $0x80, s17, s17, $0xb8;
	[tilespmem:$0x1A600] =	vst v63  }
0x5c: {  	v5 =	vld [tilespmem:$0x100];
	_ =	sdelay $0x4  }
0x5d: {  	v6 =	vshll.u32 v5, $0x1  }
0x5e: {  	v5 =	vand.u32 $0x7, v5;
	v6 =	vand.u32 $0xFFFFFFF0, v6  }
0x5f: {  	v5 =	vor.u32 v5, v6  }
0x60: {  	v6 =	vperm.xlane v5, v2;
	_ =	sdelay $0x1  }
0x61: {  	v5 =	vperm.xlane v5, v4;
	v6 =	vadd.s32 v3, v6;
	_ =	sdelay $0x1  }
0x62: {  	v5 =	vadd.s32 v3, v5;
	_ =	sdelay $0x1  }
0x63: {  	s10 =	simm.s32 $0x4200  }
0x64: {  	[tilespmem:s10], [sflag:$0x2] =	stream.indirect_vreg.gather [hbm4b:s6+s11], $0x80, v6, vm0, $0xb8;
	[tilespmem:$0x1A600] =	vst v63  }
0x65: {  	s18 =	simm.s32 $0x4A00  }
0x66: {  	[tilespmem:s18], [sflag:$0x2] =	stream.indirect_vreg.gather [hbm4b:s6+s11], $0x80, v5, vm0, $0xb8;
	[tilespmem:$0x1A600] =	vst v63  }
0x67: {  	v5 =	vld [tilespmem:$0x110];
	_ =	sdelay $0x4  }
0x68: {  	v6 =	vshll.u32 v5, $0x1  }
0x69: {  	v5 =	vand.u32 $0x7, v5;
	v6 =	vand.u32 $0xFFFFFFF0, v6  }
0x6a: {  	v5 =	vor.u32 v5, v6  }
0x6b: {  	v6 =	vperm.xlane v5, v2;
	_ =	sdelay $0x1  }
0x6c: {  	v5 =	vperm.xlane v5, v4;
	v6 =	vadd.s32 v3, v6;
	_ =	sdelay $0x1  }
0x6d: {  	v5 =	vadd.s32 v3, v5;
	_ =	sdelay $0x1  }
0x6e: {  	s19 =	simm.s32 $0x5200  }
0x6f: {  	[tilespmem:s19], [sflag:$0x2] =	stream.indirect_vreg.gather [hbm4b:s6+s11], $0x80, v6, vm0, $0xb8;
	[tilespmem:$0x1A600] =	vst v63  }
0x70: {  	_ = 	snop  }
0x71: {  	[tilespmem:s22], [sflag:$0x2] =	stream.indirect_vreg.gather [hbm4b:s6+s11], $0x80, v5, vm0, $0xb8;
	[tilespmem:$0x1A600] =	vst v63  }
0x72: {  	v5 =	vld [tilespmem:$0x120];
	_ =	sdelay $0x4  }
0x73: {  	v6 =	vshll.u32 v5, $0x1  }
0x74: {  	v5 =	vand.u32 $0x7, v5;
	v6 =	vand.u32 $0xFFFFFFF0, v6  }
0x75: {  	v5 =	vor.u32 v5, v6  }
0x76: {  	v6 =	vperm.xlane v5, v2;
	_ =	sdelay $0x1  }
0x77: {  	v5 =	vperm.xlane v5, v4;
	v6 =	vadd.s32 v3, v6;
	_ =	sdelay $0x1  }
0x78: {  	v5 =	vadd.s32 v3, v5;
	_ =	sdelay $0x2  }
0x79: {  	[tilespmem:s23], [sflag:$0x2] =	stream.indirect_vreg.gather [hbm4b:s6+s11], $0x80, v6, vm0, $0xb8;
	[tilespmem:$0x1A600] =	vst v63  }
0x7a: {  	_ = 	snop  }
0x7b: {  	[tilespmem:s24], [sflag:$0x2] =	stream.indirect_vreg.gather [hbm4b:s6+s11], $0x80, v5, vm0, $0xb8;
	[tilespmem:$0x1A600] =	vst v63  }
0x7c: {  	v5 =	vld [tilespmem:$0x130];
	_ =	sdelay $0x4  }
0x7d: {  	v6 =	vshll.u32 v5, $0x1  }
0x7e: {  	v5 =	vand.u32 $0x7, v5;
	v6 =	vand.u32 $0xFFFFFFF0, v6  }
0x7f: {  	v5 =	vor.u32 v5, v6  }
0x80: {  	v6 =	vperm.xlane v5, v2;
	_ =	sdelay $0x1  }
0x81: {  	v5 =	vperm.xlane v5, v4;
	v6 =	vadd.s32 v3, v6;
	_ =	sdelay $0x1  }
0x82: {  	v5 =	vadd.s32 v3, v5;
	_ =	sdelay $0x2  }
0x83: {  	[tilespmem:s25], [sflag:$0x2] =	stream.indirect_vreg.gather [hbm4b:s6+s11], $0x80, v6, vm0, $0xb8;
	[tilespmem:$0x1A600] =	vst v63  }
0x84: {  	_ = 	snop  }
0x85: {  	[tilespmem:s26], [sflag:$0x2] =	stream.indirect_vreg.gather [hbm4b:s6+s11], $0x80, v5, vm0, $0xb8;
	[tilespmem:$0x1A600] =	vst v63  }
0x86: {  	v5 =	vld [tilespmem:$0x140];
	_ =	sdelay $0x4  }
0x87: {  	v6 =	vshll.u32 v5, $0x1  }
0x88: {  	v5 =	vand.u32 $0x7, v5;
	v6 =	vand.u32 $0xFFFFFFF0, v6  }
0x89: {  	v5 =	vor.u32 v5, v6  }
0x8a: {  	v6 =	vperm.xlane v5, v2;
	_ =	sdelay $0x1  }
0x8b: {  	v5 =	vperm.xlane v5, v4;
	v6 =	vadd.s32 v3, v6;
	_ =	sdelay $0x1  }
0x8c: {  	v5 =	vadd.s32 v3, v5;
	_ =	sdelay $0x2  }
0x8d: {  	[tilespmem:s28], [sflag:$0x2] =	stream.indirect_vreg.gather [hbm4b:s6+s11], $0x80, v6, vm0, $0xb8;
	[tilespmem:$0x1A600] =	vst v63  }
0x8e: {  	_ = 	snop  }
0x8f: {  	[tilespmem:s29], [sflag:$0x2] =	stream.indirect_vreg.gather [hbm4b:s6+s11], $0x80, v5, vm0, $0xb8;
	[tilespmem:$0x1A600] =	vst v63  }
0x90: {  	v5 =	vld [tilespmem:$0x150];
	_ =	sdelay $0x4  }
0x91: {  	v6 =	vshll.u32 v5, $0x1  }
0x92: {  	v5 =	vand.u32 $0x7, v5;
	v6 =	vand.u32 $0xFFFFFFF0, v6  }
0x93: {  	v5 =	vor.u32 v5, v6  }
0x94: {  	v6 =	vperm.xlane v5, v2;
	_ =	sdelay $0x1  }
0x95: {  	v5 =	vperm.xlane v5, v4;
	v6 =	vadd.s32 v3, v6;
	_ =	sdelay $0x1  }
0x96: {  	v5 =	vadd.s32 v3, v5;
	_ =	sdelay $0x2  }
0x97: {  	[tilespmem:s30], [sflag:$0x2] =	stream.indirect_vreg.gather [hbm4b:s6+s11], $0x80, v6, vm0, $0xb8;
	[tilespmem:$0x1A600] =	vst v63  }
0x98: {  	_ = 	snop  }
0x99: {  	[tilespmem:s31], [sflag:$0x2] =	stream.indirect_vreg.gather [hbm4b:s6+s11], $0x80, v5, vm0, $0xb8;
	[tilespmem:$0x1A600] =	vst v63  }
0x9a: {  	v5 =	vld [tilespmem:$0x160];
	_ =	sdelay $0x4  }
0x9b: {  	v6 =	vshll.u32 v5, $0x1  }
0x9c: {  	v5 =	vand.u32 $0x7, v5;
	v6 =	vand.u32 $0xFFFFFFF0, v6  }
0x9d: {  	v5 =	vor.u32 v5, v6  }
0x9e: {  	v6 =	vperm.xlane v5, v2;
	_ =	sdelay $0x1  }
0x9f: {  	v5 =	vperm.xlane v5, v4;
	v6 =	vadd.s32 v3, v6;
	_ =	sdelay $0x1  }
0xa0: {  	v5 =	vadd.s32 v3, v5;
	_ =	sdelay $0x2  }
0xa1: {  	[tilespmem:s0], [sflag:$0x2] =	stream.indirect_vreg.gather [hbm4b:s6+s11], $0x80, v6, vm0, $0xb8;
	[tilespmem:$0x1A600] =	vst v63  }
0xa2: {  	_ = 	snop  }
0xa3: {  	[tilespmem:s4], [sflag:$0x2] =	stream.indirect_vreg.gather [hbm4b:s6+s11], $0x80, v5, vm0, $0xb8;
	[tilespmem:$0x1A600] =	vst v63  }
0xa4: {  	v5 =	vld [tilespmem:$0x170];
	_ =	sdelay $0x4  }
0xa5: {  	v6 =	vshll.u32 v5, $0x1  }
0xa6: {  	v5 =	vand.u32 $0x7, v5;
	v6 =	vand.u32 $0xFFFFFFF0, v6  }
0xa7: {  	v5 =	vor.u32 v5, v6  }
0xa8: {  	v6 =	vperm.xlane v5, v2;
	_ =	sdelay $0x1  }
0xa9: {  	v5 =	vperm.xlane v5, v4;
	v6 =	vadd.s32 v3, v6;
	_ =	sdelay $0x1  }
0xaa: {  	v5 =	vadd.s32 v3, v5;
	_ =	sdelay $0x2  }
0xab: {  	[tilespmem:s3], [sflag:$0x2] =	stream.indirect_vreg.gather [hbm4b:s6+s11], $0x80, v6, vm0, $0xb8;
	[tilespmem:$0x1A600] =	vst v63  }
0xac: {  	_ = 	snop  }
0xad: {  	[tilespmem:s8], [sflag:$0x2] =	stream.indirect_vreg.gather [hbm4b:s6+s11], $0x80, v5, vm0, $0xb8;
	[tilespmem:$0x1A600] =	vst v63  }
0xae: {  	_ =	swait.ge [sflag:s12], $0x4000  }
0xaf: {  	[sflag:s12] =	ssyncset.done $0x0  }
0xb0: {  	[sflag:s12] =	ssyncadd.s32 $0xFFFFC000  }
0xb1: {  	_ =	swait.ge [sflag:s13], $0x8000  }
0xb2: {  	s20 =	sand.u32 $0x7800, s11;
	s21 =	sand.u32 $0x380, s11;
	[sflag:s13] =	ssyncset.done $0x0  }
0xb3: {  	s2 =	sor.u32 s21, s20;
	[sflag:s13] =	ssyncadd.s32 $0xFFFF8000  }
0xb4: {  	s10 =	simm.s32 $0x240;
	v5 =	vld [tilespmem:s2+$0x4600]  }
0xb5: {  	v6 =	vld [tilespmem:s10+$0xFFFFFFC0];
	_ =	sdelay $0x1  }
0xb6: {  	v7 =	vld [tilespmem:s2+$0x4200];
	_ =	sdelay $0x2  }
0xb7: {  	v5 =	vmul.f32 v5, v6;
	_ =	sdelay $0x1  }
0xb8: {  	v5 =	vadd.f32 v5, v7;
	_ =	sdelay $0x1  }
0xb9: {  	s1 =	simm.s32 $0xC240;
	v5 =	vmax.f32 v5, $0.0e+00  }
0xba: {  	[tilespmem:s1+$0xFFFFFFC0] =	vst v5  }
0xbb: {  	v5 =	vld [tilespmem:s10+$0xFFFFFFD0]  }
0xbc: {  	v6 =	vld [tilespmem:s2+$0x4610];
	_ =	sdelay $0x1  }
0xbd: {  	v7 =	vld [tilespmem:s2+$0x4210];
	_ =	sdelay $0x2  }
0xbe: {  	v5 =	vmul.f32 v6, v5;
	_ =	sdelay $0x1  }
0xbf: {  	v5 =	vadd.f32 v5, v7;
	_ =	sdelay $0x1  }
0xc0: {  	v5 =	vmax.f32 v5, $0.0e+00  }
0xc1: {  	[tilespmem:s1+$0xFFFFFFD0] =	vst v5  }
0xc2: {  	v5 =	vld [tilespmem:s10+$0xFFFFFFE0]  }
0xc3: {  	v6 =	vld [tilespmem:s2+$0x4620];
	_ =	sdelay $0x1  }
0xc4: {  	v7 =	vld [tilespmem:s2+$0x4220];
	_ =	sdelay $0x2  }
0xc5: {  	v5 =	vmul.f32 v6, v5;
	_ =	sdelay $0x1  }
0xc6: {  	v5 =	vadd.f32 v5, v7;
	_ =	sdelay $0x1  }
0xc7: {  	v5 =	vmax.f32 v5, $0.0e+00  }
0xc8: {  	[tilespmem:s1+$0xFFFFFFE0] =	vst v5  }
0xc9: {  	v5 =	vld [tilespmem:s10+$0xFFFFFFF0]  }
0xca: {  	v6 =	vld [tilespmem:s2+$0x4630];
	_ =	sdelay $0x1  }
0xcb: {  	v7 =	vld [tilespmem:s2+$0x4230];
	_ =	sdelay $0x2  }
0xcc: {  	v5 =	vmul.f32 v6, v5;
	_ =	sdelay $0x1  }
0xcd: {  	v5 =	vadd.f32 v5, v7;
	_ =	sdelay $0x1  }
0xce: {  	v5 =	vmax.f32 v5, $0.0e+00  }
0xcf: {  	[tilespmem:s1+$0xFFFFFFF0] =	vst v5  }
0xd0: {  	v5 =	vld [tilespmem:s10+$0x0]  }
0xd1: {  	v6 =	vld [tilespmem:s2+$0x4640];
	_ =	sdelay $0x1  }
0xd2: {  	v7 =	vld [tilespmem:s2+$0x4240];
	_ =	sdelay $0x2  }
0xd3: {  	v5 =	vmul.f32 v6, v5;
	_ =	sdelay $0x1  }
0xd4: {  	v5 =	vadd.f32 v5, v7;
	_ =	sdelay $0x1  }
0xd5: {  	v5 =	vmax.f32 v5, $0.0e+00  }
0xd6: {  	[tilespmem:s1+$0x0] =	vst v5  }
0xd7: {  	v5 =	vld [tilespmem:s10+$0x10]  }
0xd8: {  	v6 =	vld [tilespmem:s2+$0x4650];
	_ =	sdelay $0x1  }
0xd9: {  	v7 =	vld [tilespmem:s2+$0x4250];
	_ =	sdelay $0x2  }
0xda: {  	v5 =	vmul.f32 v6, v5;
	_ =	sdelay $0x1  }
0xdb: {  	v5 =	vadd.f32 v5, v7;
	_ =	sdelay $0x1  }
0xdc: {  	v5 =	vmax.f32 v5, $0.0e+00  }
0xdd: {  	[tilespmem:s1+$0x10] =	vst v5  }
0xde: {  	v5 =	vld [tilespmem:s10+$0x20]  }
0xdf: {  	v6 =	vld [tilespmem:s2+$0x4660];
	_ =	sdelay $0x1  }
0xe0: {  	v7 =	vld [tilespmem:s2+$0x4260];
	_ =	sdelay $0x2  }
0xe1: {  	v5 =	vmul.f32 v6, v5;
	_ =	sdelay $0x1  }
0xe2: {  	v5 =	vadd.f32 v5, v7;
	_ =	sdelay $0x1  }
0xe3: {  	v5 =	vmax.f32 v5, $0.0e+00  }
0xe4: {  	[tilespmem:s1+$0x20] =	vst v5  }
0xe5: {  	v5 =	vld [tilespmem:s10+$0x30]  }
0xe6: {  	v6 =	vld [tilespmem:s2+$0x4670]  }
0xe7: {  	s18 =	simm.s32 $0x80;
	s19 =	simm.s32 $0x0;
	v7 =	vld [tilespmem:s2+$0x4270];
	s2 =	simm.s32 $0xC240  }
.LBB2_5:
0xe8: {  	s19 =	sadd.s32 $0x100, s19;
	s10 =	sadd.s32 $0x80, s10;
	s1 =	sadd.s32 $0x80, s1  }
0xe9: {  	p2 =	sne.s32 s18, $0x3F80;
	s20 =	smov.u32 s18;
	s18 =	sadd.s32 $0x80, s18  }
0xea: {  	_ = 	snop  }
0xeb: {  	v5 =	vmul.f32 v6, v5;
	_ =	sdelay $0x1  }
0xec: {  	v5 =	vadd.f32 v5, v7;
	_ =	sdelay $0x1  }
0xed: {  	s21 =	sand.u32 $0x7800, s19;
	s20 =	sand.u32 $0x380, s20;
	v5 =	vmax.f32 v5, $0.0e+00  }
0xee: {  	s20 =	sor.u32 s20, s21;
	[tilespmem:s2+$0x30] =	vst v5;
	s2 =	smov.u32 s1  }
0xef: {  	v5 =	vld [tilespmem:s20+$0x4600]  }
0xf0: {  	v6 =	vld [tilespmem:s10+$0xFFFFFFC0]  }
0xf1: {  	v7 =	vld [tilespmem:s20+$0x4200];
	_ =	sdelay $0x3  }
0xf2: {  	v5 =	vmul.f32 v5, v6;
	_ =	sdelay $0x1  }
0xf3: {  	v5 =	vadd.f32 v5, v7;
	_ =	sdelay $0x1  }
0xf4: {  	v5 =	vmax.f32 v5, $0.0e+00  }
0xf5: {  	[tilespmem:s1+$0xFFFFFFC0] =	vst v5  }
0xf6: {  	v5 =	vld [tilespmem:s10+$0xFFFFFFD0]  }
0xf7: {  	v6 =	vld [tilespmem:s20+$0x4610];
	_ =	sdelay $0x1  }
0xf8: {  	v7 =	vld [tilespmem:s20+$0x4210];
	_ =	sdelay $0x2  }
0xf9: {  	v5 =	vmul.f32 v6, v5;
	_ =	sdelay $0x1  }
0xfa: {  	v5 =	vadd.f32 v5, v7;
	_ =	sdelay $0x1  }
0xfb: {  	v5 =	vmax.f32 v5, $0.0e+00  }
0xfc: {  	[tilespmem:s1+$0xFFFFFFD0] =	vst v5  }
0xfd: {  	v5 =	vld [tilespmem:s10+$0xFFFFFFE0]  }
0xfe: {  	v6 =	vld [tilespmem:s20+$0x4620];
	_ =	sdelay $0x1  }
0xff: {  	v7 =	vld [tilespmem:s20+$0x4220];
	_ =	sdelay $0x2  }
0x100: {  	v5 =	vmul.f32 v6, v5;
	_ =	sdelay $0x1  }
0x101: {  	v5 =	vadd.f32 v5, v7;
	_ =	sdelay $0x1  }
0x102: {  	v5 =	vmax.f32 v5, $0.0e+00  }
0x103: {  	[tilespmem:s1+$0xFFFFFFE0] =	vst v5  }
0x104: {  	v5 =	vld [tilespmem:s10+$0xFFFFFFF0]  }
0x105: {  	v6 =	vld [tilespmem:s20+$0x4630];
	_ =	sdelay $0x1  }
0x106: {  	v7 =	vld [tilespmem:s20+$0x4230];
	_ =	sdelay $0x2  }
0x107: {  	v5 =	vmul.f32 v6, v5;
	_ =	sdelay $0x1  }
0x108: {  	v5 =	vadd.f32 v5, v7;
	_ =	sdelay $0x1  }
0x109: {  	v5 =	vmax.f32 v5, $0.0e+00  }
0x10a: {  	[tilespmem:s1+$0xFFFFFFF0] =	vst v5  }
0x10b: {  	v5 =	vld [tilespmem:s10+$0x0]  }
0x10c: {  	v6 =	vld [tilespmem:s20+$0x4640]  }
0x10d: {  	v7 =	vld [tilespmem:s20+$0x4240];
	_ =	sdelay $0x3  }
0x10e: {  	v5 =	vmul.f32 v6, v5;
	_ =	sdelay $0x1  }
0x10f: {  	v5 =	vadd.f32 v5, v7;
	_ =	sdelay $0x1  }
0x110: {  	v5 =	vmax.f32 v5, $0.0e+00  }
0x111: {  	[tilespmem:s1+$0x0] =	vst v5  }
0x112: {  	v5 =	vld [tilespmem:s10+$0x10]  }
0x113: {  	v6 =	vld [tilespmem:s20+$0x4650]  }
0x114: {  	v7 =	vld [tilespmem:s20+$0x4250];
	_ =	sdelay $0x3  }
0x115: {  	v5 =	vmul.f32 v6, v5;
	_ =	sdelay $0x1  }
0x116: {  	v5 =	vadd.f32 v5, v7;
	_ =	sdelay $0x1  }
0x117: {  	v5 =	vmax.f32 v5, $0.0e+00  }
0x118: {  	[tilespmem:s1+$0x10] =	vst v5  }
0x119: {  	v5 =	vld [tilespmem:s10+$0x20]  }
0x11a: {  	v6 =	vld [tilespmem:s20+$0x4660]  }
0x11b: {  	v7 =	vld [tilespmem:s20+$0x4260];
	_ =	sdelay $0x3  }
0x11c: {  	v5 =	vmul.f32 v6, v5;
	_ =	sdelay $0x1  }
0x11d: {  	v5 =	vadd.f32 v5, v7;
	_ =	sdelay $0x1  }
.Ltmp1:
0x11e: {  	v5 =	vmax.f32 v5, $0.0e+00;
	(pc) =	sbr.rel @p2 .LBB2_5-.Ltmp1, $4  }
0x11f: {  	[tilespmem:s1+$0x20] =	vst v5  }
0x120: {  	v5 =	vld [tilespmem:s10+$0x30]  }
0x121: {  	v6 =	vld [tilespmem:s20+$0x4670]  }
0x122: {  	v7 =	vld [tilespmem:s20+$0x4270]  }
0x123: {  	_ =	sdelay $0x2  }
0x124: {  	v5 =	vmul.f32 v6, v5;
	_ =	sdelay $0x1  }
0x125: {  	v5 =	vadd.f32 v5, v7  }
0x126: {  	s9 =	sadd.s32 $0x1, s9  }
0x127: {  	p2 =	sne.s32 s9, $0xA0;
	v5 =	vmax.f32 v5, $0.0e+00  }
.Ltmp2:
0x128: {  	s1 =	rddreg [dreg:$0x2];
	[tilespmem:s2+$0x30] =	vst v5;
	(pc) =	sbr.rel @p2 .LBB2_4-.Ltmp2, $4  }
0x129: {  	[spmem:s1] =	stream.indirect.scatter.add.f32 [tilespmem:s15], [sflag:$0x3], $0x80, s14, s17, $0xb8;
	[tilespmem:$0x1A600] =	vst v63  }
0x12a: {  	_ =	swait.ge [sflag:s16], $0x4000  }
0x12b: {  	[sflag:s16] =	ssyncset.done $0x0  }
0x12c: {  	[sflag:s16] =	ssyncadd.s32 $0xFFFFC000  }
0x12d: {  	[bflag:$0x0] =	sbarrier.arrive $0xFFFF  }
0x12e: {  	s9 =	simm.s32 $0x4;
	s11 =	rddreg [dreg:$0x5]  }
0x12f: {  	[tilespmem:s15], [sflag:$0x4] =	stream.linear.gather [spmem:s11], $0x4000, $0x38;
	[tilespmem:$0x1A600] =	vst v63  }
0x130: {  	_ =	swait.ge [sflag:s9], $0x4000  }
0x131: {  	[sflag:s9] =	ssyncset.done $0x0  }
0x132: {  	s1 =	simm.s32 $0x0;
	s2 =	rddreg [dreg:$0x8];
	[sflag:s9] =	ssyncadd.s32 $0xFFFFC000  }
0x133: {  	[hbm4b:s2+s1] =	stream.linear.scatter [tilespmem:s15], [sflag:$0x3], $0x4000, $0x38;
	[tilespmem:$0x1A600] =	vst v63  }
0x134: {  	_ =	swait.ge [sflag:s16], $0x4000  }
0x135: {  	[sflag:s16] =	ssyncset.done $0x0  }
0x136: {  	s18 =	rddreg [dreg:$0x6];
	[sflag:s16] =	ssyncadd.s32 $0xFFFFC000  }
0x137: {  	[tilespmem:s15], [sflag:$0x4] =	stream.linear.gather [spmem:s18], $0x4000, $0x38;
	[tilespmem:$0x1A600] =	vst v63  }
0x138: {  	_ =	swait.ge [sflag:s9], $0x4000  }
0x139: {  	[sflag:s9] =	ssyncset.done $0x0  }
0x13a: {  	s19 =	rddreg [dreg:$0x9];
	[sflag:s9] =	ssyncadd.s32 $0xFFFFC000  }
0x13b: {  	[hbm4b:s19+s1] =	stream.linear.scatter [tilespmem:s15], [sflag:$0x3], $0x4000, $0x38;
	[tilespmem:$0x1A600] =	vst v63  }
0x13c: {  	_ =	swait.ge [sflag:s16], $0x4000  }
0x13d: {  	s2 =	simm.s32 @!p1 $0x4;
	[sflag:s16] =	ssyncset.done $0x0  }
0x13e: {  	s1 =	simm.s32 @!p1 $0xC200;
	s10 =	rddreg [dreg:$0x7];
	[sflag:s16] =	ssyncadd.s32 $0xFFFFC000  }
0x13f: {  	[tilespmem:s1], [sflag:$0x4] =	stream.linear.gather @!p1 [spmem:s10], $0x4000, $0x38;
	[tilespmem:$0x1A600] =	vst v63  }
0x140: {  	_ =	swait.ge @!p1 [sflag:s2], $0x4000  }
0x141: {  	[sflag:s2] =	ssyncset.done @!p1 $0x0  }
0x142: {  	s9 =	rddreg [dreg:$0xa];
	[sflag:s2] =	ssyncadd.s32 @!p1 $0xFFFFC000;
	s2 =	simm.s32 @!p1 $0x0  }
0x143: {  	[hbm4b:s9+s2] =	stream.linear.scatter @!p1 [tilespmem:s1], [sflag:$0x3], $0x4000, $0x38;
	[tilespmem:$0x1A600] =	vst v63  }
0x144: {  	s1 =	simm.s32 @!p1 $0x3  }
0x145: {  	_ =	swait.ge @!p1 [sflag:s1], $0x4000  }
0x146: {  	s20 =	rddreg [dreg:$0xb]  }
0x147: {  	s21 =	rddreg [dreg:$0x4];
	s9 =	sadd.s32 $0x1, s20  }
0x148: {  	p2 =	sne.s32 s9, s21  }
.Ltmp3:
0x149: {  	_ = 	snop;
	(pc) =	sbr.rel @p2 .LBB2_1-.Ltmp3, $3  }
0x14a: {  	_ =	sdelay $0x1  }
0x14b: {  	[sflag:s1] =	ssyncset.done @!p1 $0x0  }
0x14c: {  	[sflag:s1] =	ssyncadd.s32 @!p1 $0xFFFFC000  }
0x14d: {  	_ =	sfence.sel $0x180000  }
0x14e: {  	[bflag:$0x0] =	sbarrier.arrive $0xFFFF  }
0x14f: {  	_ =	strace $0x9000004D  }
0x150: {  	s0 =	stileid.u32;
	[bflag:$0x2] =	sbarrier.arrive $0xFFFF  }
0x151: {  	p0 =	sne.s32 s0, $0x0;
	s0 =	rddreg [dreg:$0x3]  }
0x152: {  	s0 =	sadd.s32 @!p0 $0x100000, s0  }
0x153: {  	[sflag:s0] =	ssyncadd.tile.s32 @!p0 $0x1;
	_ =	shalt  }
.Lfunc_end2:
_tile_overlayer_lowered:
.L_overlay_start_2:
0x154: {  	(tag) =	ssettag $0x2  }
0x155: {  	s0 =	rddreg [dreg:$0x0];
	s2 =	stileid.u32  }
0x156: {  	s1 =	rddreg [dreg:$0x1];
	p0 =	sne.s32 s2, $0x0  }
0x157: {  	s3 =	rddreg [dreg:$0x2];
	[bflag:$0x3] =	sbarrier.arrive $0xFFFF;
	s2 =	simm.s32 @!p0 $0x1C03  }
0x158: {  	[timem:s3], [sflag:s2] =	dma.local @!p0 [hbm:s0], s1  }
0x159: {  	s0 =	simm.s32 @!p0 $0x3  }
0x15a: {  	_ =	swait.ge @!p0 [sflag:s0], s1  }
0x15b: {  	s1 =	ssub.s32 @!p0 $0x0, s1;
	[sflag:s0] =	ssyncset.done @!p0 $0x0  }
0x15c: {  	[sflag:s0] =	ssyncadd.s32 @!p0 s1  }
0x15d: {  	[bflag:$0x3] =	sbarrier.arrive $0xFFFF  }
0x15e: {  	_ =	shalt  }

// kernel: kernel.9.cloned.1.call-start
scs
__scs_entry_jumppad:
0x0: {  	(pc) =	sbr.rel $0x88, $3  }
0x1: {  	(tag) =	ssettag $0x0;
	lr =	simm.s32 $0x1  }
0x2: {  	[smem:$0x3F94] =	sst lr;
	_ =	strace $0xD0000000  }
0x3: {  	_ = 	snop  }
0x4: {  	_ = 	snop  }
0x5: {  	_ = 	snop  }
0x6: {  	_ = 	snop  }
0x7: {  	_ = 	snop  }
__scs_overlays_trampoline_lowered:
0x8: {  	[smem:$0x3FA3] =	sst s0  }
0x9: {  	[smem:$0x3FA4] =	sst s1  }
0xa: {  	[smem:$0x3FA5] =	sst s2  }
0xb: {  	[smem:$0x3FA6] =	sst s3  }
0xc: {  	[smem:$0x3FA7] =	sst s4  }
0xd: {  	[smem:$0x3FA8] =	sst s5  }
0xe: {  	[smem:$0x3FA9] =	sst s6  }
0xf: {  	[smem:$0x3FAA] =	sst s7  }
0x10: {  	[smem:$0x3FAB] =	sst s8  }
0x11: {  	[smem:$0x3FAC] =	sst s9;
	s0 =	simm.s32 @!p0 $0x0  }
0x12: {  	s1 =	sld [smem:$0x3F92];
	s0 =	simm.s32 @p0 $0x1  }
0x13: {  	[smem:$0x3FAD] =	sst s0;
	s0 =	simm.s32 @!p1 $0x0  }
0x14: {  	s2 =	sld [smem:$0x3F91];
	s0 =	simm.s32 @p1 $0x1  }
0x15: {  	[smem:$0x3FAE] =	sst s0;
	s0 =	simm.s32 @!p2 $0x0  }
0x16: {  	s3 =	sld [smem:$0x3FDB];
	s0 =	simm.s32 @p2 $0x1  }
0x17: {  	s4 =	simm.s32 $0x1BF5;
	[smem:$0x3FB0] =	sst s0  }
0x18: {  	s0 =	sld [smem:$0x3F93];
	_ =	swait.ge [sflag:s4], $0x0  }
0x19: {  	s7 =	sld [smem:$0x3F94]  }
0x1a: {  	s8 =	sadd.s32 $0xFFFFE003, lr  }
0x1b: {  	s9 =	sadd.s32 $0xFFFFFEF7, lr;
	s5 =	simm.s32 $0xFFFFFFFF;
	p2 =	slt.u32 s8, $0xFFFFF086  }
0x1c: {  	p1 =	slt.u32 s9, $0xF7A;
	s5 =	simm.s32 @!p2 $0x0  }
0x1d: {  	s5 =	simm.s32 @p1 $0x1;
	p0 =	seq.s32 s7, s2  }
0x1e: {  	s7 =	smul.u32 @!p0 $0xF7A, s2;
	p2 =	seq.s32 @!p0 s5, $0x0  }
0x1f: {  	s9 =	smul.u32 $0xF7A, s1;
	s8 =	simm.s32 @!p0 $0x1BF5;
	p2 =	por !p2, p0  }
0x20: {  	[sflag:s8] =	ssyncset.s32 @!p0 $0xFFFFF086;
	s6 =	sadd.s32 @!p0 s3, s7;
	s7 =	simm.s32 @!p0 $0x108  }
0x21: {  	s3 =	sadd.s32 s3, s9;
	s6 =	sadd.s32 @!p0 $0x88, s6;
	s7 =	simm.s32 @p2 $0x1082  }
0x22: {  	[simem:s7], [sflag:s8] =	dma.local @!p0 [hbm:s6], $0xF7A  }
0x23: {  	s9 =	sor.u32 $0xD0000000, s2;
	s6 =	simm.s32 $0x108;
	_ =	swait.ge @!p0 [sflag:s8], $0x0  }
0x24: {  	s3 =	sadd.s32 $0x88, s3;
	s6 =	simm.s32 @!p1 $0x1082;
	[sflag:s4] =	ssyncset.s32 $0xFFFFF086  }
0x25: {  	[simem:s6], [sflag:s4] =	dma.local [hbm:s3], $0xF7A  }
0x26: {  	[smem:$0x3F94] =	sst s1;
	(tag) =	ssettag s2;
	_ =	strace s9  }
0x27: {  	s1 =	sld [smem:$0x3FA4]  }
0x28: {  	s2 =	sld [smem:$0x3FA5]  }
0x29: {  	s4 =	sld [smem:$0x3FA7]  }
0x2a: {  	p0 =	seq.s32 s5, $0x0;
	s5 =	sld [smem:$0x3FA8]  }
0x2b: {  	s6 =	sld [smem:$0x3FA9]  }
0x2c: {  	s7 =	sld [smem:$0x3FAA]  }
0x2d: {  	s3 =	simm.s32 $0x108;
	s8 =	sld [smem:$0x3FAB]  }
0x2e: {  	s3 =	simm.s32 @!p0 $0x1082;
	s9 =	sld [smem:$0x3FAC]  }
0x2f: {  	lr =	sadd.s32 s0, s3;
	s0 =	sld [smem:$0x3FA3]  }
0x30: {  	s3 =	sld [smem:$0x3FA6]  }
0x31: {  	[smem:$0x3FAF] =	sst s10  }
0x32: {  	s10 =	sld [smem:$0x3FAD];
	_ =	sdelay $0x3  }
0x33: {  	p0 =	seq.s32 s10, $0x1;
	s10 =	sld [smem:$0x3FAF];
	_ =	sdelay $0x3  }
0x34: {  	[smem:$0x3FAF] =	sst s10  }
0x35: {  	s10 =	sld [smem:$0x3FAE];
	_ =	sdelay $0x3  }
0x36: {  	p1 =	seq.s32 s10, $0x1;
	s10 =	sld [smem:$0x3FAF];
	_ =	sdelay $0x3  }
0x37: {  	[smem:$0x3FAF] =	sst s10  }
0x38: {  	s10 =	sld [smem:$0x3FB0]  }
0x39: {  	_ = 	snop;
	(pc) =	sbr.ind lr, $3  }
0x3a: {  	_ = 	snop  }
0x3b: {  	_ = 	snop  }
0x3c: {  	p2 =	seq.s32 s10, $0x1;
	s10 =	sld [smem:$0x3FAF]  }
0x3d: {  	_ =	shalt  }
0x3e: {  	_ =	shalt  }
0x3f: {  	_ =	shalt  }
0x40: {  	_ =	shalt  }
0x41: {  	_ =	shalt  }
0x42: {  	_ =	shalt  }
0x43: {  	_ =	shalt  }
0x44: {  	_ =	shalt  }
0x45: {  	_ =	shalt  }
0x46: {  	_ =	shalt  }
0x47: {  	_ =	shalt  }
0x48: {  	_ =	shalt  }
0x49: {  	_ =	shalt  }
0x4a: {  	_ =	shalt  }
0x4b: {  	_ =	shalt  }
0x4c: {  	_ =	shalt  }
0x4d: {  	_ =	shalt  }
0x4e: {  	_ =	shalt  }
0x4f: {  	_ =	shalt  }
0x50: {  	_ =	shalt  }
0x51: {  	_ =	shalt  }
0x52: {  	_ =	shalt  }
0x53: {  	_ =	shalt  }
0x54: {  	_ =	shalt  }
0x55: {  	_ =	shalt  }
0x56: {  	_ =	shalt  }
0x57: {  	_ =	shalt  }
0x58: {  	_ =	shalt  }
0x59: {  	_ =	shalt  }
0x5a: {  	_ =	shalt  }
0x5b: {  	_ =	shalt  }
0x5c: {  	_ =	shalt  }
0x5d: {  	_ =	shalt  }
0x5e: {  	_ =	shalt  }
0x5f: {  	_ =	shalt  }
0x60: {  	_ =	shalt  }
0x61: {  	_ =	shalt  }
0x62: {  	_ =	shalt  }
0x63: {  	_ =	shalt  }
0x64: {  	_ =	shalt  }
0x65: {  	_ =	shalt  }
0x66: {  	_ =	shalt  }
0x67: {  	_ =	shalt  }
0x68: {  	_ =	shalt  }
0x69: {  	_ =	shalt  }
0x6a: {  	_ =	shalt  }
0x6b: {  	_ =	shalt  }
0x6c: {  	_ =	shalt  }
0x6d: {  	_ =	shalt  }
0x6e: {  	_ =	shalt  }
0x6f: {  	_ =	shalt  }
0x70: {  	_ =	shalt  }
0x71: {  	_ =	shalt  }
0x72: {  	_ =	shalt  }
0x73: {  	_ =	shalt  }
0x74: {  	_ =	shalt  }
0x75: {  	_ =	shalt  }
0x76: {  	_ =	shalt  }
0x77: {  	_ =	shalt  }
0x78: {  	_ =	shalt  }
0x79: {  	_ =	shalt  }
0x7a: {  	_ =	shalt  }
0x7b: {  	_ =	shalt  }
0x7c: {  	_ =	shalt  }
0x7d: {  	_ =	shalt  }
0x7e: {  	_ =	shalt  }
0x7f: {  	_ =	shalt  }
0x80: {  	_ =	shalt  }
0x81: {  	_ =	shalt  }
0x82: {  	_ =	shalt  }
0x83: {  	_ =	shalt  }
0x84: {  	_ =	shalt  }
0x85: {  	_ =	shalt  }
0x86: {  	_ =	shalt  }
0x87: {  	_ =	shalt  }
.Lfunc_end0:
.L_simem_size_0:
called_computation_lowered:
.L_overlay_start_0:
0x88: {  	s2 =	sld [smem:$0x3FD9]  }
0x89: {  	s3 =	sld [smem:$0x3FFE];
	_ =	sdelay $0x1  }
0x8a: {  	s1 =	srdreg.scid  }
0x8b: {  	s0 =	sand.u32 $0x1, s1  }
0x8c: {  	s17 =	sshll.u32 s0, $0xA;
	s2 =	sadd.s32 s3, s2  }
0x8d: {  	s2 =	sadd.s32 s2, s17  }
0x8e: {  	[smem:$0x3FBB] =	sst s2  }
0x8f: {  	_ = 	snop  }
0x90: {  	s2 =	sld [smem:$0x3FD0];
	(tm) =	ssettm $0x1  }
0x91: {  	s18 =	sld [smem:$0x3FFB];
	_ =	sdelay $0x3  }
0x92: {  	_ =	strace s18  }
0x93: {  	s3 =	sld [smem:$0x3FFC];
	_ =	sdelay $0x3  }
0x94: {  	_ =	strace s3  }
0x95: {  	s3 =	sld [smem:$0x3FFD];
	_ =	sdelay $0x3  }
0x96: {  	_ =	strace s3  }
0x97: {  	_ =	strace $0x8FFFFFFF  }
0x98: {  	s19 =	sld [smem:$0x3FDB];
	_ =	sdelay $0x1  }
0x99: {  	s4 =	simm.s32 $_scs_section_size  }
0x9a: {  	s5 =	simm.s32 $_size__tile_overlayer_lowered;
	s6 =	simm.s32 $_tile_overlayer_lowered  }
0x9b: {  	s22 =	simm.s32 $0x1BFF;
	s21 =	sshll.u32 s6, $0x1;
	s3 =	sadd.s32 s4, s19  }
0x9c: {  	s7 =	simm.s32 $0x0;
	s20 =	sshll.u32 s5, $0x1;
	s5 =	sadd.s32 s21, s3  }
0x9d: {  	[timem:s7], [sflag:s22] =	dma.local [hbm:s5], s20  }
0x9e: {  	_ =	swait.ge [sflag:s22], s20  }
0x9f: {  	s4 =	ssub.s32 $0x0, s20;
	[sflag:s22] =	ssyncset.done $0x0  }
0xa0: {  	[sflag:s22] =	ssyncadd.s32 s4;
	_ =	sdelay $0x1  }
0xa1: {  	s23 =	simm.s32 $0x1B8B  }
0xa2: {  	_ =	swait.ge [sflag:s23], $0x1  }
0xa3: {  	[sflag:s23] =	ssyncset.done $0x0  }
0xa4: {  	s25 =	simm.s32 $0x1B8E;
	s24 =	sld [smem:$0x3FFE];
	[sflag:s23] =	ssyncadd.s32 $0xFFFFFFFF  }
0xa5: {  	s26 =	simm.s32 $execute0_lowered;
	[smem:$0x3FD2] =	sst s25  }
0xa6: {  	s5 =	sshll.u32 s26, $0x1;
	_ =	strace $0x80000046;
	[dreg:$0x1] =	wrdreg $0xFFFFFFFF  }
0xa7: {  	s28 =	simm.s32 $_size_execute0_lowered;
	s3 =	sadd.s32 s3, s5;
	[dreg:$0x0] =	wrdreg $0x0  }
0xa8: {  	s5 =	sshll.u32 s28, $0x1;
	[dreg:$0x2] =	wrdreg s3  }
0xa9: {  	[dreg:$0x3] =	wrdreg s5  }
0xaa: {  	[dreg:$0x4] =	wrdreg $0xC0  }
0xab: {  	_ =	task [dreg:s7], $0x5FFFF  }
0xac: {  	[dreg:$0x1] =	wrdreg $0xFFFFFFFF  }
0xad: {  	[dreg:$0x0] =	wrdreg $0x60  }
0xae: {  	[dreg:$0x2] =	wrdreg s2  }
0xaf: {  	[dreg:$0x3] =	wrdreg s24  }
0xb0: {  	[dreg:$0x4] =	wrdreg $0x41000  }
0xb1: {  	[dreg:$0x5] =	wrdreg $0x9  }
0xb2: {  	_ =	task.clear_ibuf [dreg:s7], $0x6FFFF;
	_ =	strace $0x90000046  }
0xb3: {  	s29 =	simm.s32 $0x9;
	_ =	strace $0x80000048  }
0xb4: {  	_ =	swait.ge [sflag:s29], $0x1  }
0xb5: {  	[sflag:s29] =	ssyncadd.s32 $0xFFFFFFFF  }
0xb6: {  	_ =	strace $0x90000048  }
0xb7: {  	_ =	sfence  }
0xb8: {  	s30 =	sld [smem:$0x0];
	_ =	sdelay $0x2  }
0xb9: {  	s31 =	sshll.u32 s1, $0xD;
	s1 =	sshrl.u32 s1, $0x2  }
0xba: {  	s3 =	sand.u32 $0x4000, s31;
	s1 =	sadd.s32 s1, s30  }
0xbb: {  	s0 =	sor.u32 s3, s0;
	s1 =	sshll.u32 s1, $0x11  }
0xbc: {  	s0 =	sor.u32 s1, s0  }
0xbd: {  	s0 =	sadd.s32 $0x8F2B, s0  }
0xbe: {  	[sflag:s0] =	ssyncadd.remote.s32 $0x1  }
0xbf: {  	_ =	sfence.sel $0xFFFF  }
0xc0: {  	[dreg:$0x0] =	wrdreg $0xFFFFFFFF;
	(pc) =	sbr.abs _section_cstart, $3  }
0xc1: {  	[dreg:$0x1] =	wrdreg $0xFFFFFFFF  }
0xc2: {  	_ =	task.clear_ibuf [dreg:s7], $0x2FFFF;
	_ =	strace $0x9FFFFFFF  }
0xc3: {  	(tm) =	ssettm $0x7FFFFFFF  }
tec
execute0_lowered:
.L_overlay_start_1:
0x0: {  	(tag) =	ssettag $0x1  }
0x1: {  	s1 =	rddreg [dreg:$0x0]  }
0x2: {  	s6 =	rddreg [dreg:$0x1]  }
0x3: {  	s3 =	rddreg [dreg:$0x2]  }
0x4: {  	s0 =	rddreg [dreg:$0x3];
	s5 =	srdreg.scid  }
0x5: {  	s4 =	simm.s32 $0x0;
	s2 =	stileid.u32;
	s15 =	simm.s32 $0x80  }
0x6: {  	s7 =	sand.u32 $0x1, s5;
	[smem:$0x7FF] =	sst s4;
	s5 =	smul.u32 $0xA0, s2  }
0x7: {  	s12 =	sadd.s32 $0x3000, s6;
	s11 =	sshll.u32 s2, $0xE;
	s17 =	sor.u32 $0x20, s2  }
0x8: {  	s8 =	ssub.s32 $0x2, s7;
	_ =	strace $0x80000047;
	s16 =	smul.u32 $0xFFFFEC00, s7  }
0x9: {  	s10 =	smul.u32 $0xA0000, s7;
	s7 =	sadd.s32 s11, s3;
	s13 =	sor.u32 $0x40000, s11  }
0xa: {  	s14 =	sshll.u32 s17, $0xE;
	p0 =	sgt.u32 s17, $0x28;
	s9 =	sshrl.u32 s8, $0x1  }
0xb: {  	p1 =	sgt.u32 s17, $0x27;
	s17 =	simm.s32 $0x0;
	s29 =	ssub.s32 s8, s9  }
0xc: {  	s8 =	sadd.s32 s13, s3;
	s9 =	sadd.s32 s14, s3;
	s11 =	sadd.s32 s10, s11  }
0xd: {  	s13 =	sadd.s32 s10, s13;
	s14 =	sadd.s32 s10, s14;
	v0 =	vmov s16;
	s16 =	simm.s32 $0x2  }
0xe: {  	s6 =	smax.u32 s29, $0x1;
	s11 =	sshrl.u32 s11, $0x3;
	s30 =	sshrl.u32 s13, $0x3  }
0xf: {  	s31 =	sshrl.u32 s14, $0x3;
	s13 =	simm.s32 $0x100;
	s14 =	simm.s32 $0x1  }
0x10: {  	v1 =	vimm.f32 $0.0e+00;
	v2 =	vlaneseq.u32;
	s10 =	sadd.s32 s12, s11;
	s11 =	sadd.s32 s12, s30;
	s12 =	sadd.s32 s12, s31  }
.LBB2_1:
0x11: {  	s18 =	simm.s32 $0x0;
	s19 =	simm.s32 $0x200  }
.LBB2_2:
0x12: {  	p2 =	sne.s32 s19, $0xFE00;
	[tilespmem:s18+$0x170] =	vst v1  }
0x13: {  	[tilespmem:s18+$0x100] =	vst v1  }
0x14: {  	[tilespmem:s18+$0x110] =	vst v1  }
.Ltmp0:
0x15: {  	[tilespmem:s18+$0x120] =	vst v1;
	(pc) =	sbr.rel @p2 .LBB2_2-.Ltmp0, $4  }
0x16: {  	[tilespmem:s18+$0x130] =	vst v1  }
0x17: {  	[tilespmem:s18+$0x140] =	vst v1  }
0x18: {  	[tilespmem:s18+$0x150] =	vst v1  }
0x19: {  	[tilespmem:s18+$0x160] =	vst v1;
	s18 =	sshra.s32 s19, $0x2;
	s19 =	sadd.s32 $0x200, s19  }
0x1a: {  	[tilespmem:s18+$0x170] =	vst v1  }
0x1b: {  	[tilespmem:s18+$0x100] =	vst v1  }
0x1c: {  	[tilespmem:s18+$0x110] =	vst v1  }
0x1d: {  	[tilespmem:s18+$0x120] =	vst v1  }
0x1e: {  	[tilespmem:s18+$0x130] =	vst v1  }
0x1f: {  	[tilespmem:s18+$0x140] =	vst v1  }
0x20: {  	[tilespmem:s18+$0x150] =	vst v1  }
0x21: {  	[tilespmem:s18+$0x160] =	vst v1  }
0x22: {  	[spmem:s7] =	stream.linear.scatter [tilespmem:s13], [sflag:$0x1], $0x4000, $0x38;
	[tilespmem:$0xE500] =	vst v63  }
0x23: {  	_ =	swait.ge [sflag:s14], $0x4000  }
0x24: {  	[sflag:s14] =	ssyncset.done $0x0  }
0x25: {  	[sflag:s14] =	ssyncadd.s32 $0xFFFFC000  }
0x26: {  	[spmem:s8] =	stream.linear.scatter [tilespmem:s13], [sflag:$0x1], $0x4000, $0x38;
	[tilespmem:$0xE500] =	vst v63  }
0x27: {  	_ =	swait.ge [sflag:s14], $0x4000  }
0x28: {  	[sflag:s14] =	ssyncset.done $0x0  }
0x29: {  	s18 =	simm.s32 @!p0 $0x100;
	[sflag:s14] =	ssyncadd.s32 $0xFFFFC000  }
0x2a: {  	[spmem:s9] =	stream.linear.scatter @!p0 [tilespmem:s18], [sflag:$0x1], $0x4000, $0x38;
	[tilespmem:$0xE500] =	vst v63  }
0x2b: {  	s18 =	simm.s32 @!p0 $0x1  }
0x2c: {  	_ =	swait.ge @!p0 [sflag:s18], $0x4000  }
0x2d: {  	[sflag:s18] =	ssyncset.done @!p0 $0x0  }
0x2e: {  	[sflag:s18] =	ssyncadd.s32 @!p0 $0xFFFFC000  }
0x2f: {  	s19 =	simm.s32 $0x0;
	s18 =	simm.s32 $0x0;
	[bflag:$0x0] =	sbarrier.arrive $0xFFFF  }
.LBB2_4:
0x30: {  	s20 =	sadd.s32 s5, s19  }
0x31: {  	s20 =	sshll.u32 s20, $0x4  }
0x32: {  	s20 =	sadd.s32 s1, s20  }
0x33: {  	[tilespmem:s18], [sflag:$0x1] =	stream.linear.gather [hbm4b:s20+s18], $0x80, $0x38;
	[tilespmem:$0xE500] =	vst v63  }
0x34: {  	_ =	swait.ge [sflag:s14], $0x80  }
0x35: {  	[sflag:s14] =	ssyncset.done $0x0  }
0x36: {  	s21 =	simm.s32 $0x0;
	[sflag:s14] =	ssyncadd.s32 $0xFFFFFF80  }
0x37: {  	v3 =	vld [tilespmem:s21+$0x0];
	_ =	sdelay $0x4  }
0x38: {  	v4 =	vshrl.u32 v3, $0x1C  }
0x39: {  	v5 =	vbroadcast v4, $0x0;
	v6 =	vbroadcast v4, $0x1  }
0x3a: {  	v3 =	vand.u32 $0x3FFF, v3;
	v7 =	vbroadcast v4, $0x2;
	v48 =	vbroadcast v4, $0x3  }
0x3b: {  	v3 =	vadd.s32 v0, v3;
	v49 =	vbroadcast v4, $0x5;
	v8 =	vbroadcast v4, $0x6  }
0x3c: {  	v52 =	vbroadcast v4, $0x8;
	v3 =	vmin.u32 v3, $0x1400;
	vm0 =	veq.s32 v5, v2  }
0x3d: {  	s20 =	simm.s32 $0x500;
	v56 =	vbroadcast v4, $0xA;
	vm1 =	veq.s32 v6, v2;
	[tilespmem:s21+$0x80] =	vst v3;
	v3 =	vsel vm0, $0x3F800000, v1  }
0x3e: {  	v58 =	vbroadcast v4, $0xB;
	vm14 =	veq.s32 v7, v2;
	v6 =	vsel vm1, $0x3F800000, v1;
	[tilespmem:s20+$0xFFFFFC00] =	vst v3  }
0x3f: {  	v60 =	vbroadcast v4, $0xD;
	vm15 =	veq.s32 v48, v2;
	v7 =	vsel vm14, $0x3F800000, v1;
	[tilespmem:s20+$0xFFFFFC80] =	vst v6  }
0x40: {  	vm5 =	veq.s32 v49, v2;
	v50 =	vsel vm15, $0x3F800000, v1;
	v3 =	vbroadcast v4, $0x4;
	[tilespmem:s20+$0xFFFFFD00] =	vst v7  }
0x41: {  	vm6 =	veq.s32 v8, v2;
	vm8 =	veq.s32 v52, v2;
	v53 =	vsel vm5, $0x3F800000, v1;
	[tilespmem:s20+$0xFFFFFD80] =	vst v50  }
0x42: {  	v54 =	vsel vm6, $0x3F800000, v1;
	[tilespmem:s20+$0xFFFFFE80] =	vst v53;
	vm4 =	veq.s32 v3, v2;
	v3 =	vbroadcast v4, $0x7  }
0x43: {  	vm10 =	veq.s32 v56, v2;
	vm11 =	veq.s32 v58, v2;
	v57 =	vsel vm8, $0x3F800000, v1;
	[tilespmem:s20+$0xFFFFFF00] =	vst v54  }
0x44: {  	v61 =	vsel vm10, $0x3F800000, v1;
	[tilespmem:s20+$0x0] =	vst v57;
	vm7 =	veq.s32 v3, v2;
	v3 =	vbroadcast v4, $0x9  }
0x45: {  	vm13 =	veq.s32 v60, v2;
	v62 =	vsel vm11, $0x3F800000, v1;
	[tilespmem:s20+$0x100] =	vst v61  }
0x46: {  	v5 =	vsel vm13, $0x3F800000, v1;
	[tilespmem:s20+$0x180] =	vst v62;
	vm9 =	veq.s32 v3, v2;
	v3 =	vbroadcast v4, $0xC  }
0x47: {  	[tilespmem:s20+$0x280] =	vst v5;
	v51 =	vsel vm4, $0x3F800000, v1  }
0x48: {  	[tilespmem:s20+$0xFFFFFE00] =	vst v51;
	v55 =	vsel vm7, $0x3F800000, v1;
	vm12 =	veq.s32 v3, v2;
	v3 =	vbroadcast v4, $0xE  }
0x49: {  	[tilespmem:s20+$0xFFFFFF80] =	vst v55;
	v59 =	vsel vm9, $0x3F800000, v1;
	v4 =	vbroadcast v4, $0xF  }
0x4a: {  	[tilespmem:s20+$0x80] =	vst v59;
	v63 =	vsel vm12, $0x3F800000, v1;
	vm14 =	veq.s32 v3, v2  }
0x4b: {  	[tilespmem:s20+$0x200] =	vst v63;
	vm15 =	veq.s32 v4, v2;
	v3 =	vsel vm14, $0x3F800000, v1  }
0x4c: {  	[tilespmem:s20+$0x300] =	vst v3;
	v3 =	vsel vm15, $0x3F800000, v1  }
0x4d: {  	s22 =	simm.s32 $0x10;
	s21 =	simm.s32 $0x80;
	[tilespmem:s20+$0x380] =	vst v3  }
.LBB2_5:
0x4e: {  	p2 =	sne.s32 s21, $0x1C0;
	v3 =	vld [tilespmem:s22+$0x0];
	_ =	sdelay $0x4  }
0x4f: {  	v4 =	vshrl.u32 v3, $0x1C  }
0x50: {  	v3 =	vand.u32 $0x3FFF, v3;
	v5 =	vbroadcast v4, $0x0;
	v6 =	vbroadcast v4, $0x1  }
0x51: {  	v3 =	vadd.s32 v0, v3;
	v7 =	vbroadcast v4, $0x2;
	v8 =	vbroadcast v4, $0x3  }
0x52: {  	v3 =	vmin.u32 v3, $0x1400;
	vm0 =	veq.s32 v5, v2;
	vm1 =	veq.s32 v6, v2  }
0x53: {  	s20 =	sadd.s32 $0x800, s20;
	[tilespmem:s22+$0x80] =	vst v3;
	v3 =	vsel vm0, $0x3F800000, v1;
	v5 =	vsel vm1, $0x3F800000, v1;
	vm0 =	veq.s32 v7, v2  }
0x54: {  	v6 =	vbroadcast v4, $0x4;
	[tilespmem:s20+$0xFFFFFC00] =	vst v3;
	v3 =	vsel vm0, $0x3F800000, v1;
	vm0 =	veq.s32 v8, v2  }
0x55: {  	v7 =	vbroadcast v4, $0x5;
	v8 =	vbroadcast v4, $0x6;
	[tilespmem:s20+$0xFFFFFC80] =	vst v5;
	v5 =	vsel vm0, $0x3F800000, v1  }
0x56: {  	vm0 =	veq.s32 v6, v2;
	v6 =	vbroadcast v4, $0x8;
	[tilespmem:s20+$0xFFFFFD00] =	vst v3;
	v3 =	vbroadcast v4, $0x7  }
0x57: {  	vm1 =	veq.s32 v8, v2;
	[tilespmem:s20+$0xFFFFFD80] =	vst v5;
	v5 =	vsel vm0, $0x3F800000, v1;
	vm0 =	veq.s32 v7, v2  }
0x58: {  	v7 =	vsel vm1, $0x3F800000, v1;
	[tilespmem:s20+$0xFFFFFE00] =	vst v5;
	v5 =	vsel vm0, $0x3F800000, v1;
	vm0 =	veq.s32 v3, v2  }
0x59: {  	[tilespmem:s20+$0xFFFFFE80] =	vst v5;
	v3 =	vsel vm0, $0x3F800000, v1;
	vm0 =	veq.s32 v6, v2;
	v5 =	vbroadcast v4, $0x9  }
0x5a: {  	v8 =	vbroadcast v4, $0xB;
	[tilespmem:s20+$0xFFFFFF00] =	vst v7;
	v6 =	vsel vm0, $0x3F800000, v1;
	v7 =	vbroadcast v4, $0xA  }
0x5b: {  	[tilespmem:s20+$0xFFFFFF80] =	vst v3;
	vm0 =	veq.s32 v5, v2;
	v3 =	vbroadcast v4, $0xC;
	v5 =	vbroadcast v4, $0xD  }
0x5c: {  	vm1 =	veq.s32 v8, v2;
	[tilespmem:s20+$0x0] =	vst v6;
	v6 =	vsel vm0, $0x3F800000, v1;
	vm0 =	veq.s32 v7, v2  }
0x5d: {  	v7 =	vsel vm1, $0x3F800000, v1;
	[tilespmem:s20+$0x80] =	vst v6;
	v6 =	vsel vm0, $0x3F800000, v1;
	vm0 =	veq.s32 v3, v2  }
0x5e: {  	[tilespmem:s20+$0x100] =	vst v6;
	v3 =	vsel vm0, $0x3F800000, v1;
	vm0 =	veq.s32 v5, v2;
	v5 =	vbroadcast v4, $0xE  }
.Ltmp1:
0x5f: {  	v4 =	vbroadcast v4, $0xF;
	[tilespmem:s20+$0x180] =	vst v7;
	v6 =	vsel vm0, $0x3F800000, v1;
	(pc) =	sbr.rel @p2 .LBB2_5-.Ltmp1, $4  }
0x60: {  	[tilespmem:s20+$0x200] =	vst v3;
	vm0 =	veq.s32 v5, v2  }
0x61: {  	[tilespmem:s20+$0x280] =	vst v6;
	v3 =	vsel vm0, $0x3F800000, v1;
	vm0 =	veq.s32 v4, v2  }
0x62: {  	[tilespmem:s20+$0x300] =	vst v3;
	v3 =	vsel vm0, $0x3F800000, v1  }
0x63: {  	s22 =	sshra.s32 s21, $0x2;
	s21 =	sadd.s32 $0x40, s21;
	[tilespmem:s20+$0x380] =	vst v3  }
0x64: {  	v3 =	vld [tilespmem:s22+$0x0];
	_ =	sdelay $0x4  }
0x65: {  	v4 =	vshrl.u32 v3, $0x1C  }
0x66: {  	v5 =	vbroadcast v4, $0x0;
	v6 =	vbroadcast v4, $0x1  }
0x67: {  	v3 =	vand.u32 $0x3FFF, v3;
	v7 =	vbroadcast v4, $0x2;
	v48 =	vbroadcast v4, $0x3  }
0x68: {  	v3 =	vadd.s32 v0, v3;
	v49 =	vbroadcast v4, $0x5;
	v8 =	vbroadcast v4, $0x6  }
0x69: {  	v52 =	vbroadcast v4, $0x8;
	v3 =	vmin.u32 v3, $0x1400;
	vm0 =	veq.s32 v5, v2  }
0x6a: {  	s20 =	sadd.s32 $0x800, s20;
	v56 =	vbroadcast v4, $0xA;
	vm1 =	veq.s32 v6, v2;
	[tilespmem:s22+$0x80] =	vst v3;
	v3 =	vsel vm0, $0x3F800000, v1  }
0x6b: {  	v58 =	vbroadcast v4, $0xB;
	vm14 =	veq.s32 v7, v2;
	v6 =	vsel vm1, $0x3F800000, v1;
	[tilespmem:s20+$0xFFFFFC00] =	vst v3  }
0x6c: {  	v60 =	vbroadcast v4, $0xD;
	vm15 =	veq.s32 v48, v2;
	v7 =	vsel vm14, $0x3F800000, v1;
	[tilespmem:s20+$0xFFFFFC80] =	vst v6  }
0x6d: {  	vm5 =	veq.s32 v49, v2;
	v50 =	vsel vm15, $0x3F800000, v1;
	v3 =	vbroadcast v4, $0x4;
	[tilespmem:s20+$0xFFFFFD00] =	vst v7  }
0x6e: {  	vm6 =	veq.s32 v8, v2;
	vm8 =	veq.s32 v52, v2;
	v53 =	vsel vm5, $0x3F800000, v1;
	[tilespmem:s20+$0xFFFFFD80] =	vst v50  }
0x6f: {  	v54 =	vsel vm6, $0x3F800000, v1;
	[tilespmem:s20+$0xFFFFFE80] =	vst v53;
	vm4 =	veq.s32 v3, v2;
	v3 =	vbroadcast v4, $0x7  }
0x70: {  	vm10 =	veq.s32 v56, v2;
	vm11 =	veq.s32 v58, v2;
	v57 =	vsel vm8, $0x3F800000, v1;
	[tilespmem:s20+$0xFFFFFF00] =	vst v54  }
0x71: {  	v61 =	vsel vm10, $0x3F800000, v1;
	[tilespmem:s20+$0x0] =	vst v57;
	vm7 =	veq.s32 v3, v2;
	v3 =	vbroadcast v4, $0x9  }
0x72: {  	vm13 =	veq.s32 v60, v2;
	v62 =	vsel vm11, $0x3F800000, v1;
	[tilespmem:s20+$0x100] =	vst v61  }
0x73: {  	v5 =	vsel vm13, $0x3F800000, v1;
	[tilespmem:s20+$0x180] =	vst v62;
	vm9 =	veq.s32 v3, v2;
	v3 =	vbroadcast v4, $0xC  }
0x74: {  	[tilespmem:s20+$0x280] =	vst v5;
	v51 =	vsel vm4, $0x3F800000, v1  }
0x75: {  	[tilespmem:s20+$0xFFFFFE00] =	vst v51;
	v55 =	vsel vm7, $0x3F800000, v1;
	vm12 =	veq.s32 v3, v2;
	v3 =	vbroadcast v4, $0xE  }
0x76: {  	[tilespmem:s20+$0xFFFFFF80] =	vst v55;
	v59 =	vsel vm9, $0x3F800000, v1;
	v4 =	vbroadcast v4, $0xF  }
0x77: {  	[tilespmem:s20+$0x80] =	vst v59;
	v63 =	vsel vm12, $0x3F800000, v1;
	vm14 =	veq.s32 v3, v2  }
0x78: {  	s19 =	sadd.s32 $0x1, s19;
	[tilespmem:s20+$0x200] =	vst v63;
	vm15 =	veq.s32 v4, v2;
	v3 =	vsel vm14, $0x3F800000, v1  }
0x79: {  	p2 =	sne.s32 s19, $0xA0;
	[tilespmem:s20+$0x300] =	vst v3;
	v3 =	vsel vm15, $0x3F800000, v1  }
.Ltmp2:
0x7a: {  	[tilespmem:s20+$0x380] =	vst v3;
	(pc) =	sbr.rel @p2 .LBB2_4-.Ltmp2, $4  }
0x7b: {  	[spmem:s3] =	stream.indirect.scatter.add.f32 [tilespmem:s13], [sflag:$0x1], $0x80, s15, s15, $0xb8;
	[tilespmem:$0xE500] =	vst v63  }
0x7c: {  	_ =	swait.ge [sflag:s14], $0x4000  }
0x7d: {  	[sflag:s14] =	ssyncset.done $0x0  }
0x7e: {  	[sflag:s14] =	ssyncadd.s32 $0xFFFFC000  }
0x7f: {  	[bflag:$0x0] =	sbarrier.arrive $0xFFFF  }
0x80: {  	[tilespmem:s13], [sflag:$0x2] =	stream.linear.gather [spmem:s7], $0x4000, $0x38;
	[tilespmem:$0xE500] =	vst v63  }
0x81: {  	_ =	swait.ge [sflag:s16], $0x4000  }
0x82: {  	[sflag:s16] =	ssyncset.done $0x0  }
0x83: {  	[sflag:s16] =	ssyncadd.s32 $0xFFFFC000  }
0x84: {  	[hbm4b:s10+s4] =	stream.linear.scatter [tilespmem:s13], [sflag:$0x1], $0x4000, $0x38;
	[tilespmem:$0xE500] =	vst v63  }
0x85: {  	_ =	swait.ge [sflag:s14], $0x4000  }
0x86: {  	[sflag:s14] =	ssyncset.done $0x0  }
0x87: {  	[sflag:s14] =	ssyncadd.s32 $0xFFFFC000  }
0x88: {  	[tilespmem:s13], [sflag:$0x2] =	stream.linear.gather [spmem:s8], $0x4000, $0x38;
	[tilespmem:$0xE500] =	vst v63  }
0x89: {  	_ =	swait.ge [sflag:s16], $0x4000  }
0x8a: {  	[sflag:s16] =	ssyncset.done $0x0  }
0x8b: {  	[sflag:s16] =	ssyncadd.s32 $0xFFFFC000  }
0x8c: {  	[hbm4b:s11+s4] =	stream.linear.scatter [tilespmem:s13], [sflag:$0x1], $0x4000, $0x38;
	[tilespmem:$0xE500] =	vst v63  }
0x8d: {  	_ =	swait.ge [sflag:s14], $0x4000  }
0x8e: {  	[sflag:s14] =	ssyncset.done $0x0  }
0x8f: {  	s18 =	simm.s32 @!p1 $0x100;
	s19 =	simm.s32 @!p1 $0x2;
	[sflag:s14] =	ssyncadd.s32 $0xFFFFC000  }
0x90: {  	[tilespmem:s18], [sflag:$0x2] =	stream.linear.gather @!p1 [spmem:s9], $0x4000, $0x38;
	[tilespmem:$0xE500] =	vst v63  }
0x91: {  	_ =	swait.ge @!p1 [sflag:s19], $0x4000  }
0x92: {  	s17 =	sadd.s32 $0x1, s17;
	[sflag:s19] =	ssyncset.done @!p1 $0x0  }
0x93: {  	p2 =	sne.s32 s17, s6;
	[sflag:s19] =	ssyncadd.s32 @!p1 $0xFFFFC000;
	s19 =	simm.s32 @!p1 $0x0  }
0x94: {  	[hbm4b:s12+s19] =	stream.linear.scatter @!p1 [tilespmem:s18], [sflag:$0x1], $0x4000, $0x38;
	[tilespmem:$0xE500] =	vst v63  }
.Ltmp3:
0x95: {  	_ = 	snop;
	(pc) =	sbr.rel @p2 .LBB2_1-.Ltmp3, $4  }
0x96: {  	s18 =	simm.s32 @!p1 $0x1  }
0x97: {  	_ =	swait.ge @!p1 [sflag:s18], $0x4000  }
0x98: {  	[sflag:s18] =	ssyncset.done @!p1 $0x0  }
0x99: {  	[sflag:s18] =	ssyncadd.s32 @!p1 $0xFFFFC000  }
0x9a: {  	_ =	sfence.sel $0x180000  }
0x9b: {  	[bflag:$0x0] =	sbarrier.arrive $0xFFFF  }
0x9c: {  	p0 =	sne.s32 s2, $0x0;
	_ =	strace $0x90000047  }
0x9d: {  	s0 =	sadd.s32 @!p0 $0x100000, s0;
	[bflag:$0x2] =	sbarrier.arrive $0xFFFF  }
0x9e: {  	[sflag:s0] =	ssyncadd.tile.s32 @!p0 $0x1;
	_ =	shalt  }
.Lfunc_end2:
_tile_overlayer_lowered:
.L_overlay_start_2:
0x9f: {  	(tag) =	ssettag $0x2  }
0xa0: {  	s0 =	rddreg [dreg:$0x0];
	s2 =	stileid.u32  }
0xa1: {  	s1 =	rddreg [dreg:$0x1];
	p0 =	sne.s32 s2, $0x0  }
0xa2: {  	s3 =	rddreg [dreg:$0x2];
	[bflag:$0x3] =	sbarrier.arrive $0xFFFF;
	s2 =	simm.s32 @!p0 $0x1C01  }
0xa3: {  	[timem:s3], [sflag:s2] =	dma.local @!p0 [hbm:s0], s1  }
0xa4: {  	s0 =	simm.s32 @!p0 $0x1  }
0xa5: {  	_ =	swait.ge @!p0 [sflag:s0], s1  }
0xa6: {  	s1 =	ssub.s32 @!p0 $0x0, s1;
	[sflag:s0] =	ssyncset.done @!p0 $0x0  }
0xa7: {  	[sflag:s0] =	ssyncadd.s32 @!p0 s1  }
0xa8: {  	[bflag:$0x3] =	sbarrier.arrive $0xFFFF  }
0xa9: {  	_ =	shalt  }

</sc_bundles>
